<compile_context>
chip_gen: v7x
topology: tpu7x:2x2x1
jax: 0.10.2.dev20260603
libtpu: 0.0.44.dev20260713+nightly
codegen_flags: <defaults>
</compile_context>

<pallas_src>
import jax
import jax.numpy as jnp
from jax import lax
from jax.experimental import pallas as pl
from jax.experimental.pallas import tpu as pltpu
from jax.experimental.pallas import tpu_sc as plsc

N_NODES = 10000
HROW = 640
NPAD = HROW * 16
NC, NS = 2, 16
NW = NC * NS
IDXB = 128
NB = 84
PER_TILE = NB * IDXB
E_PAD = NW * PER_TILE
NBATCH = E_PAD // IDXB
NB0 = 84
NB1 = (NBATCH - NS * NB0) // NS
BM = 2000



_SC_PARAMS = pltpu.CompilerParams(needs_layout_passes=False,
                                  use_tc_tiling_on_sc=False)


def _deg_body(col_hbm, idx_hbm, zeros_hbm, deg_hbm, colbuf, hist_v, idxv, shist):
    c = lax.axis_index("c")
    s = lax.axis_index("s")
    tid = c * NS + s
    pltpu.sync_copy(zeros_hbm, hist_v)
    pltpu.sync_copy(idx_hbm, idxv)
    pltpu.sync_copy(col_hbm.at[tid], colbuf)

    @pl.when(s == 0)
    def _():
        pltpu.sync_copy(zeros_hbm, shist)

    plsc.subcore_barrier()

    def outer(j, carry):
        def inner(l, carry):
            idx = colbuf[j, pl.ds(l * 16, 16)]
            cnt, last = plsc.scan_count(idx)
            hi = lax.shift_right_logical(idx, 4)
            lo = lax.bitwise_and(idx, 15)
            plsc.addupdate_scatter(hist_v, [hi, lo], cnt.astype(jnp.float32),
                                   mask=last)
            return carry
        return lax.fori_loop(0, IDXB // 16, inner, carry)

    lax.fori_loop(0, NB, outer, 0)

    for j in range(HROW // IDXB):
        pltpu.sync_copy(hist_v.at[pl.ds(j * IDXB, IDXB)],
                        shist.at[idxv.at[j]], add=True)
    plsc.subcore_barrier()

    @pl.when(s == 0)
    def _():
        pltpu.sync_copy(shist, deg_hbm.at[pl.ds(c * HROW, HROW)])


_deg_call = pl.kernel(
    _deg_body,
    out_type=jax.ShapeDtypeStruct((NC * HROW, 16), jnp.float32),
    mesh=plsc.VectorSubcoreMesh(core_axis_name="c", subcore_axis_name="s"),
    compiler_params=_SC_PARAMS,
    scratch_types=[
        pltpu.VMEM((NB, IDXB), jnp.int32),
        pltpu.VMEM((HROW, 16), jnp.float32),
        pltpu.VMEM((HROW // IDXB, IDXB), jnp.int32),
        pltpu.VMEM_SHARED((HROW, 16), jnp.float32),
    ],
)


NRING = 4


def _mp_body(xs_hbm, row_hbm, col_hbm, zeros_hbm, acc_hbm,
             rbuf, cbuf, g0, g1, g2, g3, acc_s, gsem, ssem):
    c = lax.axis_index("c")
    s = lax.axis_index("s")
    bufs = (g0, g1, g2, g3)
    start = pl.multiple_of(jnp.where(c == 0, s * NB0, NS * NB0 + s * NB1), 8)
    nb = jnp.where(c == 0, NB0, NB1)
    pltpu.sync_copy(row_hbm.at[pl.ds(start, NB1)], rbuf)
    pltpu.sync_copy(col_hbm.at[pl.ds(start, NB1)], cbuf)
    rows_per_tile = NPAD // NS
    pltpu.sync_copy(zeros_hbm.at[pl.ds(s * rows_per_tile, rows_per_tile)],
                    acc_s.at[pl.ds(s * rows_per_tile, rows_per_tile)])
    plsc.subcore_barrier()

    def wait_scat(buf):
        pltpu.make_async_copy(buf, acc_s.at[cbuf.at[0]], ssem).wait()

    for b in range(NRING):
        pltpu.async_copy(xs_hbm.at[rbuf.at[b]], bufs[b], gsem)

    def body(q, carry):
        j = q * NRING
        for b in range(NRING):
            pltpu.make_async_copy(xs_hbm.at[rbuf.at[j + b]], bufs[b],
                                  gsem).wait()
            pltpu.async_copy(bufs[b], acc_s.at[cbuf.at[j + b]], ssem,
                             add=True)
        for b in range(NRING):
            jn = j + NRING + b

            @pl.when(jn < nb)
            def _():
                wait_scat(bufs[b])
                pltpu.async_copy(xs_hbm.at[rbuf.at[jn]], bufs[b], gsem)

        return carry

    lax.fori_loop(0, nb // NRING, body, 0)
    for b in range(NRING):
        wait_scat(bufs[b])
    plsc.subcore_barrier()
    pltpu.sync_copy(acc_s.at[pl.ds(s * rows_per_tile, rows_per_tile)],
                    acc_hbm.at[pl.ds(c * NPAD + s * rows_per_tile,
                                     rows_per_tile)])


def _make_mp_call(feat):
    return pl.kernel(
        _mp_body,
        out_type=jax.ShapeDtypeStruct((NC * NPAD, feat), jnp.float32),
        mesh=plsc.VectorSubcoreMesh(core_axis_name="c", subcore_axis_name="s"),
        compiler_params=_SC_PARAMS,
        scratch_types=[
            pltpu.VMEM((NB1, IDXB), jnp.int32),
            pltpu.VMEM((NB1, IDXB), jnp.int32),
            pltpu.VMEM((IDXB, feat), jnp.float32),
            pltpu.VMEM((IDXB, feat), jnp.float32),
            pltpu.VMEM((IDXB, feat), jnp.float32),
            pltpu.VMEM((IDXB, feat), jnp.float32),
            pltpu.VMEM_SHARED((NPAD, feat), jnp.float32),
            pltpu.SemaphoreType.DMA,
            pltpu.SemaphoreType.DMA,
        ],
    )


_mp_calls = {feat: _make_mp_call(feat) for feat in (64, 32, 16)}



def _dis_block(deg):
    d = deg[:, 0] + deg[:, 1]
    return jnp.where(d > 0, lax.rsqrt(d), 0.0)[:, None]


def _mm1_body(deg_ref, x_ref, w_ref, o_ref):
    dis = _dis_block(deg_ref[...])
    o_ref[...] = dis * jnp.dot(x_ref[...], w_ref[...],
                               preferred_element_type=jnp.float32)


def _mid_body(deg_ref, a0_ref, a1_ref, b_ref, w_ref, o_ref):
    dis = _dis_block(deg_ref[...])
    h = jnp.maximum(dis * (a0_ref[...] + a1_ref[...]) + b_ref[...], 0.0)
    o_ref[...] = dis * jnp.dot(h, w_ref[...],
                               preferred_element_type=jnp.float32)


def _fin_body(deg_ref, a0_ref, a1_ref, b_ref, o_ref):
    dis = _dis_block(deg_ref[...])
    o_ref[...] = dis * (a0_ref[...] + a1_ref[...]) + b_ref[...]


def _row_spec(feat):
    return pl.BlockSpec((BM, feat), lambda m: (m, 0))


_DEG_SPEC = pl.BlockSpec((BM, 2), lambda m: (m, 0))
_GRID = (N_NODES // BM,)


def _mm1(deg, x, w):
    fin, fout = w.shape
    return pl.pallas_call(
        _mm1_body,
        grid=_GRID,
        in_specs=[_DEG_SPEC, _row_spec(fin),
                  pl.BlockSpec((fin, fout), lambda m: (0, 0))],
        out_specs=_row_spec(fout),
        out_shape=jax.ShapeDtypeStruct((N_NODES, fout), jnp.float32),
    )(deg, x, w)


def _mid(deg, a0, a1, b, w):
    fin, fout = w.shape
    return pl.pallas_call(
        _mid_body,
        grid=_GRID,
        in_specs=[_DEG_SPEC, _row_spec(fin), _row_spec(fin),
                  pl.BlockSpec((1, fin), lambda m: (0, 0)),
                  pl.BlockSpec((fin, fout), lambda m: (0, 0))],
        out_specs=_row_spec(fout),
        out_shape=jax.ShapeDtypeStruct((N_NODES, fout), jnp.float32),
    )(deg, a0, a1, b, w)


def _fin(deg, a0, a1, b):
    feat = a0.shape[1]
    return pl.pallas_call(
        _fin_body,
        grid=_GRID,
        in_specs=[_DEG_SPEC, _row_spec(feat), _row_spec(feat),
                  pl.BlockSpec((1, feat), lambda m: (0, 0))],
        out_specs=_row_spec(feat),
        out_shape=jax.ShapeDtypeStruct((N_NODES, feat), jnp.float32),
    )(deg, a0, a1, b)



def kernel(x, edge_index, W1, b1, W2, b2, W3, b3):
    n = x.shape[0]
    loop = jnp.arange(n, dtype=jnp.int32)
    row = jnp.concatenate([edge_index[0], loop])
    col = jnp.concatenate([edge_index[1], loop])
    npadding = E_PAD - row.shape[0]
    row_f = jnp.concatenate([row, jnp.zeros((npadding,), jnp.int32)])
    col_f = jnp.concatenate([col, jnp.full((npadding,), n, jnp.int32)])
    col_p3 = col_f.reshape(NW, NB, IDXB)
    row_p = row_f.reshape(NBATCH, IDXB)
    col_p = col_f.reshape(NBATCH, IDXB)
    idx_rows = jnp.arange(HROW, dtype=jnp.int32).reshape(HROW // IDXB, IDXB)
    zeros_deg = jnp.zeros((HROW, 16), jnp.float32)

    deg2 = _deg_call(col_p3, idx_rows, zeros_deg)
    deg2 = deg2.reshape(NC, NPAD)[:, :n].T

    def agg(xs):
        feat = xs.shape[1]
        accf = _mp_calls[feat](xs, row_p, col_p,
                               jnp.zeros((NPAD, feat), jnp.float32))
        return accf[:n], accf[NPAD:NPAD + n]

    fo3 = W3.shape[1]
    W3p = jnp.pad(W3, ((0, 0), (0, 16 - fo3)))
    b3p = jnp.pad(b3, (0, 16 - fo3))

    a0, a1 = agg(_mm1(deg2, x, W1))
    a0, a1 = agg(_mid(deg2, a0, a1, b1.reshape(1, -1), W2))
    a0, a1 = agg(_mid(deg2, a0, a1, b2.reshape(1, -1), W3p))
    return _fin(deg2, a0, a1, b3p.reshape(1, -1))[:, :fo3]

# --- scband reference (transcript-rebuilt; emitter-appended) ---
"""Pipeline reference for scband-fbgcn-36180804502072 (READ-ONLY COPY).

The authoritative reference and input builder live on the scoring server;
editing this copy changes nothing except your own understanding.
"""

import jax, jax.numpy as jnp
import numpy as np

N = 10000
E = 320000

def setup_inputs(seed: int = 0) -> dict:
    key = jax.random.key(seed)
    ks = jax.random.split(key, 9)
    x = jax.random.normal(ks[0], (N, 128), dtype=jnp.float32)
    edge_index = jax.random.randint(ks[1], (2, E), 0, N, dtype=jnp.int32)
    W1 = jax.random.normal(ks[2], (128, 64), dtype=jnp.float32) * (1.0 / np.sqrt(128))
    b1 = jnp.zeros((64,), dtype=jnp.float32)
    W2 = jax.random.normal(ks[3], (64, 32), dtype=jnp.float32) * (1.0 / np.sqrt(64))
    b2 = jnp.zeros((32,), dtype=jnp.float32)
    W3 = jax.random.normal(ks[4], (32, 4), dtype=jnp.float32) * (1.0 / np.sqrt(32))
    b3 = jnp.zeros((4,), dtype=jnp.float32)
    return {"x": x, "edge_index": edge_index, "W1": W1, "b1": b1, "W2": W2, "b2": b2, "W3": W3, "b3": b3}


def _gcn_norm(edge_index):
    # add self loops (GCNConv default add_self_loops=True), edge_weight=None -> ones
    loop = jnp.arange(N, dtype=edge_index.dtype)
    row = jnp.concatenate([edge_index[0], loop])
    col = jnp.concatenate([edge_index[1], loop])
    ew = jnp.ones(row.shape[0], dtype=jnp.float32)
    deg = jnp.zeros((N,), dtype=jnp.float32).at[col].add(ew)
    deg_inv_sqrt = jnp.where(deg > 0, deg ** -0.5, 0.0)
    norm = deg_inv_sqrt[row] * ew * deg_inv_sqrt[col]
    return row, col, norm


def _gcn_conv(x, row, col, norm, W, b):
    xw = x @ W
    msg = norm[:, None] * xw[row]
    out = jnp.zeros((N, W.shape[1]), dtype=x.dtype).at[col].add(msg)
    return out + b


def reference(x, edge_index, W1, b1, W2, b2, W3, b3):
    # cached=True: normalization computed once and reused across layers
    row, col, norm = _gcn_norm(edge_index)
    h = jax.nn.relu(_gcn_conv(x, row, col, norm, W1, b1))
    # dropout is identity in eval mode
    h = jax.nn.relu(_gcn_conv(h, row, col, norm, W2, b2))
    h = _gcn_conv(h, row, col, norm, W3, b3)
    return h

if __name__ == "__main__":
    import jax
    _d = setup_inputs()
    print(jax.jit(kernel)(*tuple(_d.values())))

</pallas_src>

<mosaic_0001>
#map = affine_map<(d0, d1) -> (0, 0)>
module attributes {stable_mosaic.version = 14 : i64} {
  func.func @_mp_body(%arg0: i32, %arg1: i32, %arg2: memref<10000x32xf32, #tpu.memory_space<hbm>>, %arg3: memref<2688x128xi32, #tpu.memory_space<hbm>>, %arg4: memref<2688x128xi32, #tpu.memory_space<hbm>>, %arg5: memref<10240x32xf32, #tpu.memory_space<hbm>>, %arg6: memref<20480x32xf32, #tpu.memory_space<hbm>>, %arg7: memref<84x128xi32, #tpu.memory_space<vmem>>, %arg8: memref<84x128xi32, #tpu.memory_space<vmem>>, %arg9: memref<128x32xf32, #tpu.memory_space<vmem>>, %arg10: memref<128x32xf32, #tpu.memory_space<vmem>>, %arg11: memref<128x32xf32, #tpu.memory_space<vmem>>, %arg12: memref<128x32xf32, #tpu.memory_space<vmem>>, %arg13: memref<10240x32xf32, #tpu.memory_space<vmem_shared>>, %arg14: memref<!tpu.dma_semaphore, #tpu.memory_space<semaphore_mem>>, %arg15: memref<!tpu.dma_semaphore, #tpu.memory_space<semaphore_mem>>) attributes {dimension_semantics = [#tpu.dimension_semantics<core_parallel>, #tpu.dimension_semantics<subcore_parallel>], iteration_bounds = array<i64: 2, 16>, scalar_prefetch = 0 : i64, scratch_operands = 9 : i64, tpu.core_type = #tpu.core_type<sc_vector_subcore>, window_params = [{transform_indices = #map}, {transform_indices = #map}, {transform_indices = #map}, {transform_indices = #map}, {transform_indices = #map}]} {
    %eq3A = arith.constant 0 : i32
    %eq3A_0 = arith.cmpi eq, %arg0, %eq3A : i32
    %mul3A = arith.constant 84 : i32
    %mul3A_1 = arith.muli %arg1, %mul3A : i32
    %mul3A_2 = arith.constant 84 : i32
    %mul3A_3 = arith.muli %arg1, %mul3A_2 : i32
    %add3A = arith.constant 1344 : i32
    %add3A_4 = arith.addi %add3A, %mul3A_3 : i32
    %select_n3A = arith.select %eq3A_0, %mul3A_1, %add3A_4 : i32
    %multiple_of3A = tpu.assume_multiple %select_n3A, 8 : i32
    %eq3A_5 = arith.constant 0 : i32
    %eq3A_6 = arith.cmpi eq, %arg0, %eq3A_5 : i32
    %jit3A = arith.constant 84 : i32
    %jit3A_7 = arith.constant 84 : i32
    %select_n3A_8 = arith.select %eq3A_6, %jit3A, %jit3A_7 : i32
    "tpu.region"() ({
      %run_scoped3A = tpu.sem_alloc : memref<!tpu.dma_semaphore, #tpu.memory_space<semaphore_mem>>
      %dma_start3A_102 = arith.constant 0 : i32
      %dma_start3A_103 = tpu.memref_slice %arg3[%multiple_of3A, %dma_start3A_102] : memref<2688x128xi32, #tpu.memory_space<hbm>> -> memref<84x128xi32, #tpu.memory_space<hbm>>
      %dma_start3A_104 = arith.constant 0 : i32
      %dma_start3A_105 = tpu.memref_slice %arg3[%multiple_of3A, %dma_start3A_104] : memref<2688x128xi32, #tpu.memory_space<hbm>> -> memref<84x128xi32, #tpu.memory_space<hbm>>
      tpu.enqueue_dma source(%dma_start3A_105 : memref<84x128xi32, #tpu.memory_space<hbm>>) target(%arg7 : memref<84x128xi32, #tpu.memory_space<vmem>>) target_semaphore(%run_scoped3A : memref<!tpu.dma_semaphore, #tpu.memory_space<semaphore_mem>>)
      %dma_wait3A_106 = arith.constant 0 : i32
      %dma_wait3A_107 = tpu.memref_slice %arg3[%multiple_of3A, %dma_wait3A_106] : memref<2688x128xi32, #tpu.memory_space<hbm>> -> memref<84x128xi32, #tpu.memory_space<hbm>>
      %dma_wait3A_108 = arith.constant 0 : i32
      %dma_wait3A_109 = tpu.memref_slice %arg3[%multiple_of3A, %dma_wait3A_108] : memref<2688x128xi32, #tpu.memory_space<hbm>> -> memref<84x128xi32, #tpu.memory_space<hbm>>
      tpu.wait_dma2 semaphore(%run_scoped3A : memref<!tpu.dma_semaphore, #tpu.memory_space<semaphore_mem>>) src(%dma_wait3A_109 : memref<84x128xi32, #tpu.memory_space<hbm>>) dst(%arg7 : memref<84x128xi32, #tpu.memory_space<vmem>>)
      tpu.yield
    }) : () -> ()
    "tpu.region"() ({
      %run_scoped3A = tpu.sem_alloc : memref<!tpu.dma_semaphore, #tpu.memory_space<semaphore_mem>>
      %dma_start3A_102 = arith.constant 0 : i32
      %dma_start3A_103 = tpu.memref_slice %arg4[%multiple_of3A, %dma_start3A_102] : memref<2688x128xi32, #tpu.memory_space<hbm>> -> memref<84x128xi32, #tpu.memory_space<hbm>>
      %dma_start3A_104 = arith.constant 0 : i32
      %dma_start3A_105 = tpu.memref_slice %arg4[%multiple_of3A, %dma_start3A_104] : memref<2688x128xi32, #tpu.memory_space<hbm>> -> memref<84x128xi32, #tpu.memory_space<hbm>>
      tpu.enqueue_dma source(%dma_start3A_105 : memref<84x128xi32, #tpu.memory_space<hbm>>) target(%arg8 : memref<84x128xi32, #tpu.memory_space<vmem>>) target_semaphore(%run_scoped3A : memref<!tpu.dma_semaphore, #tpu.memory_space<semaphore_mem>>)
      %dma_wait3A_106 = arith.constant 0 : i32
      %dma_wait3A_107 = tpu.memref_slice %arg4[%multiple_of3A, %dma_wait3A_106] : memref<2688x128xi32, #tpu.memory_space<hbm>> -> memref<84x128xi32, #tpu.memory_space<hbm>>
      %dma_wait3A_108 = arith.constant 0 : i32
      %dma_wait3A_109 = tpu.memref_slice %arg4[%multiple_of3A, %dma_wait3A_108] : memref<2688x128xi32, #tpu.memory_space<hbm>> -> memref<84x128xi32, #tpu.memory_space<hbm>>
      tpu.wait_dma2 semaphore(%run_scoped3A : memref<!tpu.dma_semaphore, #tpu.memory_space<semaphore_mem>>) src(%dma_wait3A_109 : memref<84x128xi32, #tpu.memory_space<hbm>>) dst(%arg8 : memref<84x128xi32, #tpu.memory_space<vmem>>)
      tpu.yield
    }) : () -> ()
    %mul3A_9 = arith.constant 640 : i32
    %mul3A_10 = arith.muli %arg1, %mul3A_9 : i32
    %mul3A_11 = arith.constant 640 : i32
    %mul3A_12 = arith.muli %arg1, %mul3A_11 : i32
    "tpu.region"() ({
      %run_scoped3A = tpu.sem_alloc : memref<!tpu.dma_semaphore, #tpu.memory_space<semaphore_mem>>
      %dma_start3A_102 = arith.constant 0 : i32
      %dma_start3A_103 = tpu.memref_slice %arg13[%mul3A_12, %dma_start3A_102] : memref<10240x32xf32, #tpu.memory_space<vmem_shared>> -> memref<640x32xf32, #tpu.memory_space<vmem_shared>>
      %dma_start3A_104 = arith.constant 0 : i32
      %dma_start3A_105 = tpu.memref_slice %arg5[%mul3A_10, %dma_start3A_104] : memref<10240x32xf32, #tpu.memory_space<hbm>> -> memref<640x32xf32, #tpu.memory_space<hbm>>
      tpu.enqueue_dma source(%dma_start3A_105 : memref<640x32xf32, #tpu.memory_space<hbm>>) target(%dma_start3A_103 : memref<640x32xf32, #tpu.memory_space<vmem_shared>>) target_semaphore(%run_scoped3A : memref<!tpu.dma_semaphore, #tpu.memory_space<semaphore_mem>>)
      %dma_wait3A_106 = arith.constant 0 : i32
      %dma_wait3A_107 = tpu.memref_slice %arg13[%mul3A_12, %dma_wait3A_106] : memref<10240x32xf32, #tpu.memory_space<vmem_shared>> -> memref<640x32xf32, #tpu.memory_space<vmem_shared>>
      %dma_wait3A_108 = arith.constant 0 : i32
      %dma_wait3A_109 = tpu.memref_slice %arg5[%mul3A_10, %dma_wait3A_108] : memref<10240x32xf32, #tpu.memory_space<hbm>> -> memref<640x32xf32, #tpu.memory_space<hbm>>
      tpu.wait_dma2 semaphore(%run_scoped3A : memref<!tpu.dma_semaphore, #tpu.memory_space<semaphore_mem>>) src(%dma_wait3A_109 : memref<640x32xf32, #tpu.memory_space<hbm>>) dst(%dma_wait3A_107 : memref<640x32xf32, #tpu.memory_space<vmem_shared>>)
      tpu.yield
    }) : () -> ()
    %barrier3A = arith.constant 0 : index
    tpu.barrier barrier_id(%barrier3A)
    %dma_start3A = arith.constant 0 : i32
    %dma_start3A_13 = arith.constant 0 : i32
    %dma_start3A_14 = tpu.memref_slice %arg7[%dma_start3A, %dma_start3A_13] : memref<84x128xi32, #tpu.memory_space<vmem>> -> memref<1x128xi32, #tpu.memory_space<vmem>>
    %dma_start3A_15 = tpu.memref_squeeze %dma_start3A_14 : memref<1x128xi32, #tpu.memory_space<vmem>> -> memref<128xi32, #tpu.memory_space<vmem>>
    %dma_start3A_16 = arith.constant 0 : i32
    %dma_start3A_17 = arith.constant 0 : i32
    %dma_start3A_18 = tpu.memref_slice %arg2[%dma_start3A_16, %dma_start3A_17] : memref<10000x32xf32, #tpu.memory_space<hbm>> -> memref<10000x32xf32, #tpu.memory_space<hbm>>
    tpu.enqueue_indirect_dma source(%dma_start3A_18 : memref<10000x32xf32, #tpu.memory_space<hbm>>) target(%arg9 : memref<128x32xf32, #tpu.memory_space<vmem>>) offsets(%dma_start3A_15 : memref<128xi32, #tpu.memory_space<vmem>>) semaphore(%arg14 : memref<!tpu.dma_semaphore, #tpu.memory_space<semaphore_mem>>)
    %dma_start3A_19 = arith.constant 1 : i32
    %dma_start3A_20 = arith.constant 0 : i32
    %dma_start3A_21 = tpu.memref_slice %arg7[%dma_start3A_19, %dma_start3A_20] : memref<84x128xi32, #tpu.memory_space<vmem>> -> memref<1x128xi32, #tpu.memory_space<vmem>>
    %dma_start3A_22 = tpu.memref_squeeze %dma_start3A_21 : memref<1x128xi32, #tpu.memory_space<vmem>> -> memref<128xi32, #tpu.memory_space<vmem>>
    %dma_start3A_23 = arith.constant 0 : i32
    %dma_start3A_24 = arith.constant 0 : i32
    %dma_start3A_25 = tpu.memref_slice %arg2[%dma_start3A_23, %dma_start3A_24] : memref<10000x32xf32, #tpu.memory_space<hbm>> -> memref<10000x32xf32, #tpu.memory_space<hbm>>
    tpu.enqueue_indirect_dma source(%dma_start3A_25 : memref<10000x32xf32, #tpu.memory_space<hbm>>) target(%arg10 : memref<128x32xf32, #tpu.memory_space<vmem>>) offsets(%dma_start3A_22 : memref<128xi32, #tpu.memory_space<vmem>>) semaphore(%arg14 : memref<!tpu.dma_semaphore, #tpu.memory_space<semaphore_mem>>)
    %dma_start3A_26 = arith.constant 2 : i32
    %dma_start3A_27 = arith.constant 0 : i32
    %dma_start3A_28 = tpu.memref_slice %arg7[%dma_start3A_26, %dma_start3A_27] : memref<84x128xi32, #tpu.memory_space<vmem>> -> memref<1x128xi32, #tpu.memory_space<vmem>>
    %dma_start3A_29 = tpu.memref_squeeze %dma_start3A_28 : memref<1x128xi32, #tpu.memory_space<vmem>> -> memref<128xi32, #tpu.memory_space<vmem>>
    %dma_start3A_30 = arith.constant 0 : i32
    %dma_start3A_31 = arith.constant 0 : i32
    %dma_start3A_32 = tpu.memref_slice %arg2[%dma_start3A_30, %dma_start3A_31] : memref<10000x32xf32, #tpu.memory_space<hbm>> -> memref<10000x32xf32, #tpu.memory_space<hbm>>
    tpu.enqueue_indirect_dma source(%dma_start3A_32 : memref<10000x32xf32, #tpu.memory_space<hbm>>) target(%arg11 : memref<128x32xf32, #tpu.memory_space<vmem>>) offsets(%dma_start3A_29 : memref<128xi32, #tpu.memory_space<vmem>>) semaphore(%arg14 : memref<!tpu.dma_semaphore, #tpu.memory_space<semaphore_mem>>)
    %dma_start3A_33 = arith.constant 3 : i32
    %dma_start3A_34 = arith.constant 0 : i32
    %dma_start3A_35 = tpu.memref_slice %arg7[%dma_start3A_33, %dma_start3A_34] : memref<84x128xi32, #tpu.memory_space<vmem>> -> memref<1x128xi32, #tpu.memory_space<vmem>>
    %dma_start3A_36 = tpu.memref_squeeze %dma_start3A_35 : memref<1x128xi32, #tpu.memory_space<vmem>> -> memref<128xi32, #tpu.memory_space<vmem>>
    %dma_start3A_37 = arith.constant 0 : i32
    %dma_start3A_38 = arith.constant 0 : i32
    %dma_start3A_39 = tpu.memref_slice %arg2[%dma_start3A_37, %dma_start3A_38] : memref<10000x32xf32, #tpu.memory_space<hbm>> -> memref<10000x32xf32, #tpu.memory_space<hbm>>
    tpu.enqueue_indirect_dma source(%dma_start3A_39 : memref<10000x32xf32, #tpu.memory_space<hbm>>) target(%arg12 : memref<128x32xf32, #tpu.memory_space<vmem>>) offsets(%dma_start3A_36 : memref<128xi32, #tpu.memory_space<vmem>>) semaphore(%arg14 : memref<!tpu.dma_semaphore, #tpu.memory_space<semaphore_mem>>)
    %jit3A_40 = arith.constant 4 : i32
    %div3A = arith.divsi %select_n3A_8, %jit3A_40 : i32
    %sign3A = arith.constant 0 : i32
    %sign3A_41 = arith.cmpi sgt, %select_n3A_8, %sign3A : i32
    %sign3A_42 = arith.extui %sign3A_41 : i1 to i32
    %sign3A_43 = arith.constant 0 : i32
    %sign3A_44 = arith.cmpi slt, %select_n3A_8, %sign3A_43 : i32
    %sign3A_45 = arith.extui %sign3A_44 : i1 to i32
    %sign3A_46 = arith.subi %sign3A_42, %sign3A_45 : i32
    %sign3A_47 = arith.constant 0 : i32
    %sign3A_48 = arith.cmpi sgt, %jit3A_40, %sign3A_47 : i32
    %sign3A_49 = arith.extui %sign3A_48 : i1 to i32
    %sign3A_50 = arith.constant 0 : i32
    %sign3A_51 = arith.cmpi slt, %jit3A_40, %sign3A_50 : i32
    %sign3A_52 = arith.extui %sign3A_51 : i1 to i32
    %sign3A_53 = arith.subi %sign3A_49, %sign3A_52 : i32
    %ne3A = arith.cmpi ne, %sign3A_46, %sign3A_53 : i32
    %rem3A = arith.remsi %select_n3A_8, %jit3A_40 : i32
    %ne3A_54 = arith.constant 0 : i32
    %ne3A_55 = arith.cmpi ne, %rem3A, %ne3A_54 : i32
    %and3A = arith.andi %ne3A, %ne3A_55 : i1
    %sub3A = arith.constant 1 : i32
    %sub3A_56 = arith.subi %div3A, %sub3A : i32
    %select_n3A_57 = arith.select %and3A, %sub3A_56, %div3A : i32
    %while3A = arith.constant 0 : i32
    %while3A_58 = arith.constant 0 : i32
    %while3A_59 = arith.subi %select_n3A_57, %while3A_58 : i32
    %while3A_60 = arith.addi %while3A_58, %while3A_59 : i32
    %while3A_61 = arith.constant 1 : i32
    %while3A_62 = arith.divsi %while3A_59, %while3A_61 : i32
    %while3A_63 = arith.muli %while3A_62, %while3A_61 : i32
    %while3A_64 = arith.addi %while3A_58, %while3A_63 : i32
    %while3A_65 = arith.constant 1 : i32
    scf.for %while3A_102 = %while3A_58 to %while3A_64 step %while3A_65  : i32 {
      %mul3A_103 = arith.constant 4 : i32
      %mul3A_104 = arith.muli %while3A_102, %mul3A_103 : i32
      %add3A_105 = arith.constant 0 : i32
      %add3A_106 = arith.addi %mul3A_104, %add3A_105 : i32
      %dma_wait3A_107 = arith.constant 0 : i32
      %dma_wait3A_108 = tpu.memref_slice %arg7[%add3A_106, %dma_wait3A_107] : memref<84x128xi32, #tpu.memory_space<vmem>> -> memref<1x128xi32, #tpu.memory_space<vmem>>
      %dma_wait3A_109 = tpu.memref_squeeze %dma_wait3A_108 : memref<1x128xi32, #tpu.memory_space<vmem>> -> memref<128xi32, #tpu.memory_space<vmem>>
      %dma_wait3A_110 = arith.constant 0 : i32
      %dma_wait3A_111 = arith.constant 0 : i32
      %dma_wait3A_112 = tpu.memref_slice %arg2[%dma_wait3A_110, %dma_wait3A_111] : memref<10000x32xf32, #tpu.memory_space<hbm>> -> memref<10000x32xf32, #tpu.memory_space<hbm>>
      tpu.wait_indirect_dma semaphore(%arg14 : memref<!tpu.dma_semaphore, #tpu.memory_space<semaphore_mem>>) src(%dma_wait3A_112 : memref<10000x32xf32, #tpu.memory_space<hbm>>) dst(%arg9 : memref<128x32xf32, #tpu.memory_space<vmem>>)
      %add3A_113 = arith.constant 0 : i32
      %add3A_114 = arith.addi %mul3A_104, %add3A_113 : i32
      %dma_start3A_115 = arith.constant 0 : i32
      %dma_start3A_116 = tpu.memref_slice %arg8[%add3A_114, %dma_start3A_115] : memref<84x128xi32, #tpu.memory_space<vmem>> -> memref<1x128xi32, #tpu.memory_space<vmem>>
      %dma_start3A_117 = tpu.memref_squeeze %dma_start3A_116 : memref<1x128xi32, #tpu.memory_space<vmem>> -> memref<128xi32, #tpu.memory_space<vmem>>
      %dma_start3A_118 = arith.constant 0 : i32
      %dma_start3A_119 = arith.constant 0 : i32
      %dma_start3A_120 = tpu.memref_slice %arg13[%dma_start3A_118, %dma_start3A_119] : memref<10240x32xf32, #tpu.memory_space<vmem_shared>> -> memref<10240x32xf32, #tpu.memory_space<vmem_shared>>
      tpu.enqueue_indirect_dma source(%arg9 : memref<128x32xf32, #tpu.memory_space<vmem>>) target(%dma_start3A_120 : memref<10240x32xf32, #tpu.memory_space<vmem_shared>>) offsets(%dma_start3A_117 : memref<128xi32, #tpu.memory_space<vmem>>) semaphore(%arg15 : memref<!tpu.dma_semaphore, #tpu.memory_space<semaphore_mem>>) {add = true}
      %add3A_121 = arith.constant 1 : i32
      %add3A_122 = arith.addi %mul3A_104, %add3A_121 : i32
      %dma_wait3A_123 = arith.constant 0 : i32
      %dma_wait3A_124 = tpu.memref_slice %arg7[%add3A_122, %dma_wait3A_123] : memref<84x128xi32, #tpu.memory_space<vmem>> -> memref<1x128xi32, #tpu.memory_space<vmem>>
      %dma_wait3A_125 = tpu.memref_squeeze %dma_wait3A_124 : memref<1x128xi32, #tpu.memory_space<vmem>> -> memref<128xi32, #tpu.memory_space<vmem>>
      %dma_wait3A_126 = arith.constant 0 : i32
      %dma_wait3A_127 = arith.constant 0 : i32
      %dma_wait3A_128 = tpu.memref_slice %arg2[%dma_wait3A_126, %dma_wait3A_127] : memref<10000x32xf32, #tpu.memory_space<hbm>> -> memref<10000x32xf32, #tpu.memory_space<hbm>>
      tpu.wait_indirect_dma semaphore(%arg14 : memref<!tpu.dma_semaphore, #tpu.memory_space<semaphore_mem>>) src(%dma_wait3A_128 : memref<10000x32xf32, #tpu.memory_space<hbm>>) dst(%arg10 : memref<128x32xf32, #tpu.memory_space<vmem>>)
      %add3A_129 = arith.constant 1 : i32
      %add3A_130 = arith.addi %mul3A_104, %add3A_129 : i32
      %dma_start3A_131 = arith.constant 0 : i32
      %dma_start3A_132 = tpu.memref_slice %arg8[%add3A_130, %dma_start3A_131] : memref<84x128xi32, #tpu.memory_space<vmem>> -> memref<1x128xi32, #tpu.memory_space<vmem>>
      %dma_start3A_133 = tpu.memref_squeeze %dma_start3A_132 : memref<1x128xi32, #tpu.memory_space<vmem>> -> memref<128xi32, #tpu.memory_space<vmem>>
      %dma_start3A_134 = arith.constant 0 : i32
      %dma_start3A_135 = arith.constant 0 : i32
      %dma_start3A_136 = tpu.memref_slice %arg13[%dma_start3A_134, %dma_start3A_135] : memref<10240x32xf32, #tpu.memory_space<vmem_shared>> -> memref<10240x32xf32, #tpu.memory_space<vmem_shared>>
      tpu.enqueue_indirect_dma source(%arg10 : memref<128x32xf32, #tpu.memory_space<vmem>>) target(%dma_start3A_136 : memref<10240x32xf32, #tpu.memory_space<vmem_shared>>) offsets(%dma_start3A_133 : memref<128xi32, #tpu.memory_space<vmem>>) semaphore(%arg15 : memref<!tpu.dma_semaphore, #tpu.memory_space<semaphore_mem>>) {add = true}
      %add3A_137 = arith.constant 2 : i32
      %add3A_138 = arith.addi %mul3A_104, %add3A_137 : i32
      %dma_wait3A_139 = arith.constant 0 : i32
      %dma_wait3A_140 = tpu.memref_slice %arg7[%add3A_138, %dma_wait3A_139] : memref<84x128xi32, #tpu.memory_space<vmem>> -> memref<1x128xi32, #tpu.memory_space<vmem>>
      %dma_wait3A_141 = tpu.memref_squeeze %dma_wait3A_140 : memref<1x128xi32, #tpu.memory_space<vmem>> -> memref<128xi32, #tpu.memory_space<vmem>>
      %dma_wait3A_142 = arith.constant 0 : i32
      %dma_wait3A_143 = arith.constant 0 : i32
      %dma_wait3A_144 = tpu.memref_slice %arg2[%dma_wait3A_142, %dma_wait3A_143] : memref<10000x32xf32, #tpu.memory_space<hbm>> -> memref<10000x32xf32, #tpu.memory_space<hbm>>
      tpu.wait_indirect_dma semaphore(%arg14 : memref<!tpu.dma_semaphore, #tpu.memory_space<semaphore_mem>>) src(%dma_wait3A_144 : memref<10000x32xf32, #tpu.memory_space<hbm>>) dst(%arg11 : memref<128x32xf32, #tpu.memory_space<vmem>>)
      %add3A_145 = arith.constant 2 : i32
      %add3A_146 = arith.addi %mul3A_104, %add3A_145 : i32
      %dma_start3A_147 = arith.constant 0 : i32
      %dma_start3A_148 = tpu.memref_slice %arg8[%add3A_146, %dma_start3A_147] : memref<84x128xi32, #tpu.memory_space<vmem>> -> memref<1x128xi32, #tpu.memory_space<vmem>>
      %dma_start3A_149 = tpu.memref_squeeze %dma_start3A_148 : memref<1x128xi32, #tpu.memory_space<vmem>> -> memref<128xi32, #tpu.memory_space<vmem>>
      %dma_start3A_150 = arith.constant 0 : i32
      %dma_start3A_151 = arith.constant 0 : i32
      %dma_start3A_152 = tpu.memref_slice %arg13[%dma_start3A_150, %dma_start3A_151] : memref<10240x32xf32, #tpu.memory_space<vmem_shared>> -> memref<10240x32xf32, #tpu.memory_space<vmem_shared>>
      tpu.enqueue_indirect_dma source(%arg11 : memref<128x32xf32, #tpu.memory_space<vmem>>) target(%dma_start3A_152 : memref<10240x32xf32, #tpu.memory_space<vmem_shared>>) offsets(%dma_start3A_149 : memref<128xi32, #tpu.memory_space<vmem>>) semaphore(%arg15 : memref<!tpu.dma_semaphore, #tpu.memory_space<semaphore_mem>>) {add = true}
      %add3A_153 = arith.constant 3 : i32
      %add3A_154 = arith.addi %mul3A_104, %add3A_153 : i32
      %dma_wait3A_155 = arith.constant 0 : i32
      %dma_wait3A_156 = tpu.memref_slice %arg7[%add3A_154, %dma_wait3A_155] : memref<84x128xi32, #tpu.memory_space<vmem>> -> memref<1x128xi32, #tpu.memory_space<vmem>>
      %dma_wait3A_157 = tpu.memref_squeeze %dma_wait3A_156 : memref<1x128xi32, #tpu.memory_space<vmem>> -> memref<128xi32, #tpu.memory_space<vmem>>
      %dma_wait3A_158 = arith.constant 0 : i32
      %dma_wait3A_159 = arith.constant 0 : i32
      %dma_wait3A_160 = tpu.memref_slice %arg2[%dma_wait3A_158, %dma_wait3A_159] : memref<10000x32xf32, #tpu.memory_space<hbm>> -> memref<10000x32xf32, #tpu.memory_space<hbm>>
      tpu.wait_indirect_dma semaphore(%arg14 : memref<!tpu.dma_semaphore, #tpu.memory_space<semaphore_mem>>) src(%dma_wait3A_160 : memref<10000x32xf32, #tpu.memory_space<hbm>>) dst(%arg12 : memref<128x32xf32, #tpu.memory_space<vmem>>)
      %add3A_161 = arith.constant 3 : i32
      %add3A_162 = arith.addi %mul3A_104, %add3A_161 : i32
      %dma_start3A_163 = arith.constant 0 : i32
      %dma_start3A_164 = tpu.memref_slice %arg8[%add3A_162, %dma_start3A_163] : memref<84x128xi32, #tpu.memory_space<vmem>> -> memref<1x128xi32, #tpu.memory_space<vmem>>
      %dma_start3A_165 = tpu.memref_squeeze %dma_start3A_164 : memref<1x128xi32, #tpu.memory_space<vmem>> -> memref<128xi32, #tpu.memory_space<vmem>>
      %dma_start3A_166 = arith.constant 0 : i32
      %dma_start3A_167 = arith.constant 0 : i32
      %dma_start3A_168 = tpu.memref_slice %arg13[%dma_start3A_166, %dma_start3A_167] : memref<10240x32xf32, #tpu.memory_space<vmem_shared>> -> memref<10240x32xf32, #tpu.memory_space<vmem_shared>>
      tpu.enqueue_indirect_dma source(%arg12 : memref<128x32xf32, #tpu.memory_space<vmem>>) target(%dma_start3A_168 : memref<10240x32xf32, #tpu.memory_space<vmem_shared>>) offsets(%dma_start3A_165 : memref<128xi32, #tpu.memory_space<vmem>>) semaphore(%arg15 : memref<!tpu.dma_semaphore, #tpu.memory_space<semaphore_mem>>) {add = true}
      %add3A_169 = arith.constant 4 : i32
      %add3A_170 = arith.addi %mul3A_104, %add3A_169 : i32
      %add3A_171 = arith.constant 0 : i32
      %add3A_172 = arith.addi %add3A_170, %add3A_171 : i32
      %lt3A = arith.cmpi slt, %add3A_172, %select_n3A_8 : i32
      %convert_element_type3A = arith.extui %lt3A : i1 to i32
      %cond3A = arith.constant 0 : i32
      %cond3A_173 = arith.cmpi ne, %convert_element_type3A, %cond3A : i32
      scf.if %cond3A_173 {
        %dma_wait3A_198 = arith.constant 0 : i32
        %dma_wait3A_199 = arith.constant 0 : i32
        %dma_wait3A_200 = tpu.memref_slice %arg8[%dma_wait3A_198, %dma_wait3A_199] : memref<84x128xi32, #tpu.memory_space<vmem>> -> memref<1x128xi32, #tpu.memory_space<vmem>>
        %dma_wait3A_201 = tpu.memref_squeeze %dma_wait3A_200 : memref<1x128xi32, #tpu.memory_space<vmem>> -> memref<128xi32, #tpu.memory_space<vmem>>
        %dma_wait3A_202 = arith.constant 0 : i32
        %dma_wait3A_203 = arith.constant 0 : i32
        %dma_wait3A_204 = tpu.memref_slice %arg13[%dma_wait3A_202, %dma_wait3A_203] : memref<10240x32xf32, #tpu.memory_space<vmem_shared>> -> memref<10240x32xf32, #tpu.memory_space<vmem_shared>>
        tpu.wait_indirect_dma semaphore(%arg15 : memref<!tpu.dma_semaphore, #tpu.memory_space<semaphore_mem>>) src(%arg9 : memref<128x32xf32, #tpu.memory_space<vmem>>) dst(%dma_wait3A_204 : memref<10240x32xf32, #tpu.memory_space<vmem_shared>>)
        %dma_start3A_205 = arith.constant 0 : i32
        %dma_start3A_206 = tpu.memref_slice %arg7[%add3A_172, %dma_start3A_205] : memref<84x128xi32, #tpu.memory_space<vmem>> -> memref<1x128xi32, #tpu.memory_space<vmem>>
        %dma_start3A_207 = tpu.memref_squeeze %dma_start3A_206 : memref<1x128xi32, #tpu.memory_space<vmem>> -> memref<128xi32, #tpu.memory_space<vmem>>
        %dma_start3A_208 = arith.constant 0 : i32
        %dma_start3A_209 = arith.constant 0 : i32
        %dma_start3A_210 = tpu.memref_slice %arg2[%dma_start3A_208, %dma_start3A_209] : memref<10000x32xf32, #tpu.memory_space<hbm>> -> memref<10000x32xf32, #tpu.memory_space<hbm>>
        tpu.enqueue_indirect_dma source(%dma_start3A_210 : memref<10000x32xf32, #tpu.memory_space<hbm>>) target(%arg9 : memref<128x32xf32, #tpu.memory_space<vmem>>) offsets(%dma_start3A_207 : memref<128xi32, #tpu.memory_space<vmem>>) semaphore(%arg14 : memref<!tpu.dma_semaphore, #tpu.memory_space<semaphore_mem>>)
      } else {
      }
      %add3A_174 = arith.constant 4 : i32
      %add3A_175 = arith.addi %mul3A_104, %add3A_174 : i32
      %add3A_176 = arith.constant 1 : i32
      %add3A_177 = arith.addi %add3A_175, %add3A_176 : i32
      %lt3A_178 = arith.cmpi slt, %add3A_177, %select_n3A_8 : i32
      %convert_element_type3A_179 = arith.extui %lt3A_178 : i1 to i32
      %cond3A_180 = arith.constant 0 : i32
      %cond3A_181 = arith.cmpi ne, %convert_element_type3A_179, %cond3A_180 : i32
      scf.if %cond3A_181 {
        %dma_wait3A_198 = arith.constant 0 : i32
        %dma_wait3A_199 = arith.constant 0 : i32
        %dma_wait3A_200 = tpu.memref_slice %arg8[%dma_wait3A_198, %dma_wait3A_199] : memref<84x128xi32, #tpu.memory_space<vmem>> -> memref<1x128xi32, #tpu.memory_space<vmem>>
        %dma_wait3A_201 = tpu.memref_squeeze %dma_wait3A_200 : memref<1x128xi32, #tpu.memory_space<vmem>> -> memref<128xi32, #tpu.memory_space<vmem>>
        %dma_wait3A_202 = arith.constant 0 : i32
        %dma_wait3A_203 = arith.constant 0 : i32
        %dma_wait3A_204 = tpu.memref_slice %arg13[%dma_wait3A_202, %dma_wait3A_203] : memref<10240x32xf32, #tpu.memory_space<vmem_shared>> -> memref<10240x32xf32, #tpu.memory_space<vmem_shared>>
        tpu.wait_indirect_dma semaphore(%arg15 : memref<!tpu.dma_semaphore, #tpu.memory_space<semaphore_mem>>) src(%arg10 : memref<128x32xf32, #tpu.memory_space<vmem>>) dst(%dma_wait3A_204 : memref<10240x32xf32, #tpu.memory_space<vmem_shared>>)
        %dma_start3A_205 = arith.constant 0 : i32
        %dma_start3A_206 = tpu.memref_slice %arg7[%add3A_177, %dma_start3A_205] : memref<84x128xi32, #tpu.memory_space<vmem>> -> memref<1x128xi32, #tpu.memory_space<vmem>>
        %dma_start3A_207 = tpu.memref_squeeze %dma_start3A_206 : memref<1x128xi32, #tpu.memory_space<vmem>> -> memref<128xi32, #tpu.memory_space<vmem>>
        %dma_start3A_208 = arith.constant 0 : i32
        %dma_start3A_209 = arith.constant 0 : i32
        %dma_start3A_210 = tpu.memref_slice %arg2[%dma_start3A_208, %dma_start3A_209] : memref<10000x32xf32, #tpu.memory_space<hbm>> -> memref<10000x32xf32, #tpu.memory_space<hbm>>
        tpu.enqueue_indirect_dma source(%dma_start3A_210 : memref<10000x32xf32, #tpu.memory_space<hbm>>) target(%arg10 : memref<128x32xf32, #tpu.memory_space<vmem>>) offsets(%dma_start3A_207 : memref<128xi32, #tpu.memory_space<vmem>>) semaphore(%arg14 : memref<!tpu.dma_semaphore, #tpu.memory_space<semaphore_mem>>)
      } else {
      }
      %add3A_182 = arith.constant 4 : i32
      %add3A_183 = arith.addi %mul3A_104, %add3A_182 : i32
      %add3A_184 = arith.constant 2 : i32
      %add3A_185 = arith.addi %add3A_183, %add3A_184 : i32
      %lt3A_186 = arith.cmpi slt, %add3A_185, %select_n3A_8 : i32
      %convert_element_type3A_187 = arith.extui %lt3A_186 : i1 to i32
      %cond3A_188 = arith.constant 0 : i32
      %cond3A_189 = arith.cmpi ne, %convert_element_type3A_187, %cond3A_188 : i32
      scf.if %cond3A_189 {
        %dma_wait3A_198 = arith.constant 0 : i32
        %dma_wait3A_199 = arith.constant 0 : i32
        %dma_wait3A_200 = tpu.memref_slice %arg8[%dma_wait3A_198, %dma_wait3A_199] : memref<84x128xi32, #tpu.memory_space<vmem>> -> memref<1x128xi32, #tpu.memory_space<vmem>>
        %dma_wait3A_201 = tpu.memref_squeeze %dma_wait3A_200 : memref<1x128xi32, #tpu.memory_space<vmem>> -> memref<128xi32, #tpu.memory_space<vmem>>
        %dma_wait3A_202 = arith.constant 0 : i32
        %dma_wait3A_203 = arith.constant 0 : i32
        %dma_wait3A_204 = tpu.memref_slice %arg13[%dma_wait3A_202, %dma_wait3A_203] : memref<10240x32xf32, #tpu.memory_space<vmem_shared>> -> memref<10240x32xf32, #tpu.memory_space<vmem_shared>>
        tpu.wait_indirect_dma semaphore(%arg15 : memref<!tpu.dma_semaphore, #tpu.memory_space<semaphore_mem>>) src(%arg11 : memref<128x32xf32, #tpu.memory_space<vmem>>) dst(%dma_wait3A_204 : memref<10240x32xf32, #tpu.memory_space<vmem_shared>>)
        %dma_start3A_205 = arith.constant 0 : i32
        %dma_start3A_206 = tpu.memref_slice %arg7[%add3A_185, %dma_start3A_205] : memref<84x128xi32, #tpu.memory_space<vmem>> -> memref<1x128xi32, #tpu.memory_space<vmem>>
        %dma_start3A_207 = tpu.memref_squeeze %dma_start3A_206 : memref<1x128xi32, #tpu.memory_space<vmem>> -> memref<128xi32, #tpu.memory_space<vmem>>
        %dma_start3A_208 = arith.constant 0 : i32
        %dma_start3A_209 = arith.constant 0 : i32
        %dma_start3A_210 = tpu.memref_slice %arg2[%dma_start3A_208, %dma_start3A_209] : memref<10000x32xf32, #tpu.memory_space<hbm>> -> memref<10000x32xf32, #tpu.memory_space<hbm>>
        tpu.enqueue_indirect_dma source(%dma_start3A_210 : memref<10000x32xf32, #tpu.memory_space<hbm>>) target(%arg11 : memref<128x32xf32, #tpu.memory_space<vmem>>) offsets(%dma_start3A_207 : memref<128xi32, #tpu.memory_space<vmem>>) semaphore(%arg14 : memref<!tpu.dma_semaphore, #tpu.memory_space<semaphore_mem>>)
      } else {
      }
      %add3A_190 = arith.constant 4 : i32
      %add3A_191 = arith.addi %mul3A_104, %add3A_190 : i32
      %add3A_192 = arith.constant 3 : i32
      %add3A_193 = arith.addi %add3A_191, %add3A_192 : i32
      %lt3A_194 = arith.cmpi slt, %add3A_193, %select_n3A_8 : i32
      %convert_element_type3A_195 = arith.extui %lt3A_194 : i1 to i32
      %cond3A_196 = arith.constant 0 : i32
      %cond3A_197 = arith.cmpi ne, %convert_element_type3A_195, %cond3A_196 : i32
      scf.if %cond3A_197 {
        %dma_wait3A_198 = arith.constant 0 : i32
        %dma_wait3A_199 = arith.constant 0 : i32
        %dma_wait3A_200 = tpu.memref_slice %arg8[%dma_wait3A_198, %dma_wait3A_199] : memref<84x128xi32, #tpu.memory_space<vmem>> -> memref<1x128xi32, #tpu.memory_space<vmem>>
        %dma_wait3A_201 = tpu.memref_squeeze %dma_wait3A_200 : memref<1x128xi32, #tpu.memory_space<vmem>> -> memref<128xi32, #tpu.memory_space<vmem>>
        %dma_wait3A_202 = arith.constant 0 : i32
        %dma_wait3A_203 = arith.constant 0 : i32
        %dma_wait3A_204 = tpu.memref_slice %arg13[%dma_wait3A_202, %dma_wait3A_203] : memref<10240x32xf32, #tpu.memory_space<vmem_shared>> -> memref<10240x32xf32, #tpu.memory_space<vmem_shared>>
        tpu.wait_indirect_dma semaphore(%arg15 : memref<!tpu.dma_semaphore, #tpu.memory_space<semaphore_mem>>) src(%arg12 : memref<128x32xf32, #tpu.memory_space<vmem>>) dst(%dma_wait3A_204 : memref<10240x32xf32, #tpu.memory_space<vmem_shared>>)
        %dma_start3A_205 = arith.constant 0 : i32
        %dma_start3A_206 = tpu.memref_slice %arg7[%add3A_193, %dma_start3A_205] : memref<84x128xi32, #tpu.memory_space<vmem>> -> memref<1x128xi32, #tpu.memory_space<vmem>>
        %dma_start3A_207 = tpu.memref_squeeze %dma_start3A_206 : memref<1x128xi32, #tpu.memory_space<vmem>> -> memref<128xi32, #tpu.memory_space<vmem>>
        %dma_start3A_208 = arith.constant 0 : i32
        %dma_start3A_209 = arith.constant 0 : i32
        %dma_start3A_210 = tpu.memref_slice %arg2[%dma_start3A_208, %dma_start3A_209] : memref<10000x32xf32, #tpu.memory_space<hbm>> -> memref<10000x32xf32, #tpu.memory_space<hbm>>
        tpu.enqueue_indirect_dma source(%dma_start3A_210 : memref<10000x32xf32, #tpu.memory_space<hbm>>) target(%arg12 : memref<128x32xf32, #tpu.memory_space<vmem>>) offsets(%dma_start3A_207 : memref<128xi32, #tpu.memory_space<vmem>>) semaphore(%arg14 : memref<!tpu.dma_semaphore, #tpu.memory_space<semaphore_mem>>)
      } else {
      }
    }
    %while3A_66 = arith.constant 1 : i32
    scf.for %while3A_102 = %while3A_64 to %while3A_60 step %while3A_66  : i32 {
      %mul3A_103 = arith.constant 4 : i32
      %mul3A_104 = arith.muli %while3A_102, %mul3A_103 : i32
      %add3A_105 = arith.constant 0 : i32
      %add3A_106 = arith.addi %mul3A_104, %add3A_105 : i32
      %dma_wait3A_107 = arith.constant 0 : i32
      %dma_wait3A_108 = tpu.memref_slice %arg7[%add3A_106, %dma_wait3A_107] : memref<84x128xi32, #tpu.memory_space<vmem>> -> memref<1x128xi32, #tpu.memory_space<vmem>>
      %dma_wait3A_109 = tpu.memref_squeeze %dma_wait3A_108 : memref<1x128xi32, #tpu.memory_space<vmem>> -> memref<128xi32, #tpu.memory_space<vmem>>
      %dma_wait3A_110 = arith.constant 0 : i32
      %dma_wait3A_111 = arith.constant 0 : i32
      %dma_wait3A_112 = tpu.memref_slice %arg2[%dma_wait3A_110, %dma_wait3A_111] : memref<10000x32xf32, #tpu.memory_space<hbm>> -> memref<10000x32xf32, #tpu.memory_space<hbm>>
      tpu.wait_indirect_dma semaphore(%arg14 : memref<!tpu.dma_semaphore, #tpu.memory_space<semaphore_mem>>) src(%dma_wait3A_112 : memref<10000x32xf32, #tpu.memory_space<hbm>>) dst(%arg9 : memref<128x32xf32, #tpu.memory_space<vmem>>)
      %add3A_113 = arith.constant 0 : i32
      %add3A_114 = arith.addi %mul3A_104, %add3A_113 : i32
      %dma_start3A_115 = arith.constant 0 : i32
      %dma_start3A_116 = tpu.memref_slice %arg8[%add3A_114, %dma_start3A_115] : memref<84x128xi32, #tpu.memory_space<vmem>> -> memref<1x128xi32, #tpu.memory_space<vmem>>
      %dma_start3A_117 = tpu.memref_squeeze %dma_start3A_116 : memref<1x128xi32, #tpu.memory_space<vmem>> -> memref<128xi32, #tpu.memory_space<vmem>>
      %dma_start3A_118 = arith.constant 0 : i32
      %dma_start3A_119 = arith.constant 0 : i32
      %dma_start3A_120 = tpu.memref_slice %arg13[%dma_start3A_118, %dma_start3A_119] : memref<10240x32xf32, #tpu.memory_space<vmem_shared>> -> memref<10240x32xf32, #tpu.memory_space<vmem_shared>>
      tpu.enqueue_indirect_dma source(%arg9 : memref<128x32xf32, #tpu.memory_space<vmem>>) target(%dma_start3A_120 : memref<10240x32xf32, #tpu.memory_space<vmem_shared>>) offsets(%dma_start3A_117 : memref<128xi32, #tpu.memory_space<vmem>>) semaphore(%arg15 : memref<!tpu.dma_semaphore, #tpu.memory_space<semaphore_mem>>) {add = true}
      %add3A_121 = arith.constant 1 : i32
      %add3A_122 = arith.addi %mul3A_104, %add3A_121 : i32
      %dma_wait3A_123 = arith.constant 0 : i32
      %dma_wait3A_124 = tpu.memref_slice %arg7[%add3A_122, %dma_wait3A_123] : memref<84x128xi32, #tpu.memory_space<vmem>> -> memref<1x128xi32, #tpu.memory_space<vmem>>
      %dma_wait3A_125 = tpu.memref_squeeze %dma_wait3A_124 : memref<1x128xi32, #tpu.memory_space<vmem>> -> memref<128xi32, #tpu.memory_space<vmem>>
      %dma_wait3A_126 = arith.constant 0 : i32
      %dma_wait3A_127 = arith.constant 0 : i32
      %dma_wait3A_128 = tpu.memref_slice %arg2[%dma_wait3A_126, %dma_wait3A_127] : memref<10000x32xf32, #tpu.memory_space<hbm>> -> memref<10000x32xf32, #tpu.memory_space<hbm>>
      tpu.wait_indirect_dma semaphore(%arg14 : memref<!tpu.dma_semaphore, #tpu.memory_space<semaphore_mem>>) src(%dma_wait3A_128 : memref<10000x32xf32, #tpu.memory_space<hbm>>) dst(%arg10 : memref<128x32xf32, #tpu.memory_space<vmem>>)
      %add3A_129 = arith.constant 1 : i32
      %add3A_130 = arith.addi %mul3A_104, %add3A_129 : i32
      %dma_start3A_131 = arith.constant 0 : i32
      %dma_start3A_132 = tpu.memref_slice %arg8[%add3A_130, %dma_start3A_131] : memref<84x128xi32, #tpu.memory_space<vmem>> -> memref<1x128xi32, #tpu.memory_space<vmem>>
      %dma_start3A_133 = tpu.memref_squeeze %dma_start3A_132 : memref<1x128xi32, #tpu.memory_space<vmem>> -> memref<128xi32, #tpu.memory_space<vmem>>
      %dma_start3A_134 = arith.constant 0 : i32
      %dma_start3A_135 = arith.constant 0 : i32
      %dma_start3A_136 = tpu.memref_slice %arg13[%dma_start3A_134, %dma_start3A_135] : memref<10240x32xf32, #tpu.memory_space<vmem_shared>> -> memref<10240x32xf32, #tpu.memory_space<vmem_shared>>
      tpu.enqueue_indirect_dma source(%arg10 : memref<128x32xf32, #tpu.memory_space<vmem>>) target(%dma_start3A_136 : memref<10240x32xf32, #tpu.memory_space<vmem_shared>>) offsets(%dma_start3A_133 : memref<128xi32, #tpu.memory_space<vmem>>) semaphore(%arg15 : memref<!tpu.dma_semaphore, #tpu.memory_space<semaphore_mem>>) {add = true}
      %add3A_137 = arith.constant 2 : i32
      %add3A_138 = arith.addi %mul3A_104, %add3A_137 : i32
      %dma_wait3A_139 = arith.constant 0 : i32
      %dma_wait3A_140 = tpu.memref_slice %arg7[%add3A_138, %dma_wait3A_139] : memref<84x128xi32, #tpu.memory_space<vmem>> -> memref<1x128xi32, #tpu.memory_space<vmem>>
      %dma_wait3A_141 = tpu.memref_squeeze %dma_wait3A_140 : memref<1x128xi32, #tpu.memory_space<vmem>> -> memref<128xi32, #tpu.memory_space<vmem>>
      %dma_wait3A_142 = arith.constant 0 : i32
      %dma_wait3A_143 = arith.constant 0 : i32
      %dma_wait3A_144 = tpu.memref_slice %arg2[%dma_wait3A_142, %dma_wait3A_143] : memref<10000x32xf32, #tpu.memory_space<hbm>> -> memref<10000x32xf32, #tpu.memory_space<hbm>>
      tpu.wait_indirect_dma semaphore(%arg14 : memref<!tpu.dma_semaphore, #tpu.memory_space<semaphore_mem>>) src(%dma_wait3A_144 : memref<10000x32xf32, #tpu.memory_space<hbm>>) dst(%arg11 : memref<128x32xf32, #tpu.memory_space<vmem>>)
      %add3A_145 = arith.constant 2 : i32
      %add3A_146 = arith.addi %mul3A_104, %add3A_145 : i32
      %dma_start3A_147 = arith.constant 0 : i32
      %dma_start3A_148 = tpu.memref_slice %arg8[%add3A_146, %dma_start3A_147] : memref<84x128xi32, #tpu.memory_space<vmem>> -> memref<1x128xi32, #tpu.memory_space<vmem>>
      %dma_start3A_149 = tpu.memref_squeeze %dma_start3A_148 : memref<1x128xi32, #tpu.memory_space<vmem>> -> memref<128xi32, #tpu.memory_space<vmem>>
      %dma_start3A_150 = arith.constant 0 : i32
      %dma_start3A_151 = arith.constant 0 : i32
      %dma_start3A_152 = tpu.memref_slice %arg13[%dma_start3A_150, %dma_start3A_151] : memref<10240x32xf32, #tpu.memory_space<vmem_shared>> -> memref<10240x32xf32, #tpu.memory_space<vmem_shared>>
      tpu.enqueue_indirect_dma source(%arg11 : memref<128x32xf32, #tpu.memory_space<vmem>>) target(%dma_start3A_152 : memref<10240x32xf32, #tpu.memory_space<vmem_shared>>) offsets(%dma_start3A_149 : memref<128xi32, #tpu.memory_space<vmem>>) semaphore(%arg15 : memref<!tpu.dma_semaphore, #tpu.memory_space<semaphore_mem>>) {add = true}
      %add3A_153 = arith.constant 3 : i32
      %add3A_154 = arith.addi %mul3A_104, %add3A_153 : i32
      %dma_wait3A_155 = arith.constant 0 : i32
      %dma_wait3A_156 = tpu.memref_slice %arg7[%add3A_154, %dma_wait3A_155] : memref<84x128xi32, #tpu.memory_space<vmem>> -> memref<1x128xi32, #tpu.memory_space<vmem>>
      %dma_wait3A_157 = tpu.memref_squeeze %dma_wait3A_156 : memref<1x128xi32, #tpu.memory_space<vmem>> -> memref<128xi32, #tpu.memory_space<vmem>>
      %dma_wait3A_158 = arith.constant 0 : i32
      %dma_wait3A_159 = arith.constant 0 : i32
      %dma_wait3A_160 = tpu.memref_slice %arg2[%dma_wait3A_158, %dma_wait3A_159] : memref<10000x32xf32, #tpu.memory_space<hbm>> -> memref<10000x32xf32, #tpu.memory_space<hbm>>
      tpu.wait_indirect_dma semaphore(%arg14 : memref<!tpu.dma_semaphore, #tpu.memory_space<semaphore_mem>>) src(%dma_wait3A_160 : memref<10000x32xf32, #tpu.memory_space<hbm>>) dst(%arg12 : memref<128x32xf32, #tpu.memory_space<vmem>>)
      %add3A_161 = arith.constant 3 : i32
      %add3A_162 = arith.addi %mul3A_104, %add3A_161 : i32
      %dma_start3A_163 = arith.constant 0 : i32
      %dma_start3A_164 = tpu.memref_slice %arg8[%add3A_162, %dma_start3A_163] : memref<84x128xi32, #tpu.memory_space<vmem>> -> memref<1x128xi32, #tpu.memory_space<vmem>>
      %dma_start3A_165 = tpu.memref_squeeze %dma_start3A_164 : memref<1x128xi32, #tpu.memory_space<vmem>> -> memref<128xi32, #tpu.memory_space<vmem>>
      %dma_start3A_166 = arith.constant 0 : i32
      %dma_start3A_167 = arith.constant 0 : i32
      %dma_start3A_168 = tpu.memref_slice %arg13[%dma_start3A_166, %dma_start3A_167] : memref<10240x32xf32, #tpu.memory_space<vmem_shared>> -> memref<10240x32xf32, #tpu.memory_space<vmem_shared>>
      tpu.enqueue_indirect_dma source(%arg12 : memref<128x32xf32, #tpu.memory_space<vmem>>) target(%dma_start3A_168 : memref<10240x32xf32, #tpu.memory_space<vmem_shared>>) offsets(%dma_start3A_165 : memref<128xi32, #tpu.memory_space<vmem>>) semaphore(%arg15 : memref<!tpu.dma_semaphore, #tpu.memory_space<semaphore_mem>>) {add = true}
      %add3A_169 = arith.constant 4 : i32
      %add3A_170 = arith.addi %mul3A_104, %add3A_169 : i32
      %add3A_171 = arith.constant 0 : i32
      %add3A_172 = arith.addi %add3A_170, %add3A_171 : i32
      %lt3A = arith.cmpi slt, %add3A_172, %select_n3A_8 : i32
      %convert_element_type3A = arith.extui %lt3A : i1 to i32
      %cond3A = arith.constant 0 : i32
      %cond3A_173 = arith.cmpi ne, %convert_element_type3A, %cond3A : i32
      scf.if %cond3A_173 {
        %dma_wait3A_198 = arith.constant 0 : i32
        %dma_wait3A_199 = arith.constant 0 : i32
        %dma_wait3A_200 = tpu.memref_slice %arg8[%dma_wait3A_198, %dma_wait3A_199] : memref<84x128xi32, #tpu.memory_space<vmem>> -> memref<1x128xi32, #tpu.memory_space<vmem>>
        %dma_wait3A_201 = tpu.memref_squeeze %dma_wait3A_200 : memref<1x128xi32, #tpu.memory_space<vmem>> -> memref<128xi32, #tpu.memory_space<vmem>>
        %dma_wait3A_202 = arith.constant 0 : i32
        %dma_wait3A_203 = arith.constant 0 : i32
        %dma_wait3A_204 = tpu.memref_slice %arg13[%dma_wait3A_202, %dma_wait3A_203] : memref<10240x32xf32, #tpu.memory_space<vmem_shared>> -> memref<10240x32xf32, #tpu.memory_space<vmem_shared>>
        tpu.wait_indirect_dma semaphore(%arg15 : memref<!tpu.dma_semaphore, #tpu.memory_space<semaphore_mem>>) src(%arg9 : memref<128x32xf32, #tpu.memory_space<vmem>>) dst(%dma_wait3A_204 : memref<10240x32xf32, #tpu.memory_space<vmem_shared>>)
        %dma_start3A_205 = arith.constant 0 : i32
        %dma_start3A_206 = tpu.memref_slice %arg7[%add3A_172, %dma_start3A_205] : memref<84x128xi32, #tpu.memory_space<vmem>> -> memref<1x128xi32, #tpu.memory_space<vmem>>
        %dma_start3A_207 = tpu.memref_squeeze %dma_start3A_206 : memref<1x128xi32, #tpu.memory_space<vmem>> -> memref<128xi32, #tpu.memory_space<vmem>>
        %dma_start3A_208 = arith.constant 0 : i32
        %dma_start3A_209 = arith.constant 0 : i32
        %dma_start3A_210 = tpu.memref_slice %arg2[%dma_start3A_208, %dma_start3A_209] : memref<10000x32xf32, #tpu.memory_space<hbm>> -> memref<10000x32xf32, #tpu.memory_space<hbm>>
        tpu.enqueue_indirect_dma source(%dma_start3A_210 : memref<10000x32xf32, #tpu.memory_space<hbm>>) target(%arg9 : memref<128x32xf32, #tpu.memory_space<vmem>>) offsets(%dma_start3A_207 : memref<128xi32, #tpu.memory_space<vmem>>) semaphore(%arg14 : memref<!tpu.dma_semaphore, #tpu.memory_space<semaphore_mem>>)
      } else {
      }
      %add3A_174 = arith.constant 4 : i32
      %add3A_175 = arith.addi %mul3A_104, %add3A_174 : i32
      %add3A_176 = arith.constant 1 : i32
      %add3A_177 = arith.addi %add3A_175, %add3A_176 : i32
      %lt3A_178 = arith.cmpi slt, %add3A_177, %select_n3A_8 : i32
      %convert_element_type3A_179 = arith.extui %lt3A_178 : i1 to i32
      %cond3A_180 = arith.constant 0 : i32
      %cond3A_181 = arith.cmpi ne, %convert_element_type3A_179, %cond3A_180 : i32
      scf.if %cond3A_181 {
        %dma_wait3A_198 = arith.constant 0 : i32
        %dma_wait3A_199 = arith.constant 0 : i32
        %dma_wait3A_200 = tpu.memref_slice %arg8[%dma_wait3A_198, %dma_wait3A_199] : memref<84x128xi32, #tpu.memory_space<vmem>> -> memref<1x128xi32, #tpu.memory_space<vmem>>
        %dma_wait3A_201 = tpu.memref_squeeze %dma_wait3A_200 : memref<1x128xi32, #tpu.memory_space<vmem>> -> memref<128xi32, #tpu.memory_space<vmem>>
        %dma_wait3A_202 = arith.constant 0 : i32
        %dma_wait3A_203 = arith.constant 0 : i32
        %dma_wait3A_204 = tpu.memref_slice %arg13[%dma_wait3A_202, %dma_wait3A_203] : memref<10240x32xf32, #tpu.memory_space<vmem_shared>> -> memref<10240x32xf32, #tpu.memory_space<vmem_shared>>
        tpu.wait_indirect_dma semaphore(%arg15 : memref<!tpu.dma_semaphore, #tpu.memory_space<semaphore_mem>>) src(%arg10 : memref<128x32xf32, #tpu.memory_space<vmem>>) dst(%dma_wait3A_204 : memref<10240x32xf32, #tpu.memory_space<vmem_shared>>)
        %dma_start3A_205 = arith.constant 0 : i32
        %dma_start3A_206 = tpu.memref_slice %arg7[%add3A_177, %dma_start3A_205] : memref<84x128xi32, #tpu.memory_space<vmem>> -> memref<1x128xi32, #tpu.memory_space<vmem>>
        %dma_start3A_207 = tpu.memref_squeeze %dma_start3A_206 : memref<1x128xi32, #tpu.memory_space<vmem>> -> memref<128xi32, #tpu.memory_space<vmem>>
        %dma_start3A_208 = arith.constant 0 : i32
        %dma_start3A_209 = arith.constant 0 : i32
        %dma_start3A_210 = tpu.memref_slice %arg2[%dma_start3A_208, %dma_start3A_209] : memref<10000x32xf32, #tpu.memory_space<hbm>> -> memref<10000x32xf32, #tpu.memory_space<hbm>>
        tpu.enqueue_indirect_dma source(%dma_start3A_210 : memref<10000x32xf32, #tpu.memory_space<hbm>>) target(%arg10 : memref<128x32xf32, #tpu.memory_space<vmem>>) offsets(%dma_start3A_207 : memref<128xi32, #tpu.memory_space<vmem>>) semaphore(%arg14 : memref<!tpu.dma_semaphore, #tpu.memory_space<semaphore_mem>>)
      } else {
      }
      %add3A_182 = arith.constant 4 : i32
      %add3A_183 = arith.addi %mul3A_104, %add3A_182 : i32
      %add3A_184 = arith.constant 2 : i32
      %add3A_185 = arith.addi %add3A_183, %add3A_184 : i32
      %lt3A_186 = arith.cmpi slt, %add3A_185, %select_n3A_8 : i32
      %convert_element_type3A_187 = arith.extui %lt3A_186 : i1 to i32
      %cond3A_188 = arith.constant 0 : i32
      %cond3A_189 = arith.cmpi ne, %convert_element_type3A_187, %cond3A_188 : i32
      scf.if %cond3A_189 {
        %dma_wait3A_198 = arith.constant 0 : i32
        %dma_wait3A_199 = arith.constant 0 : i32
        %dma_wait3A_200 = tpu.memref_slice %arg8[%dma_wait3A_198, %dma_wait3A_199] : memref<84x128xi32, #tpu.memory_space<vmem>> -> memref<1x128xi32, #tpu.memory_space<vmem>>
        %dma_wait3A_201 = tpu.memref_squeeze %dma_wait3A_200 : memref<1x128xi32, #tpu.memory_space<vmem>> -> memref<128xi32, #tpu.memory_space<vmem>>
        %dma_wait3A_202 = arith.constant 0 : i32
        %dma_wait3A_203 = arith.constant 0 : i32
        %dma_wait3A_204 = tpu.memref_slice %arg13[%dma_wait3A_202, %dma_wait3A_203] : memref<10240x32xf32, #tpu.memory_space<vmem_shared>> -> memref<10240x32xf32, #tpu.memory_space<vmem_shared>>
        tpu.wait_indirect_dma semaphore(%arg15 : memref<!tpu.dma_semaphore, #tpu.memory_space<semaphore_mem>>) src(%arg11 : memref<128x32xf32, #tpu.memory_space<vmem>>) dst(%dma_wait3A_204 : memref<10240x32xf32, #tpu.memory_space<vmem_shared>>)
        %dma_start3A_205 = arith.constant 0 : i32
        %dma_start3A_206 = tpu.memref_slice %arg7[%add3A_185, %dma_start3A_205] : memref<84x128xi32, #tpu.memory_space<vmem>> -> memref<1x128xi32, #tpu.memory_space<vmem>>
        %dma_start3A_207 = tpu.memref_squeeze %dma_start3A_206 : memref<1x128xi32, #tpu.memory_space<vmem>> -> memref<128xi32, #tpu.memory_space<vmem>>
        %dma_start3A_208 = arith.constant 0 : i32
        %dma_start3A_209 = arith.constant 0 : i32
        %dma_start3A_210 = tpu.memref_slice %arg2[%dma_start3A_208, %dma_start3A_209] : memref<10000x32xf32, #tpu.memory_space<hbm>> -> memref<10000x32xf32, #tpu.memory_space<hbm>>
        tpu.enqueue_indirect_dma source(%dma_start3A_210 : memref<10000x32xf32, #tpu.memory_space<hbm>>) target(%arg11 : memref<128x32xf32, #tpu.memory_space<vmem>>) offsets(%dma_start3A_207 : memref<128xi32, #tpu.memory_space<vmem>>) semaphore(%arg14 : memref<!tpu.dma_semaphore, #tpu.memory_space<semaphore_mem>>)
      } else {
      }
      %add3A_190 = arith.constant 4 : i32
      %add3A_191 = arith.addi %mul3A_104, %add3A_190 : i32
      %add3A_192 = arith.constant 3 : i32
      %add3A_193 = arith.addi %add3A_191, %add3A_192 : i32
      %lt3A_194 = arith.cmpi slt, %add3A_193, %select_n3A_8 : i32
      %convert_element_type3A_195 = arith.extui %lt3A_194 : i1 to i32
      %cond3A_196 = arith.constant 0 : i32
      %cond3A_197 = arith.cmpi ne, %convert_element_type3A_195, %cond3A_196 : i32
      scf.if %cond3A_197 {
        %dma_wait3A_198 = arith.constant 0 : i32
        %dma_wait3A_199 = arith.constant 0 : i32
        %dma_wait3A_200 = tpu.memref_slice %arg8[%dma_wait3A_198, %dma_wait3A_199] : memref<84x128xi32, #tpu.memory_space<vmem>> -> memref<1x128xi32, #tpu.memory_space<vmem>>
        %dma_wait3A_201 = tpu.memref_squeeze %dma_wait3A_200 : memref<1x128xi32, #tpu.memory_space<vmem>> -> memref<128xi32, #tpu.memory_space<vmem>>
        %dma_wait3A_202 = arith.constant 0 : i32
        %dma_wait3A_203 = arith.constant 0 : i32
        %dma_wait3A_204 = tpu.memref_slice %arg13[%dma_wait3A_202, %dma_wait3A_203] : memref<10240x32xf32, #tpu.memory_space<vmem_shared>> -> memref<10240x32xf32, #tpu.memory_space<vmem_shared>>
        tpu.wait_indirect_dma semaphore(%arg15 : memref<!tpu.dma_semaphore, #tpu.memory_space<semaphore_mem>>) src(%arg12 : memref<128x32xf32, #tpu.memory_space<vmem>>) dst(%dma_wait3A_204 : memref<10240x32xf32, #tpu.memory_space<vmem_shared>>)
        %dma_start3A_205 = arith.constant 0 : i32
        %dma_start3A_206 = tpu.memref_slice %arg7[%add3A_193, %dma_start3A_205] : memref<84x128xi32, #tpu.memory_space<vmem>> -> memref<1x128xi32, #tpu.memory_space<vmem>>
        %dma_start3A_207 = tpu.memref_squeeze %dma_start3A_206 : memref<1x128xi32, #tpu.memory_space<vmem>> -> memref<128xi32, #tpu.memory_space<vmem>>
        %dma_start3A_208 = arith.constant 0 : i32
        %dma_start3A_209 = arith.constant 0 : i32
        %dma_start3A_210 = tpu.memref_slice %arg2[%dma_start3A_208, %dma_start3A_209] : memref<10000x32xf32, #tpu.memory_space<hbm>> -> memref<10000x32xf32, #tpu.memory_space<hbm>>
        tpu.enqueue_indirect_dma source(%dma_start3A_210 : memref<10000x32xf32, #tpu.memory_space<hbm>>) target(%arg12 : memref<128x32xf32, #tpu.memory_space<vmem>>) offsets(%dma_start3A_207 : memref<128xi32, #tpu.memory_space<vmem>>) semaphore(%arg14 : memref<!tpu.dma_semaphore, #tpu.memory_space<semaphore_mem>>)
      } else {
      }
    }
    %dma_wait3A = arith.constant 0 : i32
    %dma_wait3A_67 = arith.constant 0 : i32
    %dma_wait3A_68 = tpu.memref_slice %arg8[%dma_wait3A, %dma_wait3A_67] : memref<84x128xi32, #tpu.memory_space<vmem>> -> memref<1x128xi32, #tpu.memory_space<vmem>>
    %dma_wait3A_69 = tpu.memref_squeeze %dma_wait3A_68 : memref<1x128xi32, #tpu.memory_space<vmem>> -> memref<128xi32, #tpu.memory_space<vmem>>
    %dma_wait3A_70 = arith.constant 0 : i32
    %dma_wait3A_71 = arith.constant 0 : i32
    %dma_wait3A_72 = tpu.memref_slice %arg13[%dma_wait3A_70, %dma_wait3A_71] : memref<10240x32xf32, #tpu.memory_space<vmem_shared>> -> memref<10240x32xf32, #tpu.memory_space<vmem_shared>>
    tpu.wait_indirect_dma semaphore(%arg15 : memref<!tpu.dma_semaphore, #tpu.memory_space<semaphore_mem>>) src(%arg9 : memref<128x32xf32, #tpu.memory_space<vmem>>) dst(%dma_wait3A_72 : memref<10240x32xf32, #tpu.memory_space<vmem_shared>>)
    %dma_wait3A_73 = arith.constant 0 : i32
    %dma_wait3A_74 = arith.constant 0 : i32
    %dma_wait3A_75 = tpu.memref_slice %arg8[%dma_wait3A_73, %dma_wait3A_74] : memref<84x128xi32, #tpu.memory_space<vmem>> -> memref<1x128xi32, #tpu.memory_space<vmem>>
    %dma_wait3A_76 = tpu.memref_squeeze %dma_wait3A_75 : memref<1x128xi32, #tpu.memory_space<vmem>> -> memref<128xi32, #tpu.memory_space<vmem>>
    %dma_wait3A_77 = arith.constant 0 : i32
    %dma_wait3A_78 = arith.constant 0 : i32
    %dma_wait3A_79 = tpu.memref_slice %arg13[%dma_wait3A_77, %dma_wait3A_78] : memref<10240x32xf32, #tpu.memory_space<vmem_shared>> -> memref<10240x32xf32, #tpu.memory_space<vmem_shared>>
    tpu.wait_indirect_dma semaphore(%arg15 : memref<!tpu.dma_semaphore, #tpu.memory_space<semaphore_mem>>) src(%arg10 : memref<128x32xf32, #tpu.memory_space<vmem>>) dst(%dma_wait3A_79 : memref<10240x32xf32, #tpu.memory_space<vmem_shared>>)
    %dma_wait3A_80 = arith.constant 0 : i32
    %dma_wait3A_81 = arith.constant 0 : i32
    %dma_wait3A_82 = tpu.memref_slice %arg8[%dma_wait3A_80, %dma_wait3A_81] : memref<84x128xi32, #tpu.memory_space<vmem>> -> memref<1x128xi32, #tpu.memory_space<vmem>>
    %dma_wait3A_83 = tpu.memref_squeeze %dma_wait3A_82 : memref<1x128xi32, #tpu.memory_space<vmem>> -> memref<128xi32, #tpu.memory_space<vmem>>
    %dma_wait3A_84 = arith.constant 0 : i32
    %dma_wait3A_85 = arith.constant 0 : i32
    %dma_wait3A_86 = tpu.memref_slice %arg13[%dma_wait3A_84, %dma_wait3A_85] : memref<10240x32xf32, #tpu.memory_space<vmem_shared>> -> memref<10240x32xf32, #tpu.memory_space<vmem_shared>>
    tpu.wait_indirect_dma semaphore(%arg15 : memref<!tpu.dma_semaphore, #tpu.memory_space<semaphore_mem>>) src(%arg11 : memref<128x32xf32, #tpu.memory_space<vmem>>) dst(%dma_wait3A_86 : memref<10240x32xf32, #tpu.memory_space<vmem_shared>>)
    %dma_wait3A_87 = arith.constant 0 : i32
    %dma_wait3A_88 = arith.constant 0 : i32
    %dma_wait3A_89 = tpu.memref_slice %arg8[%dma_wait3A_87, %dma_wait3A_88] : memref<84x128xi32, #tpu.memory_space<vmem>> -> memref<1x128xi32, #tpu.memory_space<vmem>>
    %dma_wait3A_90 = tpu.memref_squeeze %dma_wait3A_89 : memref<1x128xi32, #tpu.memory_space<vmem>> -> memref<128xi32, #tpu.memory_space<vmem>>
    %dma_wait3A_91 = arith.constant 0 : i32
    %dma_wait3A_92 = arith.constant 0 : i32
    %dma_wait3A_93 = tpu.memref_slice %arg13[%dma_wait3A_91, %dma_wait3A_92] : memref<10240x32xf32, #tpu.memory_space<vmem_shared>> -> memref<10240x32xf32, #tpu.memory_space<vmem_shared>>
    tpu.wait_indirect_dma semaphore(%arg15 : memref<!tpu.dma_semaphore, #tpu.memory_space<semaphore_mem>>) src(%arg12 : memref<128x32xf32, #tpu.memory_space<vmem>>) dst(%dma_wait3A_93 : memref<10240x32xf32, #tpu.memory_space<vmem_shared>>)
    %barrier3A_94 = arith.constant 0 : index
    tpu.barrier barrier_id(%barrier3A_94)
    %mul3A_95 = arith.constant 640 : i32
    %mul3A_96 = arith.muli %arg1, %mul3A_95 : i32
    %mul3A_97 = arith.constant 10240 : i32
    %mul3A_98 = arith.muli %arg0, %mul3A_97 : i32
    %mul3A_99 = arith.constant 640 : i32
    %mul3A_100 = arith.muli %arg1, %mul3A_99 : i32
    %add3A_101 = arith.addi %mul3A_98, %mul3A_100 : i32
    "tpu.region"() ({
      %run_scoped3A = tpu.sem_alloc : memref<!tpu.dma_semaphore, #tpu.memory_space<semaphore_mem>>
      %dma_start3A_102 = arith.constant 0 : i32
      %dma_start3A_103 = tpu.memref_slice %arg6[%add3A_101, %dma_start3A_102] : memref<20480x32xf32, #tpu.memory_space<hbm>> -> memref<640x32xf32, #tpu.memory_space<hbm>>
      %dma_start3A_104 = arith.constant 0 : i32
      %dma_start3A_105 = tpu.memref_slice %arg13[%mul3A_96, %dma_start3A_104] : memref<10240x32xf32, #tpu.memory_space<vmem_shared>> -> memref<640x32xf32, #tpu.memory_space<vmem_shared>>
      tpu.enqueue_dma source(%dma_start3A_105 : memref<640x32xf32, #tpu.memory_space<vmem_shared>>) target(%dma_start3A_103 : memref<640x32xf32, #tpu.memory_space<hbm>>) target_semaphore(%run_scoped3A : memref<!tpu.dma_semaphore, #tpu.memory_space<semaphore_mem>>)
      %dma_wait3A_106 = arith.constant 0 : i32
      %dma_wait3A_107 = tpu.memref_slice %arg6[%add3A_101, %dma_wait3A_106] : memref<20480x32xf32, #tpu.memory_space<hbm>> -> memref<640x32xf32, #tpu.memory_space<hbm>>
      %dma_wait3A_108 = arith.constant 0 : i32
      %dma_wait3A_109 = tpu.memref_slice %arg13[%mul3A_96, %dma_wait3A_108] : memref<10240x32xf32, #tpu.memory_space<vmem_shared>> -> memref<640x32xf32, #tpu.memory_space<vmem_shared>>
      tpu.wait_dma2 semaphore(%run_scoped3A : memref<!tpu.dma_semaphore, #tpu.memory_space<semaphore_mem>>) src(%dma_wait3A_109 : memref<640x32xf32, #tpu.memory_space<vmem_shared>>) dst(%dma_wait3A_107 : memref<640x32xf32, #tpu.memory_space<hbm>>)
      tpu.yield
    }) : () -> ()
    return
  }
}

#map = affine_map<(d0, d1) -> (0, 0, 0)>
#map1 = affine_map<(d0, d1) -> (0, 0)>
module attributes {stable_mosaic.version = 14 : i64} {
  func.func @_deg_body(%arg0: i32, %arg1: i32, %arg2: memref<32x84x128xi32, #tpu.memory_space<hbm>>, %arg3: memref<5x128xi32, #tpu.memory_space<hbm>>, %arg4: memref<640x16xf32, #tpu.memory_space<hbm>>, %arg5: memref<1280x16xf32, #tpu.memory_space<hbm>>, %arg6: memref<84x128xi32, #tpu.memory_space<vmem>>, %arg7: memref<640x16xf32, #tpu.memory_space<vmem>>, %arg8: memref<5x128xi32, #tpu.memory_space<vmem>>, %arg9: memref<640x16xf32, #tpu.memory_space<vmem_shared>>) attributes {dimension_semantics = [#tpu.dimension_semantics<core_parallel>, #tpu.dimension_semantics<subcore_parallel>], iteration_bounds = array<i64: 2, 16>, scalar_prefetch = 0 : i64, scratch_operands = 4 : i64, tpu.core_type = #tpu.core_type<sc_vector_subcore>, window_params = [{transform_indices = #map}, {transform_indices = #map1}, {transform_indices = #map1}, {transform_indices = #map1}]} {
    %mul3A = arith.constant 16 : i32
    %mul3A_0 = arith.muli %arg0, %mul3A : i32
    %add3A = arith.addi %mul3A_0, %arg1 : i32
    "tpu.region"() ({
      %run_scoped3A_18 = tpu.sem_alloc : memref<!tpu.dma_semaphore, #tpu.memory_space<semaphore_mem>>
      tpu.enqueue_dma source(%arg4 : memref<640x16xf32, #tpu.memory_space<hbm>>) target(%arg7 : memref<640x16xf32, #tpu.memory_space<vmem>>) target_semaphore(%run_scoped3A_18 : memref<!tpu.dma_semaphore, #tpu.memory_space<semaphore_mem>>)
      tpu.wait_dma2 semaphore(%run_scoped3A_18 : memref<!tpu.dma_semaphore, #tpu.memory_space<semaphore_mem>>) src(%arg4 : memref<640x16xf32, #tpu.memory_space<hbm>>) dst(%arg7 : memref<640x16xf32, #tpu.memory_space<vmem>>)
      tpu.yield
    }) : () -> ()
    "tpu.region"() ({
      %run_scoped3A_18 = tpu.sem_alloc : memref<!tpu.dma_semaphore, #tpu.memory_space<semaphore_mem>>
      tpu.enqueue_dma source(%arg3 : memref<5x128xi32, #tpu.memory_space<hbm>>) target(%arg8 : memref<5x128xi32, #tpu.memory_space<vmem>>) target_semaphore(%run_scoped3A_18 : memref<!tpu.dma_semaphore, #tpu.memory_space<semaphore_mem>>)
      tpu.wait_dma2 semaphore(%run_scoped3A_18 : memref<!tpu.dma_semaphore, #tpu.memory_space<semaphore_mem>>) src(%arg3 : memref<5x128xi32, #tpu.memory_space<hbm>>) dst(%arg8 : memref<5x128xi32, #tpu.memory_space<vmem>>)
      tpu.yield
    }) : () -> ()
    "tpu.region"() ({
      %run_scoped3A_18 = tpu.sem_alloc : memref<!tpu.dma_semaphore, #tpu.memory_space<semaphore_mem>>
      %dma_start3A = arith.constant 0 : i32
      %dma_start3A_19 = arith.constant 0 : i32
      %dma_start3A_20 = tpu.memref_slice %arg2[%add3A, %dma_start3A, %dma_start3A_19] : memref<32x84x128xi32, #tpu.memory_space<hbm>> -> memref<1x84x128xi32, #tpu.memory_space<hbm>>
      %dma_start3A_21 = tpu.memref_squeeze %dma_start3A_20 : memref<1x84x128xi32, #tpu.memory_space<hbm>> -> memref<84x128xi32, #tpu.memory_space<hbm>>
      %dma_start3A_22 = arith.constant 0 : i32
      %dma_start3A_23 = arith.constant 0 : i32
      %dma_start3A_24 = tpu.memref_slice %arg2[%add3A, %dma_start3A_22, %dma_start3A_23] : memref<32x84x128xi32, #tpu.memory_space<hbm>> -> memref<1x84x128xi32, #tpu.memory_space<hbm>>
      %dma_start3A_25 = tpu.memref_squeeze %dma_start3A_24 : memref<1x84x128xi32, #tpu.memory_space<hbm>> -> memref<84x128xi32, #tpu.memory_space<hbm>>
      tpu.enqueue_dma source(%dma_start3A_25 : memref<84x128xi32, #tpu.memory_space<hbm>>) target(%arg6 : memref<84x128xi32, #tpu.memory_space<vmem>>) target_semaphore(%run_scoped3A_18 : memref<!tpu.dma_semaphore, #tpu.memory_space<semaphore_mem>>)
      %dma_wait3A = arith.constant 0 : i32
      %dma_wait3A_26 = arith.constant 0 : i32
      %dma_wait3A_27 = tpu.memref_slice %arg2[%add3A, %dma_wait3A, %dma_wait3A_26] : memref<32x84x128xi32, #tpu.memory_space<hbm>> -> memref<1x84x128xi32, #tpu.memory_space<hbm>>
      %dma_wait3A_28 = tpu.memref_squeeze %dma_wait3A_27 : memref<1x84x128xi32, #tpu.memory_space<hbm>> -> memref<84x128xi32, #tpu.memory_space<hbm>>
      %dma_wait3A_29 = arith.constant 0 : i32
      %dma_wait3A_30 = arith.constant 0 : i32
      %dma_wait3A_31 = tpu.memref_slice %arg2[%add3A, %dma_wait3A_29, %dma_wait3A_30] : memref<32x84x128xi32, #tpu.memory_space<hbm>> -> memref<1x84x128xi32, #tpu.memory_space<hbm>>
      %dma_wait3A_32 = tpu.memref_squeeze %dma_wait3A_31 : memref<1x84x128xi32, #tpu.memory_space<hbm>> -> memref<84x128xi32, #tpu.memory_space<hbm>>
      tpu.wait_dma2 semaphore(%run_scoped3A_18 : memref<!tpu.dma_semaphore, #tpu.memory_space<semaphore_mem>>) src(%dma_wait3A_32 : memref<84x128xi32, #tpu.memory_space<hbm>>) dst(%arg6 : memref<84x128xi32, #tpu.memory_space<vmem>>)
      tpu.yield
    }) : () -> ()
    %eq3A = arith.constant 0 : i32
    %eq3A_1 = arith.cmpi eq, %arg1, %eq3A : i32
    %convert_element_type3A = arith.extui %eq3A_1 : i1 to i32
    %cond3A = arith.constant 0 : i32
    %cond3A_2 = arith.cmpi ne, %convert_element_type3A, %cond3A : i32
    scf.if %cond3A_2 {
      "tpu.region"() ({
        %run_scoped3A_18 = tpu.sem_alloc : memref<!tpu.dma_semaphore, #tpu.memory_space<semaphore_mem>>
        tpu.enqueue_dma source(%arg4 : memref<640x16xf32, #tpu.memory_space<hbm>>) target(%arg9 : memref<640x16xf32, #tpu.memory_space<vmem_shared>>) target_semaphore(%run_scoped3A_18 : memref<!tpu.dma_semaphore, #tpu.memory_space<semaphore_mem>>)
        tpu.wait_dma2 semaphore(%run_scoped3A_18 : memref<!tpu.dma_semaphore, #tpu.memory_space<semaphore_mem>>) src(%arg4 : memref<640x16xf32, #tpu.memory_space<hbm>>) dst(%arg9 : memref<640x16xf32, #tpu.memory_space<vmem_shared>>)
        tpu.yield
      }) : () -> ()
    } else {
    }
    %barrier3A = arith.constant 0 : index
    tpu.barrier barrier_id(%barrier3A)
    %scan3A = arith.constant 0 : i32
    %scan3A_3 = arith.constant 0 : i32
    %scan3A_4 = arith.constant 84 : i32
    %scan3A_5 = arith.addi %scan3A_3, %scan3A_4 : i32
    %scan3A_6 = arith.constant 1 : i32
    scf.for %scan3A_18 = %scan3A_3 to %scan3A_5 step %scan3A_6  : i32 {
      %scan3A_19 = arith.constant 0 : i32
      %scan3A_20 = arith.constant 8 : i32
      %scan3A_21 = arith.addi %scan3A_19, %scan3A_20 : i32
      %scan3A_22 = arith.constant 1 : i32
      scf.for %scan3A_24 = %scan3A_19 to %scan3A_21 step %scan3A_22  : i32 {
        %mul3A_25 = arith.constant 16 : i32
        %mul3A_26 = arith.muli %scan3A_24, %mul3A_25 : i32
        %get3A = arith.index_cast %scan3A_18 : i32 to index
        %get3A_27 = arith.index_cast %mul3A_26 : i32 to index
        %get3A_28 = tpu.vector_load %arg6[%get3A, %get3A_27] {strides = array<i32>} : memref<84x128xi32, #tpu.memory_space<vmem>>, vector<16xi32>,
        %broadcast_in_dim3A = arith.constant true
        %broadcast_in_dim3A_29 = vector.broadcast %broadcast_in_dim3A : i1 to vector<16xi1>
        %unique3A, %unique3A_30 = tpu.scan_count mask(%broadcast_in_dim3A_29 : vector<16xi1>) value(%get3A_28 : vector<16xi32>) : vector<16xi1>, vector<16xi32>
        %shift_right_logical3A = arith.constant 4 : i32
        %shift_right_logical3A_31 = vector.broadcast %shift_right_logical3A : i32 to vector<16xi32>
        %shift_right_logical3A_32 = arith.shrui %get3A_28, %shift_right_logical3A_31 : vector<16xi32>
        %and3A = arith.constant 15 : i32
        %and3A_33 = vector.broadcast %and3A : i32 to vector<16xi32>
        %and3A_34 = arith.andi %get3A_28, %and3A_33 : vector<16xi32>
        %convert_element_type3A_35 = arith.sitofp %unique3A_30 : vector<16xi32> to vector<16xf32>
        tpu.vector_store_idx %arg7[%shift_right_logical3A_32, %and3A_34], %convert_element_type3A_35 masked %unique3A {add = true} : memref<640x16xf32, #tpu.memory_space<vmem>>[vector<16xi32>, vector<16xi32>], vector<16xf32>, vector<16xi1>
      }
      %scan3A_23 = arith.constant 8 : i32
    }
    %scan3A_7 = arith.constant 84 : i32
    %run_scoped3A = arith.constant 0 : i32
    "tpu.region"() ({
      %run_scoped3A_18 = tpu.sem_alloc : memref<!tpu.dma_semaphore, #tpu.memory_space<semaphore_mem>>
      %dma_start3A = arith.constant 0 : i32
      %dma_start3A_19 = arith.constant 0 : i32
      %dma_start3A_20 = tpu.memref_slice %arg7[%dma_start3A, %dma_start3A_19] : memref<640x16xf32, #tpu.memory_space<vmem>> -> memref<128x16xf32, #tpu.memory_space<vmem>>
      %dma_start3A_21 = arith.constant 0 : i32
      %dma_start3A_22 = tpu.memref_slice %arg8[%run_scoped3A, %dma_start3A_21] : memref<5x128xi32, #tpu.memory_space<vmem>> -> memref<1x128xi32, #tpu.memory_space<vmem>>
      %dma_start3A_23 = tpu.memref_squeeze %dma_start3A_22 : memref<1x128xi32, #tpu.memory_space<vmem>> -> memref<128xi32, #tpu.memory_space<vmem>>
      %dma_start3A_24 = arith.constant 0 : i32
      %dma_start3A_25 = arith.constant 0 : i32
      %dma_start3A_26 = tpu.memref_slice %arg9[%dma_start3A_24, %dma_start3A_25] : memref<640x16xf32, #tpu.memory_space<vmem_shared>> -> memref<640x16xf32, #tpu.memory_space<vmem_shared>>
      tpu.enqueue_indirect_dma source(%dma_start3A_20 : memref<128x16xf32, #tpu.memory_space<vmem>>) target(%dma_start3A_26 : memref<640x16xf32, #tpu.memory_space<vmem_shared>>) offsets(%dma_start3A_23 : memref<128xi32, #tpu.memory_space<vmem>>) semaphore(%run_scoped3A_18 : memref<!tpu.dma_semaphore, #tpu.memory_space<semaphore_mem>>) {add = true}
      %dma_wait3A = arith.constant 0 : i32
      %dma_wait3A_27 = arith.constant 0 : i32
      %dma_wait3A_28 = tpu.memref_slice %arg7[%dma_wait3A, %dma_wait3A_27] : memref<640x16xf32, #tpu.memory_space<vmem>> -> memref<128x16xf32, #tpu.memory_space<vmem>>
      %dma_wait3A_29 = arith.constant 0 : i32
      %dma_wait3A_30 = tpu.memref_slice %arg8[%run_scoped3A, %dma_wait3A_29] : memref<5x128xi32, #tpu.memory_space<vmem>> -> memref<1x128xi32, #tpu.memory_space<vmem>>
      %dma_wait3A_31 = tpu.memref_squeeze %dma_wait3A_30 : memref<1x128xi32, #tpu.memory_space<vmem>> -> memref<128xi32, #tpu.memory_space<vmem>>
      %dma_wait3A_32 = arith.constant 0 : i32
      %dma_wait3A_33 = arith.constant 0 : i32
      %dma_wait3A_34 = tpu.memref_slice %arg9[%dma_wait3A_32, %dma_wait3A_33] : memref<640x16xf32, #tpu.memory_space<vmem_shared>> -> memref<640x16xf32, #tpu.memory_space<vmem_shared>>
      tpu.wait_indirect_dma semaphore(%run_scoped3A_18 : memref<!tpu.dma_semaphore, #tpu.memory_space<semaphore_mem>>) src(%dma_wait3A_28 : memref<128x16xf32, #tpu.memory_space<vmem>>) dst(%dma_wait3A_34 : memref<640x16xf32, #tpu.memory_space<vmem_shared>>)
      tpu.yield
    }) : () -> ()
    %run_scoped3A_8 = arith.constant 1 : i32
    "tpu.region"() ({
      %run_scoped3A_18 = tpu.sem_alloc : memref<!tpu.dma_semaphore, #tpu.memory_space<semaphore_mem>>
      %dma_start3A = arith.constant 128 : i32
      %dma_start3A_19 = arith.constant 0 : i32
      %dma_start3A_20 = tpu.memref_slice %arg7[%dma_start3A, %dma_start3A_19] : memref<640x16xf32, #tpu.memory_space<vmem>> -> memref<128x16xf32, #tpu.memory_space<vmem>>
      %dma_start3A_21 = arith.constant 0 : i32
      %dma_start3A_22 = tpu.memref_slice %arg8[%run_scoped3A_8, %dma_start3A_21] : memref<5x128xi32, #tpu.memory_space<vmem>> -> memref<1x128xi32, #tpu.memory_space<vmem>>
      %dma_start3A_23 = tpu.memref_squeeze %dma_start3A_22 : memref<1x128xi32, #tpu.memory_space<vmem>> -> memref<128xi32, #tpu.memory_space<vmem>>
      %dma_start3A_24 = arith.constant 0 : i32
      %dma_start3A_25 = arith.constant 0 : i32
      %dma_start3A_26 = tpu.memref_slice %arg9[%dma_start3A_24, %dma_start3A_25] : memref<640x16xf32, #tpu.memory_space<vmem_shared>> -> memref<640x16xf32, #tpu.memory_space<vmem_shared>>
      tpu.enqueue_indirect_dma source(%dma_start3A_20 : memref<128x16xf32, #tpu.memory_space<vmem>>) target(%dma_start3A_26 : memref<640x16xf32, #tpu.memory_space<vmem_shared>>) offsets(%dma_start3A_23 : memref<128xi32, #tpu.memory_space<vmem>>) semaphore(%run_scoped3A_18 : memref<!tpu.dma_semaphore, #tpu.memory_space<semaphore_mem>>) {add = true}
      %dma_wait3A = arith.constant 128 : i32
      %dma_wait3A_27 = arith.constant 0 : i32
      %dma_wait3A_28 = tpu.memref_slice %arg7[%dma_wait3A, %dma_wait3A_27] : memref<640x16xf32, #tpu.memory_space<vmem>> -> memref<128x16xf32, #tpu.memory_space<vmem>>
      %dma_wait3A_29 = arith.constant 0 : i32
      %dma_wait3A_30 = tpu.memref_slice %arg8[%run_scoped3A_8, %dma_wait3A_29] : memref<5x128xi32, #tpu.memory_space<vmem>> -> memref<1x128xi32, #tpu.memory_space<vmem>>
      %dma_wait3A_31 = tpu.memref_squeeze %dma_wait3A_30 : memref<1x128xi32, #tpu.memory_space<vmem>> -> memref<128xi32, #tpu.memory_space<vmem>>
      %dma_wait3A_32 = arith.constant 0 : i32
      %dma_wait3A_33 = arith.constant 0 : i32
      %dma_wait3A_34 = tpu.memref_slice %arg9[%dma_wait3A_32, %dma_wait3A_33] : memref<640x16xf32, #tpu.memory_space<vmem_shared>> -> memref<640x16xf32, #tpu.memory_space<vmem_shared>>
      tpu.wait_indirect_dma semaphore(%run_scoped3A_18 : memref<!tpu.dma_semaphore, #tpu.memory_space<semaphore_mem>>) src(%dma_wait3A_28 : memref<128x16xf32, #tpu.memory_space<vmem>>) dst(%dma_wait3A_34 : memref<640x16xf32, #tpu.memory_space<vmem_shared>>)
      tpu.yield
    }) : () -> ()
    %run_scoped3A_9 = arith.constant 2 : i32
    "tpu.region"() ({
      %run_scoped3A_18 = tpu.sem_alloc : memref<!tpu.dma_semaphore, #tpu.memory_space<semaphore_mem>>
      %dma_start3A = arith.constant 256 : i32
      %dma_start3A_19 = arith.constant 0 : i32
      %dma_start3A_20 = tpu.memref_slice %arg7[%dma_start3A, %dma_start3A_19] : memref<640x16xf32, #tpu.memory_space<vmem>> -> memref<128x16xf32, #tpu.memory_space<vmem>>
      %dma_start3A_21 = arith.constant 0 : i32
      %dma_start3A_22 = tpu.memref_slice %arg8[%run_scoped3A_9, %dma_start3A_21] : memref<5x128xi32, #tpu.memory_space<vmem>> -> memref<1x128xi32, #tpu.memory_space<vmem>>
      %dma_start3A_23 = tpu.memref_squeeze %dma_start3A_22 : memref<1x128xi32, #tpu.memory_space<vmem>> -> memref<128xi32, #tpu.memory_space<vmem>>
      %dma_start3A_24 = arith.constant 0 : i32
      %dma_start3A_25 = arith.constant 0 : i32
      %dma_start3A_26 = tpu.memref_slice %arg9[%dma_start3A_24, %dma_start3A_25] : memref<640x16xf32, #tpu.memory_space<vmem_shared>> -> memref<640x16xf32, #tpu.memory_space<vmem_shared>>
      tpu.enqueue_indirect_dma source(%dma_start3A_20 : memref<128x16xf32, #tpu.memory_space<vmem>>) target(%dma_start3A_26 : memref<640x16xf32, #tpu.memory_space<vmem_shared>>) offsets(%dma_start3A_23 : memref<128xi32, #tpu.memory_space<vmem>>) semaphore(%run_scoped3A_18 : memref<!tpu.dma_semaphore, #tpu.memory_space<semaphore_mem>>) {add = true}
      %dma_wait3A = arith.constant 256 : i32
      %dma_wait3A_27 = arith.constant 0 : i32
      %dma_wait3A_28 = tpu.memref_slice %arg7[%dma_wait3A, %dma_wait3A_27] : memref<640x16xf32, #tpu.memory_space<vmem>> -> memref<128x16xf32, #tpu.memory_space<vmem>>
      %dma_wait3A_29 = arith.constant 0 : i32
      %dma_wait3A_30 = tpu.memref_slice %arg8[%run_scoped3A_9, %dma_wait3A_29] : memref<5x128xi32, #tpu.memory_space<vmem>> -> memref<1x128xi32, #tpu.memory_space<vmem>>
      %dma_wait3A_31 = tpu.memref_squeeze %dma_wait3A_30 : memref<1x128xi32, #tpu.memory_space<vmem>> -> memref<128xi32, #tpu.memory_space<vmem>>
      %dma_wait3A_32 = arith.constant 0 : i32
      %dma_wait3A_33 = arith.constant 0 : i32
      %dma_wait3A_34 = tpu.memref_slice %arg9[%dma_wait3A_32, %dma_wait3A_33] : memref<640x16xf32, #tpu.memory_space<vmem_shared>> -> memref<640x16xf32, #tpu.memory_space<vmem_shared>>
      tpu.wait_indirect_dma semaphore(%run_scoped3A_18 : memref<!tpu.dma_semaphore, #tpu.memory_space<semaphore_mem>>) src(%dma_wait3A_28 : memref<128x16xf32, #tpu.memory_space<vmem>>) dst(%dma_wait3A_34 : memref<640x16xf32, #tpu.memory_space<vmem_shared>>)
      tpu.yield
    }) : () -> ()
    %run_scoped3A_10 = arith.constant 3 : i32
    "tpu.region"() ({
      %run_scoped3A_18 = tpu.sem_alloc : memref<!tpu.dma_semaphore, #tpu.memory_space<semaphore_mem>>
      %dma_start3A = arith.constant 384 : i32
      %dma_start3A_19 = arith.constant 0 : i32
      %dma_start3A_20 = tpu.memref_slice %arg7[%dma_start3A, %dma_start3A_19] : memref<640x16xf32, #tpu.memory_space<vmem>> -> memref<128x16xf32, #tpu.memory_space<vmem>>
      %dma_start3A_21 = arith.constant 0 : i32
      %dma_start3A_22 = tpu.memref_slice %arg8[%run_scoped3A_10, %dma_start3A_21] : memref<5x128xi32, #tpu.memory_space<vmem>> -> memref<1x128xi32, #tpu.memory_space<vmem>>
      %dma_start3A_23 = tpu.memref_squeeze %dma_start3A_22 : memref<1x128xi32, #tpu.memory_space<vmem>> -> memref<128xi32, #tpu.memory_space<vmem>>
      %dma_start3A_24 = arith.constant 0 : i32
      %dma_start3A_25 = arith.constant 0 : i32
      %dma_start3A_26 = tpu.memref_slice %arg9[%dma_start3A_24, %dma_start3A_25] : memref<640x16xf32, #tpu.memory_space<vmem_shared>> -> memref<640x16xf32, #tpu.memory_space<vmem_shared>>
      tpu.enqueue_indirect_dma source(%dma_start3A_20 : memref<128x16xf32, #tpu.memory_space<vmem>>) target(%dma_start3A_26 : memref<640x16xf32, #tpu.memory_space<vmem_shared>>) offsets(%dma_start3A_23 : memref<128xi32, #tpu.memory_space<vmem>>) semaphore(%run_scoped3A_18 : memref<!tpu.dma_semaphore, #tpu.memory_space<semaphore_mem>>) {add = true}
      %dma_wait3A = arith.constant 384 : i32
      %dma_wait3A_27 = arith.constant 0 : i32
      %dma_wait3A_28 = tpu.memref_slice %arg7[%dma_wait3A, %dma_wait3A_27] : memref<640x16xf32, #tpu.memory_space<vmem>> -> memref<128x16xf32, #tpu.memory_space<vmem>>
      %dma_wait3A_29 = arith.constant 0 : i32
      %dma_wait3A_30 = tpu.memref_slice %arg8[%run_scoped3A_10, %dma_wait3A_29] : memref<5x128xi32, #tpu.memory_space<vmem>> -> memref<1x128xi32, #tpu.memory_space<vmem>>
      %dma_wait3A_31 = tpu.memref_squeeze %dma_wait3A_30 : memref<1x128xi32, #tpu.memory_space<vmem>> -> memref<128xi32, #tpu.memory_space<vmem>>
      %dma_wait3A_32 = arith.constant 0 : i32
      %dma_wait3A_33 = arith.constant 0 : i32
      %dma_wait3A_34 = tpu.memref_slice %arg9[%dma_wait3A_32, %dma_wait3A_33] : memref<640x16xf32, #tpu.memory_space<vmem_shared>> -> memref<640x16xf32, #tpu.memory_space<vmem_shared>>
      tpu.wait_indirect_dma semaphore(%run_scoped3A_18 : memref<!tpu.dma_semaphore, #tpu.memory_space<semaphore_mem>>) src(%dma_wait3A_28 : memref<128x16xf32, #tpu.memory_space<vmem>>) dst(%dma_wait3A_34 : memref<640x16xf32, #tpu.memory_space<vmem_shared>>)
      tpu.yield
    }) : () -> ()
    %run_scoped3A_11 = arith.constant 4 : i32
    "tpu.region"() ({
      %run_scoped3A_18 = tpu.sem_alloc : memref<!tpu.dma_semaphore, #tpu.memory_space<semaphore_mem>>
      %dma_start3A = arith.constant 512 : i32
      %dma_start3A_19 = arith.constant 0 : i32
      %dma_start3A_20 = tpu.memref_slice %arg7[%dma_start3A, %dma_start3A_19] : memref<640x16xf32, #tpu.memory_space<vmem>> -> memref<128x16xf32, #tpu.memory_space<vmem>>
      %dma_start3A_21 = arith.constant 0 : i32
      %dma_start3A_22 = tpu.memref_slice %arg8[%run_scoped3A_11, %dma_start3A_21] : memref<5x128xi32, #tpu.memory_space<vmem>> -> memref<1x128xi32, #tpu.memory_space<vmem>>
      %dma_start3A_23 = tpu.memref_squeeze %dma_start3A_22 : memref<1x128xi32, #tpu.memory_space<vmem>> -> memref<128xi32, #tpu.memory_space<vmem>>
      %dma_start3A_24 = arith.constant 0 : i32
      %dma_start3A_25 = arith.constant 0 : i32
      %dma_start3A_26 = tpu.memref_slice %arg9[%dma_start3A_24, %dma_start3A_25] : memref<640x16xf32, #tpu.memory_space<vmem_shared>> -> memref<640x16xf32, #tpu.memory_space<vmem_shared>>
      tpu.enqueue_indirect_dma source(%dma_start3A_20 : memref<128x16xf32, #tpu.memory_space<vmem>>) target(%dma_start3A_26 : memref<640x16xf32, #tpu.memory_space<vmem_shared>>) offsets(%dma_start3A_23 : memref<128xi32, #tpu.memory_space<vmem>>) semaphore(%run_scoped3A_18 : memref<!tpu.dma_semaphore, #tpu.memory_space<semaphore_mem>>) {add = true}
      %dma_wait3A = arith.constant 512 : i32
      %dma_wait3A_27 = arith.constant 0 : i32
      %dma_wait3A_28 = tpu.memref_slice %arg7[%dma_wait3A, %dma_wait3A_27] : memref<640x16xf32, #tpu.memory_space<vmem>> -> memref<128x16xf32, #tpu.memory_space<vmem>>
      %dma_wait3A_29 = arith.constant 0 : i32
      %dma_wait3A_30 = tpu.memref_slice %arg8[%run_scoped3A_11, %dma_wait3A_29] : memref<5x128xi32, #tpu.memory_space<vmem>> -> memref<1x128xi32, #tpu.memory_space<vmem>>
      %dma_wait3A_31 = tpu.memref_squeeze %dma_wait3A_30 : memref<1x128xi32, #tpu.memory_space<vmem>> -> memref<128xi32, #tpu.memory_space<vmem>>
      %dma_wait3A_32 = arith.constant 0 : i32
      %dma_wait3A_33 = arith.constant 0 : i32
      %dma_wait3A_34 = tpu.memref_slice %arg9[%dma_wait3A_32, %dma_wait3A_33] : memref<640x16xf32, #tpu.memory_space<vmem_shared>> -> memref<640x16xf32, #tpu.memory_space<vmem_shared>>
      tpu.wait_indirect_dma semaphore(%run_scoped3A_18 : memref<!tpu.dma_semaphore, #tpu.memory_space<semaphore_mem>>) src(%dma_wait3A_28 : memref<128x16xf32, #tpu.memory_space<vmem>>) dst(%dma_wait3A_34 : memref<640x16xf32, #tpu.memory_space<vmem_shared>>)
      tpu.yield
    }) : () -> ()
    %barrier3A_12 = arith.constant 0 : index
    tpu.barrier barrier_id(%barrier3A_12)
    %eq3A_13 = arith.constant 0 : i32
    %eq3A_14 = arith.cmpi eq, %arg1, %eq3A_13 : i32
    %convert_element_type3A_15 = arith.extui %eq3A_14 : i1 to i32
    %cond3A_16 = arith.constant 0 : i32
    %cond3A_17 = arith.cmpi ne, %convert_element_type3A_15, %cond3A_16 : i32
    scf.if %cond3A_17 {
      %mul3A_18 = arith.constant 640 : i32
      %mul3A_19 = arith.muli %arg0, %mul3A_18 : i32
      "tpu.region"() ({
        %run_scoped3A_20 = tpu.sem_alloc : memref<!tpu.dma_semaphore, #tpu.memory_space<semaphore_mem>>
        %dma_start3A = arith.constant 0 : i32
        %dma_start3A_21 = tpu.memref_slice %arg5[%mul3A_19, %dma_start3A] : memref<1280x16xf32, #tpu.memory_space<hbm>> -> memref<640x16xf32, #tpu.memory_space<hbm>>
        tpu.enqueue_dma source(%arg9 : memref<640x16xf32, #tpu.memory_space<vmem_shared>>) target(%dma_start3A_21 : memref<640x16xf32, #tpu.memory_space<hbm>>) target_semaphore(%run_scoped3A_20 : memref<!tpu.dma_semaphore, #tpu.memory_space<semaphore_mem>>)
        %dma_wait3A = arith.constant 0 : i32
        %dma_wait3A_22 = tpu.memref_slice %arg5[%mul3A_19, %dma_wait3A] : memref<1280x16xf32, #tpu.memory_space<hbm>> -> memref<640x16xf32, #tpu.memory_space<hbm>>
        tpu.wait_dma2 semaphore(%run_scoped3A_20 : memref<!tpu.dma_semaphore, #tpu.memory_space<semaphore_mem>>) src(%arg9 : memref<640x16xf32, #tpu.memory_space<vmem_shared>>) dst(%dma_wait3A_22 : memref<640x16xf32, #tpu.memory_space<hbm>>)
        tpu.yield
      }) : () -> ()
    } else {
    }
    return
  }
}

#map = affine_map<(d0, d1) -> (0, 0)>
module attributes {stable_mosaic.version = 14 : i64} {
  func.func @_mp_body(%arg0: i32, %arg1: i32, %arg2: memref<10000x16xf32, #tpu.memory_space<hbm>>, %arg3: memref<2688x128xi32, #tpu.memory_space<hbm>>, %arg4: memref<2688x128xi32, #tpu.memory_space<hbm>>, %arg5: memref<10240x16xf32, #tpu.memory_space<hbm>>, %arg6: memref<20480x16xf32, #tpu.memory_space<hbm>>, %arg7: memref<84x128xi32, #tpu.memory_space<vmem>>, %arg8: memref<84x128xi32, #tpu.memory_space<vmem>>, %arg9: memref<128x16xf32, #tpu.memory_space<vmem>>, %arg10: memref<128x16xf32, #tpu.memory_space<vmem>>, %arg11: memref<128x16xf32, #tpu.memory_space<vmem>>, %arg12: memref<128x16xf32, #tpu.memory_space<vmem>>, %arg13: memref<10240x16xf32, #tpu.memory_space<vmem_shared>>, %arg14: memref<!tpu.dma_semaphore, #tpu.memory_space<semaphore_mem>>, %arg15: memref<!tpu.dma_semaphore, #tpu.memory_space<semaphore_mem>>) attributes {dimension_semantics = [#tpu.dimension_semantics<core_parallel>, #tpu.dimension_semantics<subcore_parallel>], iteration_bounds = array<i64: 2, 16>, scalar_prefetch = 0 : i64, scratch_operands = 9 : i64, tpu.core_type = #tpu.core_type<sc_vector_subcore>, window_params = [{transform_indices = #map}, {transform_indices = #map}, {transform_indices = #map}, {transform_indices = #map}, {transform_indices = #map}]} {
    %eq3A = arith.constant 0 : i32
    %eq3A_0 = arith.cmpi eq, %arg0, %eq3A : i32
    %mul3A = arith.constant 84 : i32
    %mul3A_1 = arith.muli %arg1, %mul3A : i32
    %mul3A_2 = arith.constant 84 : i32
    %mul3A_3 = arith.muli %arg1, %mul3A_2 : i32
    %add3A = arith.constant 1344 : i32
    %add3A_4 = arith.addi %add3A, %mul3A_3 : i32
    %select_n3A = arith.select %eq3A_0, %mul3A_1, %add3A_4 : i32
    %multiple_of3A = tpu.assume_multiple %select_n3A, 8 : i32
    %eq3A_5 = arith.constant 0 : i32
    %eq3A_6 = arith.cmpi eq, %arg0, %eq3A_5 : i32
    %jit3A = arith.constant 84 : i32
    %jit3A_7 = arith.constant 84 : i32
    %select_n3A_8 = arith.select %eq3A_6, %jit3A, %jit3A_7 : i32
    "tpu.region"() ({
      %run_scoped3A = tpu.sem_alloc : memref<!tpu.dma_semaphore, #tpu.memory_space<semaphore_mem>>
      %dma_start3A_102 = arith.constant 0 : i32
      %dma_start3A_103 = tpu.memref_slice %arg3[%multiple_of3A, %dma_start3A_102] : memref<2688x128xi32, #tpu.memory_space<hbm>> -> memref<84x128xi32, #tpu.memory_space<hbm>>
      %dma_start3A_104 = arith.constant 0 : i32
      %dma_start3A_105 = tpu.memref_slice %arg3[%multiple_of3A, %dma_start3A_104] : memref<2688x128xi32, #tpu.memory_space<hbm>> -> memref<84x128xi32, #tpu.memory_space<hbm>>
      tpu.enqueue_dma source(%dma_start3A_105 : memref<84x128xi32, #tpu.memory_space<hbm>>) target(%arg7 : memref<84x128xi32, #tpu.memory_space<vmem>>) target_semaphore(%run_scoped3A : memref<!tpu.dma_semaphore, #tpu.memory_space<semaphore_mem>>)
      %dma_wait3A_106 = arith.constant 0 : i32
      %dma_wait3A_107 = tpu.memref_slice %arg3[%multiple_of3A, %dma_wait3A_106] : memref<2688x128xi32, #tpu.memory_space<hbm>> -> memref<84x128xi32, #tpu.memory_space<hbm>>
      %dma_wait3A_108 = arith.constant 0 : i32
      %dma_wait3A_109 = tpu.memref_slice %arg3[%multiple_of3A, %dma_wait3A_108] : memref<2688x128xi32, #tpu.memory_space<hbm>> -> memref<84x128xi32, #tpu.memory_space<hbm>>
      tpu.wait_dma2 semaphore(%run_scoped3A : memref<!tpu.dma_semaphore, #tpu.memory_space<semaphore_mem>>) src(%dma_wait3A_109 : memref<84x128xi32, #tpu.memory_space<hbm>>) dst(%arg7 : memref<84x128xi32, #tpu.memory_space<vmem>>)
      tpu.yield
    }) : () -> ()
    "tpu.region"() ({
      %run_scoped3A = tpu.sem_alloc : memref<!tpu.dma_semaphore, #tpu.memory_space<semaphore_mem>>
      %dma_start3A_102 = arith.constant 0 : i32
      %dma_start3A_103 = tpu.memref_slice %arg4[%multiple_of3A, %dma_start3A_102] : memref<2688x128xi32, #tpu.memory_space<hbm>> -> memref<84x128xi32, #tpu.memory_space<hbm>>
      %dma_start3A_104 = arith.constant 0 : i32
      %dma_start3A_105 = tpu.memref_slice %arg4[%multiple_of3A, %dma_start3A_104] : memref<2688x128xi32, #tpu.memory_space<hbm>> -> memref<84x128xi32, #tpu.memory_space<hbm>>
      tpu.enqueue_dma source(%dma_start3A_105 : memref<84x128xi32, #tpu.memory_space<hbm>>) target(%arg8 : memref<84x128xi32, #tpu.memory_space<vmem>>) target_semaphore(%run_scoped3A : memref<!tpu.dma_semaphore, #tpu.memory_space<semaphore_mem>>)
      %dma_wait3A_106 = arith.constant 0 : i32
      %dma_wait3A_107 = tpu.memref_slice %arg4[%multiple_of3A, %dma_wait3A_106] : memref<2688x128xi32, #tpu.memory_space<hbm>> -> memref<84x128xi32, #tpu.memory_space<hbm>>
      %dma_wait3A_108 = arith.constant 0 : i32
      %dma_wait3A_109 = tpu.memref_slice %arg4[%multiple_of3A, %dma_wait3A_108] : memref<2688x128xi32, #tpu.memory_space<hbm>> -> memref<84x128xi32, #tpu.memory_space<hbm>>
      tpu.wait_dma2 semaphore(%run_scoped3A : memref<!tpu.dma_semaphore, #tpu.memory_space<semaphore_mem>>) src(%dma_wait3A_109 : memref<84x128xi32, #tpu.memory_space<hbm>>) dst(%arg8 : memref<84x128xi32, #tpu.memory_space<vmem>>)
      tpu.yield
    }) : () -> ()
    %mul3A_9 = arith.constant 640 : i32
    %mul3A_10 = arith.muli %arg1, %mul3A_9 : i32
    %mul3A_11 = arith.constant 640 : i32
    %mul3A_12 = arith.muli %arg1, %mul3A_11 : i32
    "tpu.region"() ({
      %run_scoped3A = tpu.sem_alloc : memref<!tpu.dma_semaphore, #tpu.memory_space<semaphore_mem>>
      %dma_start3A_102 = arith.constant 0 : i32
      %dma_start3A_103 = tpu.memref_slice %arg13[%mul3A_12, %dma_start3A_102] : memref<10240x16xf32, #tpu.memory_space<vmem_shared>> -> memref<640x16xf32, #tpu.memory_space<vmem_shared>>
      %dma_start3A_104 = arith.constant 0 : i32
      %dma_start3A_105 = tpu.memref_slice %arg5[%mul3A_10, %dma_start3A_104] : memref<10240x16xf32, #tpu.memory_space<hbm>> -> memref<640x16xf32, #tpu.memory_space<hbm>>
      tpu.enqueue_dma source(%dma_start3A_105 : memref<640x16xf32, #tpu.memory_space<hbm>>) target(%dma_start3A_103 : memref<640x16xf32, #tpu.memory_space<vmem_shared>>) target_semaphore(%run_scoped3A : memref<!tpu.dma_semaphore, #tpu.memory_space<semaphore_mem>>)
      %dma_wait3A_106 = arith.constant 0 : i32
      %dma_wait3A_107 = tpu.memref_slice %arg13[%mul3A_12, %dma_wait3A_106] : memref<10240x16xf32, #tpu.memory_space<vmem_shared>> -> memref<640x16xf32, #tpu.memory_space<vmem_shared>>
      %dma_wait3A_108 = arith.constant 0 : i32
      %dma_wait3A_109 = tpu.memref_slice %arg5[%mul3A_10, %dma_wait3A_108] : memref<10240x16xf32, #tpu.memory_space<hbm>> -> memref<640x16xf32, #tpu.memory_space<hbm>>
      tpu.wait_dma2 semaphore(%run_scoped3A : memref<!tpu.dma_semaphore, #tpu.memory_space<semaphore_mem>>) src(%dma_wait3A_109 : memref<640x16xf32, #tpu.memory_space<hbm>>) dst(%dma_wait3A_107 : memref<640x16xf32, #tpu.memory_space<vmem_shared>>)
      tpu.yield
    }) : () -> ()
    %barrier3A = arith.constant 0 : index
    tpu.barrier barrier_id(%barrier3A)
    %dma_start3A = arith.constant 0 : i32
    %dma_start3A_13 = arith.constant 0 : i32
    %dma_start3A_14 = tpu.memref_slice %arg7[%dma_start3A, %dma_start3A_13] : memref<84x128xi32, #tpu.memory_space<vmem>> -> memref<1x128xi32, #tpu.memory_space<vmem>>
    %dma_start3A_15 = tpu.memref_squeeze %dma_start3A_14 : memref<1x128xi32, #tpu.memory_space<vmem>> -> memref<128xi32, #tpu.memory_space<vmem>>
    %dma_start3A_16 = arith.constant 0 : i32
    %dma_start3A_17 = arith.constant 0 : i32
    %dma_start3A_18 = tpu.memref_slice %arg2[%dma_start3A_16, %dma_start3A_17] : memref<10000x16xf32, #tpu.memory_space<hbm>> -> memref<10000x16xf32, #tpu.memory_space<hbm>>
    tpu.enqueue_indirect_dma source(%dma_start3A_18 : memref<10000x16xf32, #tpu.memory_space<hbm>>) target(%arg9 : memref<128x16xf32, #tpu.memory_space<vmem>>) offsets(%dma_start3A_15 : memref<128xi32, #tpu.memory_space<vmem>>) semaphore(%arg14 : memref<!tpu.dma_semaphore, #tpu.memory_space<semaphore_mem>>)
    %dma_start3A_19 = arith.constant 1 : i32
    %dma_start3A_20 = arith.constant 0 : i32
    %dma_start3A_21 = tpu.memref_slice %arg7[%dma_start3A_19, %dma_start3A_20] : memref<84x128xi32, #tpu.memory_space<vmem>> -> memref<1x128xi32, #tpu.memory_space<vmem>>
    %dma_start3A_22 = tpu.memref_squeeze %dma_start3A_21 : memref<1x128xi32, #tpu.memory_space<vmem>> -> memref<128xi32, #tpu.memory_space<vmem>>
    %dma_start3A_23 = arith.constant 0 : i32
    %dma_start3A_24 = arith.constant 0 : i32
    %dma_start3A_25 = tpu.memref_slice %arg2[%dma_start3A_23, %dma_start3A_24] : memref<10000x16xf32, #tpu.memory_space<hbm>> -> memref<10000x16xf32, #tpu.memory_space<hbm>>
    tpu.enqueue_indirect_dma source(%dma_start3A_25 : memref<10000x16xf32, #tpu.memory_space<hbm>>) target(%arg10 : memref<128x16xf32, #tpu.memory_space<vmem>>) offsets(%dma_start3A_22 : memref<128xi32, #tpu.memory_space<vmem>>) semaphore(%arg14 : memref<!tpu.dma_semaphore, #tpu.memory_space<semaphore_mem>>)
    %dma_start3A_26 = arith.constant 2 : i32
    %dma_start3A_27 = arith.constant 0 : i32
    %dma_start3A_28 = tpu.memref_slice %arg7[%dma_start3A_26, %dma_start3A_27] : memref<84x128xi32, #tpu.memory_space<vmem>> -> memref<1x128xi32, #tpu.memory_space<vmem>>
    %dma_start3A_29 = tpu.memref_squeeze %dma_start3A_28 : memref<1x128xi32, #tpu.memory_space<vmem>> -> memref<128xi32, #tpu.memory_space<vmem>>
    %dma_start3A_30 = arith.constant 0 : i32
    %dma_start3A_31 = arith.constant 0 : i32
    %dma_start3A_32 = tpu.memref_slice %arg2[%dma_start3A_30, %dma_start3A_31] : memref<10000x16xf32, #tpu.memory_space<hbm>> -> memref<10000x16xf32, #tpu.memory_space<hbm>>
    tpu.enqueue_indirect_dma source(%dma_start3A_32 : memref<10000x16xf32, #tpu.memory_space<hbm>>) target(%arg11 : memref<128x16xf32, #tpu.memory_space<vmem>>) offsets(%dma_start3A_29 : memref<128xi32, #tpu.memory_space<vmem>>) semaphore(%arg14 : memref<!tpu.dma_semaphore, #tpu.memory_space<semaphore_mem>>)
    %dma_start3A_33 = arith.constant 3 : i32
    %dma_start3A_34 = arith.constant 0 : i32
    %dma_start3A_35 = tpu.memref_slice %arg7[%dma_start3A_33, %dma_start3A_34] : memref<84x128xi32, #tpu.memory_space<vmem>> -> memref<1x128xi32, #tpu.memory_space<vmem>>
    %dma_start3A_36 = tpu.memref_squeeze %dma_start3A_35 : memref<1x128xi32, #tpu.memory_space<vmem>> -> memref<128xi32, #tpu.memory_space<vmem>>
    %dma_start3A_37 = arith.constant 0 : i32
    %dma_start3A_38 = arith.constant 0 : i32
    %dma_start3A_39 = tpu.memref_slice %arg2[%dma_start3A_37, %dma_start3A_38] : memref<10000x16xf32, #tpu.memory_space<hbm>> -> memref<10000x16xf32, #tpu.memory_space<hbm>>
    tpu.enqueue_indirect_dma source(%dma_start3A_39 : memref<10000x16xf32, #tpu.memory_space<hbm>>) target(%arg12 : memref<128x16xf32, #tpu.memory_space<vmem>>) offsets(%dma_start3A_36 : memref<128xi32, #tpu.memory_space<vmem>>) semaphore(%arg14 : memref<!tpu.dma_semaphore, #tpu.memory_space<semaphore_mem>>)
    %jit3A_40 = arith.constant 4 : i32
    %div3A = arith.divsi %select_n3A_8, %jit3A_40 : i32
    %sign3A = arith.constant 0 : i32
    %sign3A_41 = arith.cmpi sgt, %select_n3A_8, %sign3A : i32
    %sign3A_42 = arith.extui %sign3A_41 : i1 to i32
    %sign3A_43 = arith.constant 0 : i32
    %sign3A_44 = arith.cmpi slt, %select_n3A_8, %sign3A_43 : i32
    %sign3A_45 = arith.extui %sign3A_44 : i1 to i32
    %sign3A_46 = arith.subi %sign3A_42, %sign3A_45 : i32
    %sign3A_47 = arith.constant 0 : i32
    %sign3A_48 = arith.cmpi sgt, %jit3A_40, %sign3A_47 : i32
    %sign3A_49 = arith.extui %sign3A_48 : i1 to i32
    %sign3A_50 = arith.constant 0 : i32
    %sign3A_51 = arith.cmpi slt, %jit3A_40, %sign3A_50 : i32
    %sign3A_52 = arith.extui %sign3A_51 : i1 to i32
    %sign3A_53 = arith.subi %sign3A_49, %sign3A_52 : i32
    %ne3A = arith.cmpi ne, %sign3A_46, %sign3A_53 : i32
    %rem3A = arith.remsi %select_n3A_8, %jit3A_40 : i32
    %ne3A_54 = arith.constant 0 : i32
    %ne3A_55 = arith.cmpi ne, %rem3A, %ne3A_54 : i32
    %and3A = arith.andi %ne3A, %ne3A_55 : i1
    %sub3A = arith.constant 1 : i32
    %sub3A_56 = arith.subi %div3A, %sub3A : i32
    %select_n3A_57 = arith.select %and3A, %sub3A_56, %div3A : i32
    %while3A = arith.constant 0 : i32
    %while3A_58 = arith.constant 0 : i32
    %while3A_59 = arith.subi %select_n3A_57, %while3A_58 : i32
    %while3A_60 = arith.addi %while3A_58, %while3A_59 : i32
    %while3A_61 = arith.constant 1 : i32
    %while3A_62 = arith.divsi %while3A_59, %while3A_61 : i32
    %while3A_63 = arith.muli %while3A_62, %while3A_61 : i32
    %while3A_64 = arith.addi %while3A_58, %while3A_63 : i32
    %while3A_65 = arith.constant 1 : i32
    scf.for %while3A_102 = %while3A_58 to %while3A_64 step %while3A_65  : i32 {
      %mul3A_103 = arith.constant 4 : i32
      %mul3A_104 = arith.muli %while3A_102, %mul3A_103 : i32
      %add3A_105 = arith.constant 0 : i32
      %add3A_106 = arith.addi %mul3A_104, %add3A_105 : i32
      %dma_wait3A_107 = arith.constant 0 : i32
      %dma_wait3A_108 = tpu.memref_slice %arg7[%add3A_106, %dma_wait3A_107] : memref<84x128xi32, #tpu.memory_space<vmem>> -> memref<1x128xi32, #tpu.memory_space<vmem>>
      %dma_wait3A_109 = tpu.memref_squeeze %dma_wait3A_108 : memref<1x128xi32, #tpu.memory_space<vmem>> -> memref<128xi32, #tpu.memory_space<vmem>>
      %dma_wait3A_110 = arith.constant 0 : i32
      %dma_wait3A_111 = arith.constant 0 : i32
      %dma_wait3A_112 = tpu.memref_slice %arg2[%dma_wait3A_110, %dma_wait3A_111] : memref<10000x16xf32, #tpu.memory_space<hbm>> -> memref<10000x16xf32, #tpu.memory_space<hbm>>
      tpu.wait_indirect_dma semaphore(%arg14 : memref<!tpu.dma_semaphore, #tpu.memory_space<semaphore_mem>>) src(%dma_wait3A_112 : memref<10000x16xf32, #tpu.memory_space<hbm>>) dst(%arg9 : memref<128x16xf32, #tpu.memory_space<vmem>>)
      %add3A_113 = arith.constant 0 : i32
      %add3A_114 = arith.addi %mul3A_104, %add3A_113 : i32
      %dma_start3A_115 = arith.constant 0 : i32
      %dma_start3A_116 = tpu.memref_slice %arg8[%add3A_114, %dma_start3A_115] : memref<84x128xi32, #tpu.memory_space<vmem>> -> memref<1x128xi32, #tpu.memory_space<vmem>>
      %dma_start3A_117 = tpu.memref_squeeze %dma_start3A_116 : memref<1x128xi32, #tpu.memory_space<vmem>> -> memref<128xi32, #tpu.memory_space<vmem>>
      %dma_start3A_118 = arith.constant 0 : i32
      %dma_start3A_119 = arith.constant 0 : i32
      %dma_start3A_120 = tpu.memref_slice %arg13[%dma_start3A_118, %dma_start3A_119] : memref<10240x16xf32, #tpu.memory_space<vmem_shared>> -> memref<10240x16xf32, #tpu.memory_space<vmem_shared>>
      tpu.enqueue_indirect_dma source(%arg9 : memref<128x16xf32, #tpu.memory_space<vmem>>) target(%dma_start3A_120 : memref<10240x16xf32, #tpu.memory_space<vmem_shared>>) offsets(%dma_start3A_117 : memref<128xi32, #tpu.memory_space<vmem>>) semaphore(%arg15 : memref<!tpu.dma_semaphore, #tpu.memory_space<semaphore_mem>>) {add = true}
      %add3A_121 = arith.constant 1 : i32
      %add3A_122 = arith.addi %mul3A_104, %add3A_121 : i32
      %dma_wait3A_123 = arith.constant 0 : i32
      %dma_wait3A_124 = tpu.memref_slice %arg7[%add3A_122, %dma_wait3A_123] : memref<84x128xi32, #tpu.memory_space<vmem>> -> memref<1x128xi32, #tpu.memory_space<vmem>>
      %dma_wait3A_125 = tpu.memref_squeeze %dma_wait3A_124 : memref<1x128xi32, #tpu.memory_space<vmem>> -> memref<128xi32, #tpu.memory_space<vmem>>
      %dma_wait3A_126 = arith.constant 0 : i32
      %dma_wait3A_127 = arith.constant 0 : i32
      %dma_wait3A_128 = tpu.memref_slice %arg2[%dma_wait3A_126, %dma_wait3A_127] : memref<10000x16xf32, #tpu.memory_space<hbm>> -> memref<10000x16xf32, #tpu.memory_space<hbm>>
      tpu.wait_indirect_dma semaphore(%arg14 : memref<!tpu.dma_semaphore, #tpu.memory_space<semaphore_mem>>) src(%dma_wait3A_128 : memref<10000x16xf32, #tpu.memory_space<hbm>>) dst(%arg10 : memref<128x16xf32, #tpu.memory_space<vmem>>)
      %add3A_129 = arith.constant 1 : i32
      %add3A_130 = arith.addi %mul3A_104, %add3A_129 : i32
      %dma_start3A_131 = arith.constant 0 : i32
      %dma_start3A_132 = tpu.memref_slice %arg8[%add3A_130, %dma_start3A_131] : memref<84x128xi32, #tpu.memory_space<vmem>> -> memref<1x128xi32, #tpu.memory_space<vmem>>
      %dma_start3A_133 = tpu.memref_squeeze %dma_start3A_132 : memref<1x128xi32, #tpu.memory_space<vmem>> -> memref<128xi32, #tpu.memory_space<vmem>>
      %dma_start3A_134 = arith.constant 0 : i32
      %dma_start3A_135 = arith.constant 0 : i32
      %dma_start3A_136 = tpu.memref_slice %arg13[%dma_start3A_134, %dma_start3A_135] : memref<10240x16xf32, #tpu.memory_space<vmem_shared>> -> memref<10240x16xf32, #tpu.memory_space<vmem_shared>>
      tpu.enqueue_indirect_dma source(%arg10 : memref<128x16xf32, #tpu.memory_space<vmem>>) target(%dma_start3A_136 : memref<10240x16xf32, #tpu.memory_space<vmem_shared>>) offsets(%dma_start3A_133 : memref<128xi32, #tpu.memory_space<vmem>>) semaphore(%arg15 : memref<!tpu.dma_semaphore, #tpu.memory_space<semaphore_mem>>) {add = true}
      %add3A_137 = arith.constant 2 : i32
      %add3A_138 = arith.addi %mul3A_104, %add3A_137 : i32
      %dma_wait3A_139 = arith.constant 0 : i32
      %dma_wait3A_140 = tpu.memref_slice %arg7[%add3A_138, %dma_wait3A_139] : memref<84x128xi32, #tpu.memory_space<vmem>> -> memref<1x128xi32, #tpu.memory_space<vmem>>
      %dma_wait3A_141 = tpu.memref_squeeze %dma_wait3A_140 : memref<1x128xi32, #tpu.memory_space<vmem>> -> memref<128xi32, #tpu.memory_space<vmem>>
      %dma_wait3A_142 = arith.constant 0 : i32
      %dma_wait3A_143 = arith.constant 0 : i32
      %dma_wait3A_144 = tpu.memref_slice %arg2[%dma_wait3A_142, %dma_wait3A_143] : memref<10000x16xf32, #tpu.memory_space<hbm>> -> memref<10000x16xf32, #tpu.memory_space<hbm>>
      tpu.wait_indirect_dma semaphore(%arg14 : memref<!tpu.dma_semaphore, #tpu.memory_space<semaphore_mem>>) src(%dma_wait3A_144 : memref<10000x16xf32, #tpu.memory_space<hbm>>) dst(%arg11 : memref<128x16xf32, #tpu.memory_space<vmem>>)
      %add3A_145 = arith.constant 2 : i32
      %add3A_146 = arith.addi %mul3A_104, %add3A_145 : i32
      %dma_start3A_147 = arith.constant 0 : i32
      %dma_start3A_148 = tpu.memref_slice %arg8[%add3A_146, %dma_start3A_147] : memref<84x128xi32, #tpu.memory_space<vmem>> -> memref<1x128xi32, #tpu.memory_space<vmem>>
      %dma_start3A_149 = tpu.memref_squeeze %dma_start3A_148 : memref<1x128xi32, #tpu.memory_space<vmem>> -> memref<128xi32, #tpu.memory_space<vmem>>
      %dma_start3A_150 = arith.constant 0 : i32
      %dma_start3A_151 = arith.constant 0 : i32
      %dma_start3A_152 = tpu.memref_slice %arg13[%dma_start3A_150, %dma_start3A_151] : memref<10240x16xf32, #tpu.memory_space<vmem_shared>> -> memref<10240x16xf32, #tpu.memory_space<vmem_shared>>
      tpu.enqueue_indirect_dma source(%arg11 : memref<128x16xf32, #tpu.memory_space<vmem>>) target(%dma_start3A_152 : memref<10240x16xf32, #tpu.memory_space<vmem_shared>>) offsets(%dma_start3A_149 : memref<128xi32, #tpu.memory_space<vmem>>) semaphore(%arg15 : memref<!tpu.dma_semaphore, #tpu.memory_space<semaphore_mem>>) {add = true}
      %add3A_153 = arith.constant 3 : i32
      %add3A_154 = arith.addi %mul3A_104, %add3A_153 : i32
      %dma_wait3A_155 = arith.constant 0 : i32
      %dma_wait3A_156 = tpu.memref_slice %arg7[%add3A_154, %dma_wait3A_155] : memref<84x128xi32, #tpu.memory_space<vmem>> -> memref<1x128xi32, #tpu.memory_space<vmem>>
      %dma_wait3A_157 = tpu.memref_squeeze %dma_wait3A_156 : memref<1x128xi32, #tpu.memory_space<vmem>> -> memref<128xi32, #tpu.memory_space<vmem>>
      %dma_wait3A_158 = arith.constant 0 : i32
      %dma_wait3A_159 = arith.constant 0 : i32
      %dma_wait3A_160 = tpu.memref_slice %arg2[%dma_wait3A_158, %dma_wait3A_159] : memref<10000x16xf32, #tpu.memory_space<hbm>> -> memref<10000x16xf32, #tpu.memory_space<hbm>>
      tpu.wait_indirect_dma semaphore(%arg14 : memref<!tpu.dma_semaphore, #tpu.memory_space<semaphore_mem>>) src(%dma_wait3A_160 : memref<10000x16xf32, #tpu.memory_space<hbm>>) dst(%arg12 : memref<128x16xf32, #tpu.memory_space<vmem>>)
      %add3A_161 = arith.constant 3 : i32
      %add3A_162 = arith.addi %mul3A_104, %add3A_161 : i32
      %dma_start3A_163 = arith.constant 0 : i32
      %dma_start3A_164 = tpu.memref_slice %arg8[%add3A_162, %dma_start3A_163] : memref<84x128xi32, #tpu.memory_space<vmem>> -> memref<1x128xi32, #tpu.memory_space<vmem>>
      %dma_start3A_165 = tpu.memref_squeeze %dma_start3A_164 : memref<1x128xi32, #tpu.memory_space<vmem>> -> memref<128xi32, #tpu.memory_space<vmem>>
      %dma_start3A_166 = arith.constant 0 : i32
      %dma_start3A_167 = arith.constant 0 : i32
      %dma_start3A_168 = tpu.memref_slice %arg13[%dma_start3A_166, %dma_start3A_167] : memref<10240x16xf32, #tpu.memory_space<vmem_shared>> -> memref<10240x16xf32, #tpu.memory_space<vmem_shared>>
      tpu.enqueue_indirect_dma source(%arg12 : memref<128x16xf32, #tpu.memory_space<vmem>>) target(%dma_start3A_168 : memref<10240x16xf32, #tpu.memory_space<vmem_shared>>) offsets(%dma_start3A_165 : memref<128xi32, #tpu.memory_space<vmem>>) semaphore(%arg15 : memref<!tpu.dma_semaphore, #tpu.memory_space<semaphore_mem>>) {add = true}
      %add3A_169 = arith.constant 4 : i32
      %add3A_170 = arith.addi %mul3A_104, %add3A_169 : i32
      %add3A_171 = arith.constant 0 : i32
      %add3A_172 = arith.addi %add3A_170, %add3A_171 : i32
      %lt3A = arith.cmpi slt, %add3A_172, %select_n3A_8 : i32
      %convert_element_type3A = arith.extui %lt3A : i1 to i32
      %cond3A = arith.constant 0 : i32
      %cond3A_173 = arith.cmpi ne, %convert_element_type3A, %cond3A : i32
      scf.if %cond3A_173 {
        %dma_wait3A_198 = arith.constant 0 : i32
        %dma_wait3A_199 = arith.constant 0 : i32
        %dma_wait3A_200 = tpu.memref_slice %arg8[%dma_wait3A_198, %dma_wait3A_199] : memref<84x128xi32, #tpu.memory_space<vmem>> -> memref<1x128xi32, #tpu.memory_space<vmem>>
        %dma_wait3A_201 = tpu.memref_squeeze %dma_wait3A_200 : memref<1x128xi32, #tpu.memory_space<vmem>> -> memref<128xi32, #tpu.memory_space<vmem>>
        %dma_wait3A_202 = arith.constant 0 : i32
        %dma_wait3A_203 = arith.constant 0 : i32
        %dma_wait3A_204 = tpu.memref_slice %arg13[%dma_wait3A_202, %dma_wait3A_203] : memref<10240x16xf32, #tpu.memory_space<vmem_shared>> -> memref<10240x16xf32, #tpu.memory_space<vmem_shared>>
        tpu.wait_indirect_dma semaphore(%arg15 : memref<!tpu.dma_semaphore, #tpu.memory_space<semaphore_mem>>) src(%arg9 : memref<128x16xf32, #tpu.memory_space<vmem>>) dst(%dma_wait3A_204 : memref<10240x16xf32, #tpu.memory_space<vmem_shared>>)
        %dma_start3A_205 = arith.constant 0 : i32
        %dma_start3A_206 = tpu.memref_slice %arg7[%add3A_172, %dma_start3A_205] : memref<84x128xi32, #tpu.memory_space<vmem>> -> memref<1x128xi32, #tpu.memory_space<vmem>>
        %dma_start3A_207 = tpu.memref_squeeze %dma_start3A_206 : memref<1x128xi32, #tpu.memory_space<vmem>> -> memref<128xi32, #tpu.memory_space<vmem>>
        %dma_start3A_208 = arith.constant 0 : i32
        %dma_start3A_209 = arith.constant 0 : i32
        %dma_start3A_210 = tpu.memref_slice %arg2[%dma_start3A_208, %dma_start3A_209] : memref<10000x16xf32, #tpu.memory_space<hbm>> -> memref<10000x16xf32, #tpu.memory_space<hbm>>
        tpu.enqueue_indirect_dma source(%dma_start3A_210 : memref<10000x16xf32, #tpu.memory_space<hbm>>) target(%arg9 : memref<128x16xf32, #tpu.memory_space<vmem>>) offsets(%dma_start3A_207 : memref<128xi32, #tpu.memory_space<vmem>>) semaphore(%arg14 : memref<!tpu.dma_semaphore, #tpu.memory_space<semaphore_mem>>)
      } else {
      }
      %add3A_174 = arith.constant 4 : i32
      %add3A_175 = arith.addi %mul3A_104, %add3A_174 : i32
      %add3A_176 = arith.constant 1 : i32
      %add3A_177 = arith.addi %add3A_175, %add3A_176 : i32
      %lt3A_178 = arith.cmpi slt, %add3A_177, %select_n3A_8 : i32
      %convert_element_type3A_179 = arith.extui %lt3A_178 : i1 to i32
      %cond3A_180 = arith.constant 0 : i32
      %cond3A_181 = arith.cmpi ne, %convert_element_type3A_179, %cond3A_180 : i32
      scf.if %cond3A_181 {
        %dma_wait3A_198 = arith.constant 0 : i32
        %dma_wait3A_199 = arith.constant 0 : i32
        %dma_wait3A_200 = tpu.memref_slice %arg8[%dma_wait3A_198, %dma_wait3A_199] : memref<84x128xi32, #tpu.memory_space<vmem>> -> memref<1x128xi32, #tpu.memory_space<vmem>>
        %dma_wait3A_201 = tpu.memref_squeeze %dma_wait3A_200 : memref<1x128xi32, #tpu.memory_space<vmem>> -> memref<128xi32, #tpu.memory_space<vmem>>
        %dma_wait3A_202 = arith.constant 0 : i32
        %dma_wait3A_203 = arith.constant 0 : i32
        %dma_wait3A_204 = tpu.memref_slice %arg13[%dma_wait3A_202, %dma_wait3A_203] : memref<10240x16xf32, #tpu.memory_space<vmem_shared>> -> memref<10240x16xf32, #tpu.memory_space<vmem_shared>>
        tpu.wait_indirect_dma semaphore(%arg15 : memref<!tpu.dma_semaphore, #tpu.memory_space<semaphore_mem>>) src(%arg10 : memref<128x16xf32, #tpu.memory_space<vmem>>) dst(%dma_wait3A_204 : memref<10240x16xf32, #tpu.memory_space<vmem_shared>>)
        %dma_start3A_205 = arith.constant 0 : i32
        %dma_start3A_206 = tpu.memref_slice %arg7[%add3A_177, %dma_start3A_205] : memref<84x128xi32, #tpu.memory_space<vmem>> -> memref<1x128xi32, #tpu.memory_space<vmem>>
        %dma_start3A_207 = tpu.memref_squeeze %dma_start3A_206 : memref<1x128xi32, #tpu.memory_space<vmem>> -> memref<128xi32, #tpu.memory_space<vmem>>
        %dma_start3A_208 = arith.constant 0 : i32
        %dma_start3A_209 = arith.constant 0 : i32
        %dma_start3A_210 = tpu.memref_slice %arg2[%dma_start3A_208, %dma_start3A_209] : memref<10000x16xf32, #tpu.memory_space<hbm>> -> memref<10000x16xf32, #tpu.memory_space<hbm>>
        tpu.enqueue_indirect_dma source(%dma_start3A_210 : memref<10000x16xf32, #tpu.memory_space<hbm>>) target(%arg10 : memref<128x16xf32, #tpu.memory_space<vmem>>) offsets(%dma_start3A_207 : memref<128xi32, #tpu.memory_space<vmem>>) semaphore(%arg14 : memref<!tpu.dma_semaphore, #tpu.memory_space<semaphore_mem>>)
      } else {
      }
      %add3A_182 = arith.constant 4 : i32
      %add3A_183 = arith.addi %mul3A_104, %add3A_182 : i32
      %add3A_184 = arith.constant 2 : i32
      %add3A_185 = arith.addi %add3A_183, %add3A_184 : i32
      %lt3A_186 = arith.cmpi slt, %add3A_185, %select_n3A_8 : i32
      %convert_element_type3A_187 = arith.extui %lt3A_186 : i1 to i32
      %cond3A_188 = arith.constant 0 : i32
      %cond3A_189 = arith.cmpi ne, %convert_element_type3A_187, %cond3A_188 : i32
      scf.if %cond3A_189 {
        %dma_wait3A_198 = arith.constant 0 : i32
        %dma_wait3A_199 = arith.constant 0 : i32
        %dma_wait3A_200 = tpu.memref_slice %arg8[%dma_wait3A_198, %dma_wait3A_199] : memref<84x128xi32, #tpu.memory_space<vmem>> -> memref<1x128xi32, #tpu.memory_space<vmem>>
        %dma_wait3A_201 = tpu.memref_squeeze %dma_wait3A_200 : memref<1x128xi32, #tpu.memory_space<vmem>> -> memref<128xi32, #tpu.memory_space<vmem>>
        %dma_wait3A_202 = arith.constant 0 : i32
        %dma_wait3A_203 = arith.constant 0 : i32
        %dma_wait3A_204 = tpu.memref_slice %arg13[%dma_wait3A_202, %dma_wait3A_203] : memref<10240x16xf32, #tpu.memory_space<vmem_shared>> -> memref<10240x16xf32, #tpu.memory_space<vmem_shared>>
        tpu.wait_indirect_dma semaphore(%arg15 : memref<!tpu.dma_semaphore, #tpu.memory_space<semaphore_mem>>) src(%arg11 : memref<128x16xf32, #tpu.memory_space<vmem>>) dst(%dma_wait3A_204 : memref<10240x16xf32, #tpu.memory_space<vmem_shared>>)
        %dma_start3A_205 = arith.constant 0 : i32
        %dma_start3A_206 = tpu.memref_slice %arg7[%add3A_185, %dma_start3A_205] : memref<84x128xi32, #tpu.memory_space<vmem>> -> memref<1x128xi32, #tpu.memory_space<vmem>>
        %dma_start3A_207 = tpu.memref_squeeze %dma_start3A_206 : memref<1x128xi32, #tpu.memory_space<vmem>> -> memref<128xi32, #tpu.memory_space<vmem>>
        %dma_start3A_208 = arith.constant 0 : i32
        %dma_start3A_209 = arith.constant 0 : i32
        %dma_start3A_210 = tpu.memref_slice %arg2[%dma_start3A_208, %dma_start3A_209] : memref<10000x16xf32, #tpu.memory_space<hbm>> -> memref<10000x16xf32, #tpu.memory_space<hbm>>
        tpu.enqueue_indirect_dma source(%dma_start3A_210 : memref<10000x16xf32, #tpu.memory_space<hbm>>) target(%arg11 : memref<128x16xf32, #tpu.memory_space<vmem>>) offsets(%dma_start3A_207 : memref<128xi32, #tpu.memory_space<vmem>>) semaphore(%arg14 : memref<!tpu.dma_semaphore, #tpu.memory_space<semaphore_mem>>)
      } else {
      }
      %add3A_190 = arith.constant 4 : i32
      %add3A_191 = arith.addi %mul3A_104, %add3A_190 : i32
      %add3A_192 = arith.constant 3 : i32
      %add3A_193 = arith.addi %add3A_191, %add3A_192 : i32
      %lt3A_194 = arith.cmpi slt, %add3A_193, %select_n3A_8 : i32
      %convert_element_type3A_195 = arith.extui %lt3A_194 : i1 to i32
      %cond3A_196 = arith.constant 0 : i32
      %cond3A_197 = arith.cmpi ne, %convert_element_type3A_195, %cond3A_196 : i32
      scf.if %cond3A_197 {
        %dma_wait3A_198 = arith.constant 0 : i32
        %dma_wait3A_199 = arith.constant 0 : i32
        %dma_wait3A_200 = tpu.memref_slice %arg8[%dma_wait3A_198, %dma_wait3A_199] : memref<84x128xi32, #tpu.memory_space<vmem>> -> memref<1x128xi32, #tpu.memory_space<vmem>>
        %dma_wait3A_201 = tpu.memref_squeeze %dma_wait3A_200 : memref<1x128xi32, #tpu.memory_space<vmem>> -> memref<128xi32, #tpu.memory_space<vmem>>
        %dma_wait3A_202 = arith.constant 0 : i32
        %dma_wait3A_203 = arith.constant 0 : i32
        %dma_wait3A_204 = tpu.memref_slice %arg13[%dma_wait3A_202, %dma_wait3A_203] : memref<10240x16xf32, #tpu.memory_space<vmem_shared>> -> memref<10240x16xf32, #tpu.memory_space<vmem_shared>>
        tpu.wait_indirect_dma semaphore(%arg15 : memref<!tpu.dma_semaphore, #tpu.memory_space<semaphore_mem>>) src(%arg12 : memref<128x16xf32, #tpu.memory_space<vmem>>) dst(%dma_wait3A_204 : memref<10240x16xf32, #tpu.memory_space<vmem_shared>>)
        %dma_start3A_205 = arith.constant 0 : i32
        %dma_start3A_206 = tpu.memref_slice %arg7[%add3A_193, %dma_start3A_205] : memref<84x128xi32, #tpu.memory_space<vmem>> -> memref<1x128xi32, #tpu.memory_space<vmem>>
        %dma_start3A_207 = tpu.memref_squeeze %dma_start3A_206 : memref<1x128xi32, #tpu.memory_space<vmem>> -> memref<128xi32, #tpu.memory_space<vmem>>
        %dma_start3A_208 = arith.constant 0 : i32
        %dma_start3A_209 = arith.constant 0 : i32
        %dma_start3A_210 = tpu.memref_slice %arg2[%dma_start3A_208, %dma_start3A_209] : memref<10000x16xf32, #tpu.memory_space<hbm>> -> memref<10000x16xf32, #tpu.memory_space<hbm>>
        tpu.enqueue_indirect_dma source(%dma_start3A_210 : memref<10000x16xf32, #tpu.memory_space<hbm>>) target(%arg12 : memref<128x16xf32, #tpu.memory_space<vmem>>) offsets(%dma_start3A_207 : memref<128xi32, #tpu.memory_space<vmem>>) semaphore(%arg14 : memref<!tpu.dma_semaphore, #tpu.memory_space<semaphore_mem>>)
      } else {
      }
    }
    %while3A_66 = arith.constant 1 : i32
    scf.for %while3A_102 = %while3A_64 to %while3A_60 step %while3A_66  : i32 {
      %mul3A_103 = arith.constant 4 : i32
      %mul3A_104 = arith.muli %while3A_102, %mul3A_103 : i32
      %add3A_105 = arith.constant 0 : i32
      %add3A_106 = arith.addi %mul3A_104, %add3A_105 : i32
      %dma_wait3A_107 = arith.constant 0 : i32
      %dma_wait3A_108 = tpu.memref_slice %arg7[%add3A_106, %dma_wait3A_107] : memref<84x128xi32, #tpu.memory_space<vmem>> -> memref<1x128xi32, #tpu.memory_space<vmem>>
      %dma_wait3A_109 = tpu.memref_squeeze %dma_wait3A_108 : memref<1x128xi32, #tpu.memory_space<vmem>> -> memref<128xi32, #tpu.memory_space<vmem>>
      %dma_wait3A_110 = arith.constant 0 : i32
      %dma_wait3A_111 = arith.constant 0 : i32
      %dma_wait3A_112 = tpu.memref_slice %arg2[%dma_wait3A_110, %dma_wait3A_111] : memref<10000x16xf32, #tpu.memory_space<hbm>> -> memref<10000x16xf32, #tpu.memory_space<hbm>>
      tpu.wait_indirect_dma semaphore(%arg14 : memref<!tpu.dma_semaphore, #tpu.memory_space<semaphore_mem>>) src(%dma_wait3A_112 : memref<10000x16xf32, #tpu.memory_space<hbm>>) dst(%arg9 : memref<128x16xf32, #tpu.memory_space<vmem>>)
      %add3A_113 = arith.constant 0 : i32
      %add3A_114 = arith.addi %mul3A_104, %add3A_113 : i32
      %dma_start3A_115 = arith.constant 0 : i32
      %dma_start3A_116 = tpu.memref_slice %arg8[%add3A_114, %dma_start3A_115] : memref<84x128xi32, #tpu.memory_space<vmem>> -> memref<1x128xi32, #tpu.memory_space<vmem>>
      %dma_start3A_117 = tpu.memref_squeeze %dma_start3A_116 : memref<1x128xi32, #tpu.memory_space<vmem>> -> memref<128xi32, #tpu.memory_space<vmem>>
      %dma_start3A_118 = arith.constant 0 : i32
      %dma_start3A_119 = arith.constant 0 : i32
      %dma_start3A_120 = tpu.memref_slice %arg13[%dma_start3A_118, %dma_start3A_119] : memref<10240x16xf32, #tpu.memory_space<vmem_shared>> -> memref<10240x16xf32, #tpu.memory_space<vmem_shared>>
      tpu.enqueue_indirect_dma source(%arg9 : memref<128x16xf32, #tpu.memory_space<vmem>>) target(%dma_start3A_120 : memref<10240x16xf32, #tpu.memory_space<vmem_shared>>) offsets(%dma_start3A_117 : memref<128xi32, #tpu.memory_space<vmem>>) semaphore(%arg15 : memref<!tpu.dma_semaphore, #tpu.memory_space<semaphore_mem>>) {add = true}
      %add3A_121 = arith.constant 1 : i32
      %add3A_122 = arith.addi %mul3A_104, %add3A_121 : i32
      %dma_wait3A_123 = arith.constant 0 : i32
      %dma_wait3A_124 = tpu.memref_slice %arg7[%add3A_122, %dma_wait3A_123] : memref<84x128xi32, #tpu.memory_space<vmem>> -> memref<1x128xi32, #tpu.memory_space<vmem>>
      %dma_wait3A_125 = tpu.memref_squeeze %dma_wait3A_124 : memref<1x128xi32, #tpu.memory_space<vmem>> -> memref<128xi32, #tpu.memory_space<vmem>>
      %dma_wait3A_126 = arith.constant 0 : i32
      %dma_wait3A_127 = arith.constant 0 : i32
      %dma_wait3A_128 = tpu.memref_slice %arg2[%dma_wait3A_126, %dma_wait3A_127] : memref<10000x16xf32, #tpu.memory_space<hbm>> -> memref<10000x16xf32, #tpu.memory_space<hbm>>
      tpu.wait_indirect_dma semaphore(%arg14 : memref<!tpu.dma_semaphore, #tpu.memory_space<semaphore_mem>>) src(%dma_wait3A_128 : memref<10000x16xf32, #tpu.memory_space<hbm>>) dst(%arg10 : memref<128x16xf32, #tpu.memory_space<vmem>>)
      %add3A_129 = arith.constant 1 : i32
      %add3A_130 = arith.addi %mul3A_104, %add3A_129 : i32
      %dma_start3A_131 = arith.constant 0 : i32
      %dma_start3A_132 = tpu.memref_slice %arg8[%add3A_130, %dma_start3A_131] : memref<84x128xi32, #tpu.memory_space<vmem>> -> memref<1x128xi32, #tpu.memory_space<vmem>>
      %dma_start3A_133 = tpu.memref_squeeze %dma_start3A_132 : memref<1x128xi32, #tpu.memory_space<vmem>> -> memref<128xi32, #tpu.memory_space<vmem>>
      %dma_start3A_134 = arith.constant 0 : i32
      %dma_start3A_135 = arith.constant 0 : i32
      %dma_start3A_136 = tpu.memref_slice %arg13[%dma_start3A_134, %dma_start3A_135] : memref<10240x16xf32, #tpu.memory_space<vmem_shared>> -> memref<10240x16xf32, #tpu.memory_space<vmem_shared>>
      tpu.enqueue_indirect_dma source(%arg10 : memref<128x16xf32, #tpu.memory_space<vmem>>) target(%dma_start3A_136 : memref<10240x16xf32, #tpu.memory_space<vmem_shared>>) offsets(%dma_start3A_133 : memref<128xi32, #tpu.memory_space<vmem>>) semaphore(%arg15 : memref<!tpu.dma_semaphore, #tpu.memory_space<semaphore_mem>>) {add = true}
      %add3A_137 = arith.constant 2 : i32
      %add3A_138 = arith.addi %mul3A_104, %add3A_137 : i32
      %dma_wait3A_139 = arith.constant 0 : i32
      %dma_wait3A_140 = tpu.memref_slice %arg7[%add3A_138, %dma_wait3A_139] : memref<84x128xi32, #tpu.memory_space<vmem>> -> memref<1x128xi32, #tpu.memory_space<vmem>>
      %dma_wait3A_141 = tpu.memref_squeeze %dma_wait3A_140 : memref<1x128xi32, #tpu.memory_space<vmem>> -> memref<128xi32, #tpu.memory_space<vmem>>
      %dma_wait3A_142 = arith.constant 0 : i32
      %dma_wait3A_143 = arith.constant 0 : i32
      %dma_wait3A_144 = tpu.memref_slice %arg2[%dma_wait3A_142, %dma_wait3A_143] : memref<10000x16xf32, #tpu.memory_space<hbm>> -> memref<10000x16xf32, #tpu.memory_space<hbm>>
      tpu.wait_indirect_dma semaphore(%arg14 : memref<!tpu.dma_semaphore, #tpu.memory_space<semaphore_mem>>) src(%dma_wait3A_144 : memref<10000x16xf32, #tpu.memory_space<hbm>>) dst(%arg11 : memref<128x16xf32, #tpu.memory_space<vmem>>)
      %add3A_145 = arith.constant 2 : i32
      %add3A_146 = arith.addi %mul3A_104, %add3A_145 : i32
      %dma_start3A_147 = arith.constant 0 : i32
      %dma_start3A_148 = tpu.memref_slice %arg8[%add3A_146, %dma_start3A_147] : memref<84x128xi32, #tpu.memory_space<vmem>> -> memref<1x128xi32, #tpu.memory_space<vmem>>
      %dma_start3A_149 = tpu.memref_squeeze %dma_start3A_148 : memref<1x128xi32, #tpu.memory_space<vmem>> -> memref<128xi32, #tpu.memory_space<vmem>>
      %dma_start3A_150 = arith.constant 0 : i32
      %dma_start3A_151 = arith.constant 0 : i32
      %dma_start3A_152 = tpu.memref_slice %arg13[%dma_start3A_150, %dma_start3A_151] : memref<10240x16xf32, #tpu.memory_space<vmem_shared>> -> memref<10240x16xf32, #tpu.memory_space<vmem_shared>>
      tpu.enqueue_indirect_dma source(%arg11 : memref<128x16xf32, #tpu.memory_space<vmem>>) target(%dma_start3A_152 : memref<10240x16xf32, #tpu.memory_space<vmem_shared>>) offsets(%dma_start3A_149 : memref<128xi32, #tpu.memory_space<vmem>>) semaphore(%arg15 : memref<!tpu.dma_semaphore, #tpu.memory_space<semaphore_mem>>) {add = true}
      %add3A_153 = arith.constant 3 : i32
      %add3A_154 = arith.addi %mul3A_104, %add3A_153 : i32
      %dma_wait3A_155 = arith.constant 0 : i32
      %dma_wait3A_156 = tpu.memref_slice %arg7[%add3A_154, %dma_wait3A_155] : memref<84x128xi32, #tpu.memory_space<vmem>> -> memref<1x128xi32, #tpu.memory_space<vmem>>
      %dma_wait3A_157 = tpu.memref_squeeze %dma_wait3A_156 : memref<1x128xi32, #tpu.memory_space<vmem>> -> memref<128xi32, #tpu.memory_space<vmem>>
      %dma_wait3A_158 = arith.constant 0 : i32
      %dma_wait3A_159 = arith.constant 0 : i32
      %dma_wait3A_160 = tpu.memref_slice %arg2[%dma_wait3A_158, %dma_wait3A_159] : memref<10000x16xf32, #tpu.memory_space<hbm>> -> memref<10000x16xf32, #tpu.memory_space<hbm>>
      tpu.wait_indirect_dma semaphore(%arg14 : memref<!tpu.dma_semaphore, #tpu.memory_space<semaphore_mem>>) src(%dma_wait3A_160 : memref<10000x16xf32, #tpu.memory_space<hbm>>) dst(%arg12 : memref<128x16xf32, #tpu.memory_space<vmem>>)
      %add3A_161 = arith.constant 3 : i32
      %add3A_162 = arith.addi %mul3A_104, %add3A_161 : i32
      %dma_start3A_163 = arith.constant 0 : i32
      %dma_start3A_164 = tpu.memref_slice %arg8[%add3A_162, %dma_start3A_163] : memref<84x128xi32, #tpu.memory_space<vmem>> -> memref<1x128xi32, #tpu.memory_space<vmem>>
      %dma_start3A_165 = tpu.memref_squeeze %dma_start3A_164 : memref<1x128xi32, #tpu.memory_space<vmem>> -> memref<128xi32, #tpu.memory_space<vmem>>
      %dma_start3A_166 = arith.constant 0 : i32
      %dma_start3A_167 = arith.constant 0 : i32
      %dma_start3A_168 = tpu.memref_slice %arg13[%dma_start3A_166, %dma_start3A_167] : memref<10240x16xf32, #tpu.memory_space<vmem_shared>> -> memref<10240x16xf32, #tpu.memory_space<vmem_shared>>
      tpu.enqueue_indirect_dma source(%arg12 : memref<128x16xf32, #tpu.memory_space<vmem>>) target(%dma_start3A_168 : memref<10240x16xf32, #tpu.memory_space<vmem_shared>>) offsets(%dma_start3A_165 : memref<128xi32, #tpu.memory_space<vmem>>) semaphore(%arg15 : memref<!tpu.dma_semaphore, #tpu.memory_space<semaphore_mem>>) {add = true}
      %add3A_169 = arith.constant 4 : i32
      %add3A_170 = arith.addi %mul3A_104, %add3A_169 : i32
      %add3A_171 = arith.constant 0 : i32
      %add3A_172 = arith.addi %add3A_170, %add3A_171 : i32
      %lt3A = arith.cmpi slt, %add3A_172, %select_n3A_8 : i32
      %convert_element_type3A = arith.extui %lt3A : i1 to i32
      %cond3A = arith.constant 0 : i32
      %cond3A_173 = arith.cmpi ne, %convert_element_type3A, %cond3A : i32
      scf.if %cond3A_173 {
        %dma_wait3A_198 = arith.constant 0 : i32
        %dma_wait3A_199 = arith.constant 0 : i32
        %dma_wait3A_200 = tpu.memref_slice %arg8[%dma_wait3A_198, %dma_wait3A_199] : memref<84x128xi32, #tpu.memory_space<vmem>> -> memref<1x128xi32, #tpu.memory_space<vmem>>
        %dma_wait3A_201 = tpu.memref_squeeze %dma_wait3A_200 : memref<1x128xi32, #tpu.memory_space<vmem>> -> memref<128xi32, #tpu.memory_space<vmem>>
        %dma_wait3A_202 = arith.constant 0 : i32
        %dma_wait3A_203 = arith.constant 0 : i32
        %dma_wait3A_204 = tpu.memref_slice %arg13[%dma_wait3A_202, %dma_wait3A_203] : memref<10240x16xf32, #tpu.memory_space<vmem_shared>> -> memref<10240x16xf32, #tpu.memory_space<vmem_shared>>
        tpu.wait_indirect_dma semaphore(%arg15 : memref<!tpu.dma_semaphore, #tpu.memory_space<semaphore_mem>>) src(%arg9 : memref<128x16xf32, #tpu.memory_space<vmem>>) dst(%dma_wait3A_204 : memref<10240x16xf32, #tpu.memory_space<vmem_shared>>)
        %dma_start3A_205 = arith.constant 0 : i32
        %dma_start3A_206 = tpu.memref_slice %arg7[%add3A_172, %dma_start3A_205] : memref<84x128xi32, #tpu.memory_space<vmem>> -> memref<1x128xi32, #tpu.memory_space<vmem>>
        %dma_start3A_207 = tpu.memref_squeeze %dma_start3A_206 : memref<1x128xi32, #tpu.memory_space<vmem>> -> memref<128xi32, #tpu.memory_space<vmem>>
        %dma_start3A_208 = arith.constant 0 : i32
        %dma_start3A_209 = arith.constant 0 : i32
        %dma_start3A_210 = tpu.memref_slice %arg2[%dma_start3A_208, %dma_start3A_209] : memref<10000x16xf32, #tpu.memory_space<hbm>> -> memref<10000x16xf32, #tpu.memory_space<hbm>>
        tpu.enqueue_indirect_dma source(%dma_start3A_210 : memref<10000x16xf32, #tpu.memory_space<hbm>>) target(%arg9 : memref<128x16xf32, #tpu.memory_space<vmem>>) offsets(%dma_start3A_207 : memref<128xi32, #tpu.memory_space<vmem>>) semaphore(%arg14 : memref<!tpu.dma_semaphore, #tpu.memory_space<semaphore_mem>>)
      } else {
      }
      %add3A_174 = arith.constant 4 : i32
      %add3A_175 = arith.addi %mul3A_104, %add3A_174 : i32
      %add3A_176 = arith.constant 1 : i32
      %add3A_177 = arith.addi %add3A_175, %add3A_176 : i32
      %lt3A_178 = arith.cmpi slt, %add3A_177, %select_n3A_8 : i32
      %convert_element_type3A_179 = arith.extui %lt3A_178 : i1 to i32
      %cond3A_180 = arith.constant 0 : i32
      %cond3A_181 = arith.cmpi ne, %convert_element_type3A_179, %cond3A_180 : i32
      scf.if %cond3A_181 {
        %dma_wait3A_198 = arith.constant 0 : i32
        %dma_wait3A_199 = arith.constant 0 : i32
        %dma_wait3A_200 = tpu.memref_slice %arg8[%dma_wait3A_198, %dma_wait3A_199] : memref<84x128xi32, #tpu.memory_space<vmem>> -> memref<1x128xi32, #tpu.memory_space<vmem>>
        %dma_wait3A_201 = tpu.memref_squeeze %dma_wait3A_200 : memref<1x128xi32, #tpu.memory_space<vmem>> -> memref<128xi32, #tpu.memory_space<vmem>>
        %dma_wait3A_202 = arith.constant 0 : i32
        %dma_wait3A_203 = arith.constant 0 : i32
        %dma_wait3A_204 = tpu.memref_slice %arg13[%dma_wait3A_202, %dma_wait3A_203] : memref<10240x16xf32, #tpu.memory_space<vmem_shared>> -> memref<10240x16xf32, #tpu.memory_space<vmem_shared>>
        tpu.wait_indirect_dma semaphore(%arg15 : memref<!tpu.dma_semaphore, #tpu.memory_space<semaphore_mem>>) src(%arg10 : memref<128x16xf32, #tpu.memory_space<vmem>>) dst(%dma_wait3A_204 : memref<10240x16xf32, #tpu.memory_space<vmem_shared>>)
        %dma_start3A_205 = arith.constant 0 : i32
        %dma_start3A_206 = tpu.memref_slice %arg7[%add3A_177, %dma_start3A_205] : memref<84x128xi32, #tpu.memory_space<vmem>> -> memref<1x128xi32, #tpu.memory_space<vmem>>
        %dma_start3A_207 = tpu.memref_squeeze %dma_start3A_206 : memref<1x128xi32, #tpu.memory_space<vmem>> -> memref<128xi32, #tpu.memory_space<vmem>>
        %dma_start3A_208 = arith.constant 0 : i32
        %dma_start3A_209 = arith.constant 0 : i32
        %dma_start3A_210 = tpu.memref_slice %arg2[%dma_start3A_208, %dma_start3A_209] : memref<10000x16xf32, #tpu.memory_space<hbm>> -> memref<10000x16xf32, #tpu.memory_space<hbm>>
        tpu.enqueue_indirect_dma source(%dma_start3A_210 : memref<10000x16xf32, #tpu.memory_space<hbm>>) target(%arg10 : memref<128x16xf32, #tpu.memory_space<vmem>>) offsets(%dma_start3A_207 : memref<128xi32, #tpu.memory_space<vmem>>) semaphore(%arg14 : memref<!tpu.dma_semaphore, #tpu.memory_space<semaphore_mem>>)
      } else {
      }
      %add3A_182 = arith.constant 4 : i32
      %add3A_183 = arith.addi %mul3A_104, %add3A_182 : i32
      %add3A_184 = arith.constant 2 : i32
      %add3A_185 = arith.addi %add3A_183, %add3A_184 : i32
      %lt3A_186 = arith.cmpi slt, %add3A_185, %select_n3A_8 : i32
      %convert_element_type3A_187 = arith.extui %lt3A_186 : i1 to i32
      %cond3A_188 = arith.constant 0 : i32
      %cond3A_189 = arith.cmpi ne, %convert_element_type3A_187, %cond3A_188 : i32
      scf.if %cond3A_189 {
        %dma_wait3A_198 = arith.constant 0 : i32
        %dma_wait3A_199 = arith.constant 0 : i32
        %dma_wait3A_200 = tpu.memref_slice %arg8[%dma_wait3A_198, %dma_wait3A_199] : memref<84x128xi32, #tpu.memory_space<vmem>> -> memref<1x128xi32, #tpu.memory_space<vmem>>
        %dma_wait3A_201 = tpu.memref_squeeze %dma_wait3A_200 : memref<1x128xi32, #tpu.memory_space<vmem>> -> memref<128xi32, #tpu.memory_space<vmem>>
        %dma_wait3A_202 = arith.constant 0 : i32
        %dma_wait3A_203 = arith.constant 0 : i32
        %dma_wait3A_204 = tpu.memref_slice %arg13[%dma_wait3A_202, %dma_wait3A_203] : memref<10240x16xf32, #tpu.memory_space<vmem_shared>> -> memref<10240x16xf32, #tpu.memory_space<vmem_shared>>
        tpu.wait_indirect_dma semaphore(%arg15 : memref<!tpu.dma_semaphore, #tpu.memory_space<semaphore_mem>>) src(%arg11 : memref<128x16xf32, #tpu.memory_space<vmem>>) dst(%dma_wait3A_204 : memref<10240x16xf32, #tpu.memory_space<vmem_shared>>)
        %dma_start3A_205 = arith.constant 0 : i32
        %dma_start3A_206 = tpu.memref_slice %arg7[%add3A_185, %dma_start3A_205] : memref<84x128xi32, #tpu.memory_space<vmem>> -> memref<1x128xi32, #tpu.memory_space<vmem>>
        %dma_start3A_207 = tpu.memref_squeeze %dma_start3A_206 : memref<1x128xi32, #tpu.memory_space<vmem>> -> memref<128xi32, #tpu.memory_space<vmem>>
        %dma_start3A_208 = arith.constant 0 : i32
        %dma_start3A_209 = arith.constant 0 : i32
        %dma_start3A_210 = tpu.memref_slice %arg2[%dma_start3A_208, %dma_start3A_209] : memref<10000x16xf32, #tpu.memory_space<hbm>> -> memref<10000x16xf32, #tpu.memory_space<hbm>>
        tpu.enqueue_indirect_dma source(%dma_start3A_210 : memref<10000x16xf32, #tpu.memory_space<hbm>>) target(%arg11 : memref<128x16xf32, #tpu.memory_space<vmem>>) offsets(%dma_start3A_207 : memref<128xi32, #tpu.memory_space<vmem>>) semaphore(%arg14 : memref<!tpu.dma_semaphore, #tpu.memory_space<semaphore_mem>>)
      } else {
      }
      %add3A_190 = arith.constant 4 : i32
      %add3A_191 = arith.addi %mul3A_104, %add3A_190 : i32
      %add3A_192 = arith.constant 3 : i32
      %add3A_193 = arith.addi %add3A_191, %add3A_192 : i32
      %lt3A_194 = arith.cmpi slt, %add3A_193, %select_n3A_8 : i32
      %convert_element_type3A_195 = arith.extui %lt3A_194 : i1 to i32
      %cond3A_196 = arith.constant 0 : i32
      %cond3A_197 = arith.cmpi ne, %convert_element_type3A_195, %cond3A_196 : i32
      scf.if %cond3A_197 {
        %dma_wait3A_198 = arith.constant 0 : i32
        %dma_wait3A_199 = arith.constant 0 : i32
        %dma_wait3A_200 = tpu.memref_slice %arg8[%dma_wait3A_198, %dma_wait3A_199] : memref<84x128xi32, #tpu.memory_space<vmem>> -> memref<1x128xi32, #tpu.memory_space<vmem>>
        %dma_wait3A_201 = tpu.memref_squeeze %dma_wait3A_200 : memref<1x128xi32, #tpu.memory_space<vmem>> -> memref<128xi32, #tpu.memory_space<vmem>>
        %dma_wait3A_202 = arith.constant 0 : i32
        %dma_wait3A_203 = arith.constant 0 : i32
        %dma_wait3A_204 = tpu.memref_slice %arg13[%dma_wait3A_202, %dma_wait3A_203] : memref<10240x16xf32, #tpu.memory_space<vmem_shared>> -> memref<10240x16xf32, #tpu.memory_space<vmem_shared>>
        tpu.wait_indirect_dma semaphore(%arg15 : memref<!tpu.dma_semaphore, #tpu.memory_space<semaphore_mem>>) src(%arg12 : memref<128x16xf32, #tpu.memory_space<vmem>>) dst(%dma_wait3A_204 : memref<10240x16xf32, #tpu.memory_space<vmem_shared>>)
        %dma_start3A_205 = arith.constant 0 : i32
        %dma_start3A_206 = tpu.memref_slice %arg7[%add3A_193, %dma_start3A_205] : memref<84x128xi32, #tpu.memory_space<vmem>> -> memref<1x128xi32, #tpu.memory_space<vmem>>
        %dma_start3A_207 = tpu.memref_squeeze %dma_start3A_206 : memref<1x128xi32, #tpu.memory_space<vmem>> -> memref<128xi32, #tpu.memory_space<vmem>>
        %dma_start3A_208 = arith.constant 0 : i32
        %dma_start3A_209 = arith.constant 0 : i32
        %dma_start3A_210 = tpu.memref_slice %arg2[%dma_start3A_208, %dma_start3A_209] : memref<10000x16xf32, #tpu.memory_space<hbm>> -> memref<10000x16xf32, #tpu.memory_space<hbm>>
        tpu.enqueue_indirect_dma source(%dma_start3A_210 : memref<10000x16xf32, #tpu.memory_space<hbm>>) target(%arg12 : memref<128x16xf32, #tpu.memory_space<vmem>>) offsets(%dma_start3A_207 : memref<128xi32, #tpu.memory_space<vmem>>) semaphore(%arg14 : memref<!tpu.dma_semaphore, #tpu.memory_space<semaphore_mem>>)
      } else {
      }
    }
    %dma_wait3A = arith.constant 0 : i32
    %dma_wait3A_67 = arith.constant 0 : i32
    %dma_wait3A_68 = tpu.memref_slice %arg8[%dma_wait3A, %dma_wait3A_67] : memref<84x128xi32, #tpu.memory_space<vmem>> -> memref<1x128xi32, #tpu.memory_space<vmem>>
    %dma_wait3A_69 = tpu.memref_squeeze %dma_wait3A_68 : memref<1x128xi32, #tpu.memory_space<vmem>> -> memref<128xi32, #tpu.memory_space<vmem>>
    %dma_wait3A_70 = arith.constant 0 : i32
    %dma_wait3A_71 = arith.constant 0 : i32
    %dma_wait3A_72 = tpu.memref_slice %arg13[%dma_wait3A_70, %dma_wait3A_71] : memref<10240x16xf32, #tpu.memory_space<vmem_shared>> -> memref<10240x16xf32, #tpu.memory_space<vmem_shared>>
    tpu.wait_indirect_dma semaphore(%arg15 : memref<!tpu.dma_semaphore, #tpu.memory_space<semaphore_mem>>) src(%arg9 : memref<128x16xf32, #tpu.memory_space<vmem>>) dst(%dma_wait3A_72 : memref<10240x16xf32, #tpu.memory_space<vmem_shared>>)
    %dma_wait3A_73 = arith.constant 0 : i32
    %dma_wait3A_74 = arith.constant 0 : i32
    %dma_wait3A_75 = tpu.memref_slice %arg8[%dma_wait3A_73, %dma_wait3A_74] : memref<84x128xi32, #tpu.memory_space<vmem>> -> memref<1x128xi32, #tpu.memory_space<vmem>>
    %dma_wait3A_76 = tpu.memref_squeeze %dma_wait3A_75 : memref<1x128xi32, #tpu.memory_space<vmem>> -> memref<128xi32, #tpu.memory_space<vmem>>
    %dma_wait3A_77 = arith.constant 0 : i32
    %dma_wait3A_78 = arith.constant 0 : i32
    %dma_wait3A_79 = tpu.memref_slice %arg13[%dma_wait3A_77, %dma_wait3A_78] : memref<10240x16xf32, #tpu.memory_space<vmem_shared>> -> memref<10240x16xf32, #tpu.memory_space<vmem_shared>>
    tpu.wait_indirect_dma semaphore(%arg15 : memref<!tpu.dma_semaphore, #tpu.memory_space<semaphore_mem>>) src(%arg10 : memref<128x16xf32, #tpu.memory_space<vmem>>) dst(%dma_wait3A_79 : memref<10240x16xf32, #tpu.memory_space<vmem_shared>>)
    %dma_wait3A_80 = arith.constant 0 : i32
    %dma_wait3A_81 = arith.constant 0 : i32
    %dma_wait3A_82 = tpu.memref_slice %arg8[%dma_wait3A_80, %dma_wait3A_81] : memref<84x128xi32, #tpu.memory_space<vmem>> -> memref<1x128xi32, #tpu.memory_space<vmem>>
    %dma_wait3A_83 = tpu.memref_squeeze %dma_wait3A_82 : memref<1x128xi32, #tpu.memory_space<vmem>> -> memref<128xi32, #tpu.memory_space<vmem>>
    %dma_wait3A_84 = arith.constant 0 : i32
    %dma_wait3A_85 = arith.constant 0 : i32
    %dma_wait3A_86 = tpu.memref_slice %arg13[%dma_wait3A_84, %dma_wait3A_85] : memref<10240x16xf32, #tpu.memory_space<vmem_shared>> -> memref<10240x16xf32, #tpu.memory_space<vmem_shared>>
    tpu.wait_indirect_dma semaphore(%arg15 : memref<!tpu.dma_semaphore, #tpu.memory_space<semaphore_mem>>) src(%arg11 : memref<128x16xf32, #tpu.memory_space<vmem>>) dst(%dma_wait3A_86 : memref<10240x16xf32, #tpu.memory_space<vmem_shared>>)
    %dma_wait3A_87 = arith.constant 0 : i32
    %dma_wait3A_88 = arith.constant 0 : i32
    %dma_wait3A_89 = tpu.memref_slice %arg8[%dma_wait3A_87, %dma_wait3A_88] : memref<84x128xi32, #tpu.memory_space<vmem>> -> memref<1x128xi32, #tpu.memory_space<vmem>>
    %dma_wait3A_90 = tpu.memref_squeeze %dma_wait3A_89 : memref<1x128xi32, #tpu.memory_space<vmem>> -> memref<128xi32, #tpu.memory_space<vmem>>
    %dma_wait3A_91 = arith.constant 0 : i32
    %dma_wait3A_92 = arith.constant 0 : i32
    %dma_wait3A_93 = tpu.memref_slice %arg13[%dma_wait3A_91, %dma_wait3A_92] : memref<10240x16xf32, #tpu.memory_space<vmem_shared>> -> memref<10240x16xf32, #tpu.memory_space<vmem_shared>>
    tpu.wait_indirect_dma semaphore(%arg15 : memref<!tpu.dma_semaphore, #tpu.memory_space<semaphore_mem>>) src(%arg12 : memref<128x16xf32, #tpu.memory_space<vmem>>) dst(%dma_wait3A_93 : memref<10240x16xf32, #tpu.memory_space<vmem_shared>>)
    %barrier3A_94 = arith.constant 0 : index
    tpu.barrier barrier_id(%barrier3A_94)
    %mul3A_95 = arith.constant 640 : i32
    %mul3A_96 = arith.muli %arg1, %mul3A_95 : i32
    %mul3A_97 = arith.constant 10240 : i32
    %mul3A_98 = arith.muli %arg0, %mul3A_97 : i32
    %mul3A_99 = arith.constant 640 : i32
    %mul3A_100 = arith.muli %arg1, %mul3A_99 : i32
    %add3A_101 = arith.addi %mul3A_98, %mul3A_100 : i32
    "tpu.region"() ({
      %run_scoped3A = tpu.sem_alloc : memref<!tpu.dma_semaphore, #tpu.memory_space<semaphore_mem>>
      %dma_start3A_102 = arith.constant 0 : i32
      %dma_start3A_103 = tpu.memref_slice %arg6[%add3A_101, %dma_start3A_102] : memref<20480x16xf32, #tpu.memory_space<hbm>> -> memref<640x16xf32, #tpu.memory_space<hbm>>
      %dma_start3A_104 = arith.constant 0 : i32
      %dma_start3A_105 = tpu.memref_slice %arg13[%mul3A_96, %dma_start3A_104] : memref<10240x16xf32, #tpu.memory_space<vmem_shared>> -> memref<640x16xf32, #tpu.memory_space<vmem_shared>>
      tpu.enqueue_dma source(%dma_start3A_105 : memref<640x16xf32, #tpu.memory_space<vmem_shared>>) target(%dma_start3A_103 : memref<640x16xf32, #tpu.memory_space<hbm>>) target_semaphore(%run_scoped3A : memref<!tpu.dma_semaphore, #tpu.memory_space<semaphore_mem>>)
      %dma_wait3A_106 = arith.constant 0 : i32
      %dma_wait3A_107 = tpu.memref_slice %arg6[%add3A_101, %dma_wait3A_106] : memref<20480x16xf32, #tpu.memory_space<hbm>> -> memref<640x16xf32, #tpu.memory_space<hbm>>
      %dma_wait3A_108 = arith.constant 0 : i32
      %dma_wait3A_109 = tpu.memref_slice %arg13[%mul3A_96, %dma_wait3A_108] : memref<10240x16xf32, #tpu.memory_space<vmem_shared>> -> memref<640x16xf32, #tpu.memory_space<vmem_shared>>
      tpu.wait_dma2 semaphore(%run_scoped3A : memref<!tpu.dma_semaphore, #tpu.memory_space<semaphore_mem>>) src(%dma_wait3A_109 : memref<640x16xf32, #tpu.memory_space<vmem_shared>>) dst(%dma_wait3A_107 : memref<640x16xf32, #tpu.memory_space<hbm>>)
      tpu.yield
    }) : () -> ()
    return
  }
}

#map = affine_map<(d0, d1) -> (0, 0)>
module attributes {stable_mosaic.version = 14 : i64} {
  func.func @_mp_body(%arg0: i32, %arg1: i32, %arg2: memref<10000x64xf32, #tpu.memory_space<hbm>>, %arg3: memref<2688x128xi32, #tpu.memory_space<hbm>>, %arg4: memref<2688x128xi32, #tpu.memory_space<hbm>>, %arg5: memref<10240x64xf32, #tpu.memory_space<hbm>>, %arg6: memref<20480x64xf32, #tpu.memory_space<hbm>>, %arg7: memref<84x128xi32, #tpu.memory_space<vmem>>, %arg8: memref<84x128xi32, #tpu.memory_space<vmem>>, %arg9: memref<128x64xf32, #tpu.memory_space<vmem>>, %arg10: memref<128x64xf32, #tpu.memory_space<vmem>>, %arg11: memref<128x64xf32, #tpu.memory_space<vmem>>, %arg12: memref<128x64xf32, #tpu.memory_space<vmem>>, %arg13: memref<10240x64xf32, #tpu.memory_space<vmem_shared>>, %arg14: memref<!tpu.dma_semaphore, #tpu.memory_space<semaphore_mem>>, %arg15: memref<!tpu.dma_semaphore, #tpu.memory_space<semaphore_mem>>) attributes {dimension_semantics = [#tpu.dimension_semantics<core_parallel>, #tpu.dimension_semantics<subcore_parallel>], iteration_bounds = array<i64: 2, 16>, scalar_prefetch = 0 : i64, scratch_operands = 9 : i64, tpu.core_type = #tpu.core_type<sc_vector_subcore>, window_params = [{transform_indices = #map}, {transform_indices = #map}, {transform_indices = #map}, {transform_indices = #map}, {transform_indices = #map}]} {
    %eq3A = arith.constant 0 : i32
    %eq3A_0 = arith.cmpi eq, %arg0, %eq3A : i32
    %mul3A = arith.constant 84 : i32
    %mul3A_1 = arith.muli %arg1, %mul3A : i32
    %mul3A_2 = arith.constant 84 : i32
    %mul3A_3 = arith.muli %arg1, %mul3A_2 : i32
    %add3A = arith.constant 1344 : i32
    %add3A_4 = arith.addi %add3A, %mul3A_3 : i32
    %select_n3A = arith.select %eq3A_0, %mul3A_1, %add3A_4 : i32
    %multiple_of3A = tpu.assume_multiple %select_n3A, 8 : i32
    %eq3A_5 = arith.constant 0 : i32
    %eq3A_6 = arith.cmpi eq, %arg0, %eq3A_5 : i32
    %jit3A = arith.constant 84 : i32
    %jit3A_7 = arith.constant 84 : i32
    %select_n3A_8 = arith.select %eq3A_6, %jit3A, %jit3A_7 : i32
    "tpu.region"() ({
      %run_scoped3A = tpu.sem_alloc : memref<!tpu.dma_semaphore, #tpu.memory_space<semaphore_mem>>
      %dma_start3A_102 = arith.constant 0 : i32
      %dma_start3A_103 = tpu.memref_slice %arg3[%multiple_of3A, %dma_start3A_102] : memref<2688x128xi32, #tpu.memory_space<hbm>> -> memref<84x128xi32, #tpu.memory_space<hbm>>
      %dma_start3A_104 = arith.constant 0 : i32
      %dma_start3A_105 = tpu.memref_slice %arg3[%multiple_of3A, %dma_start3A_104] : memref<2688x128xi32, #tpu.memory_space<hbm>> -> memref<84x128xi32, #tpu.memory_space<hbm>>
      tpu.enqueue_dma source(%dma_start3A_105 : memref<84x128xi32, #tpu.memory_space<hbm>>) target(%arg7 : memref<84x128xi32, #tpu.memory_space<vmem>>) target_semaphore(%run_scoped3A : memref<!tpu.dma_semaphore, #tpu.memory_space<semaphore_mem>>)
      %dma_wait3A_106 = arith.constant 0 : i32
      %dma_wait3A_107 = tpu.memref_slice %arg3[%multiple_of3A, %dma_wait3A_106] : memref<2688x128xi32, #tpu.memory_space<hbm>> -> memref<84x128xi32, #tpu.memory_space<hbm>>
      %dma_wait3A_108 = arith.constant 0 : i32
      %dma_wait3A_109 = tpu.memref_slice %arg3[%multiple_of3A, %dma_wait3A_108] : memref<2688x128xi32, #tpu.memory_space<hbm>> -> memref<84x128xi32, #tpu.memory_space<hbm>>
      tpu.wait_dma2 semaphore(%run_scoped3A : memref<!tpu.dma_semaphore, #tpu.memory_space<semaphore_mem>>) src(%dma_wait3A_109 : memref<84x128xi32, #tpu.memory_space<hbm>>) dst(%arg7 : memref<84x128xi32, #tpu.memory_space<vmem>>)
      tpu.yield
    }) : () -> ()
    "tpu.region"() ({
      %run_scoped3A = tpu.sem_alloc : memref<!tpu.dma_semaphore, #tpu.memory_space<semaphore_mem>>
      %dma_start3A_102 = arith.constant 0 : i32
      %dma_start3A_103 = tpu.memref_slice %arg4[%multiple_of3A, %dma_start3A_102] : memref<2688x128xi32, #tpu.memory_space<hbm>> -> memref<84x128xi32, #tpu.memory_space<hbm>>
      %dma_start3A_104 = arith.constant 0 : i32
      %dma_start3A_105 = tpu.memref_slice %arg4[%multiple_of3A, %dma_start3A_104] : memref<2688x128xi32, #tpu.memory_space<hbm>> -> memref<84x128xi32, #tpu.memory_space<hbm>>
      tpu.enqueue_dma source(%dma_start3A_105 : memref<84x128xi32, #tpu.memory_space<hbm>>) target(%arg8 : memref<84x128xi32, #tpu.memory_space<vmem>>) target_semaphore(%run_scoped3A : memref<!tpu.dma_semaphore, #tpu.memory_space<semaphore_mem>>)
      %dma_wait3A_106 = arith.constant 0 : i32
      %dma_wait3A_107 = tpu.memref_slice %arg4[%multiple_of3A, %dma_wait3A_106] : memref<2688x128xi32, #tpu.memory_space<hbm>> -> memref<84x128xi32, #tpu.memory_space<hbm>>
      %dma_wait3A_108 = arith.constant 0 : i32
      %dma_wait3A_109 = tpu.memref_slice %arg4[%multiple_of3A, %dma_wait3A_108] : memref<2688x128xi32, #tpu.memory_space<hbm>> -> memref<84x128xi32, #tpu.memory_space<hbm>>
      tpu.wait_dma2 semaphore(%run_scoped3A : memref<!tpu.dma_semaphore, #tpu.memory_space<semaphore_mem>>) src(%dma_wait3A_109 : memref<84x128xi32, #tpu.memory_space<hbm>>) dst(%arg8 : memref<84x128xi32, #tpu.memory_space<vmem>>)
      tpu.yield
    }) : () -> ()
    %mul3A_9 = arith.constant 640 : i32
    %mul3A_10 = arith.muli %arg1, %mul3A_9 : i32
    %mul3A_11 = arith.constant 640 : i32
    %mul3A_12 = arith.muli %arg1, %mul3A_11 : i32
    "tpu.region"() ({
      %run_scoped3A = tpu.sem_alloc : memref<!tpu.dma_semaphore, #tpu.memory_space<semaphore_mem>>
      %dma_start3A_102 = arith.constant 0 : i32
      %dma_start3A_103 = tpu.memref_slice %arg13[%mul3A_12, %dma_start3A_102] : memref<10240x64xf32, #tpu.memory_space<vmem_shared>> -> memref<640x64xf32, #tpu.memory_space<vmem_shared>>
      %dma_start3A_104 = arith.constant 0 : i32
      %dma_start3A_105 = tpu.memref_slice %arg5[%mul3A_10, %dma_start3A_104] : memref<10240x64xf32, #tpu.memory_space<hbm>> -> memref<640x64xf32, #tpu.memory_space<hbm>>
      tpu.enqueue_dma source(%dma_start3A_105 : memref<640x64xf32, #tpu.memory_space<hbm>>) target(%dma_start3A_103 : memref<640x64xf32, #tpu.memory_space<vmem_shared>>) target_semaphore(%run_scoped3A : memref<!tpu.dma_semaphore, #tpu.memory_space<semaphore_mem>>)
      %dma_wait3A_106 = arith.constant 0 : i32
      %dma_wait3A_107 = tpu.memref_slice %arg13[%mul3A_12, %dma_wait3A_106] : memref<10240x64xf32, #tpu.memory_space<vmem_shared>> -> memref<640x64xf32, #tpu.memory_space<vmem_shared>>
      %dma_wait3A_108 = arith.constant 0 : i32
      %dma_wait3A_109 = tpu.memref_slice %arg5[%mul3A_10, %dma_wait3A_108] : memref<10240x64xf32, #tpu.memory_space<hbm>> -> memref<640x64xf32, #tpu.memory_space<hbm>>
      tpu.wait_dma2 semaphore(%run_scoped3A : memref<!tpu.dma_semaphore, #tpu.memory_space<semaphore_mem>>) src(%dma_wait3A_109 : memref<640x64xf32, #tpu.memory_space<hbm>>) dst(%dma_wait3A_107 : memref<640x64xf32, #tpu.memory_space<vmem_shared>>)
      tpu.yield
    }) : () -> ()
    %barrier3A = arith.constant 0 : index
    tpu.barrier barrier_id(%barrier3A)
    %dma_start3A = arith.constant 0 : i32
    %dma_start3A_13 = arith.constant 0 : i32
    %dma_start3A_14 = tpu.memref_slice %arg7[%dma_start3A, %dma_start3A_13] : memref<84x128xi32, #tpu.memory_space<vmem>> -> memref<1x128xi32, #tpu.memory_space<vmem>>
    %dma_start3A_15 = tpu.memref_squeeze %dma_start3A_14 : memref<1x128xi32, #tpu.memory_space<vmem>> -> memref<128xi32, #tpu.memory_space<vmem>>
    %dma_start3A_16 = arith.constant 0 : i32
    %dma_start3A_17 = arith.constant 0 : i32
    %dma_start3A_18 = tpu.memref_slice %arg2[%dma_start3A_16, %dma_start3A_17] : memref<10000x64xf32, #tpu.memory_space<hbm>> -> memref<10000x64xf32, #tpu.memory_space<hbm>>
    tpu.enqueue_indirect_dma source(%dma_start3A_18 : memref<10000x64xf32, #tpu.memory_space<hbm>>) target(%arg9 : memref<128x64xf32, #tpu.memory_space<vmem>>) offsets(%dma_start3A_15 : memref<128xi32, #tpu.memory_space<vmem>>) semaphore(%arg14 : memref<!tpu.dma_semaphore, #tpu.memory_space<semaphore_mem>>)
    %dma_start3A_19 = arith.constant 1 : i32
    %dma_start3A_20 = arith.constant 0 : i32
    %dma_start3A_21 = tpu.memref_slice %arg7[%dma_start3A_19, %dma_start3A_20] : memref<84x128xi32, #tpu.memory_space<vmem>> -> memref<1x128xi32, #tpu.memory_space<vmem>>
    %dma_start3A_22 = tpu.memref_squeeze %dma_start3A_21 : memref<1x128xi32, #tpu.memory_space<vmem>> -> memref<128xi32, #tpu.memory_space<vmem>>
    %dma_start3A_23 = arith.constant 0 : i32
    %dma_start3A_24 = arith.constant 0 : i32
    %dma_start3A_25 = tpu.memref_slice %arg2[%dma_start3A_23, %dma_start3A_24] : memref<10000x64xf32, #tpu.memory_space<hbm>> -> memref<10000x64xf32, #tpu.memory_space<hbm>>
    tpu.enqueue_indirect_dma source(%dma_start3A_25 : memref<10000x64xf32, #tpu.memory_space<hbm>>) target(%arg10 : memref<128x64xf32, #tpu.memory_space<vmem>>) offsets(%dma_start3A_22 : memref<128xi32, #tpu.memory_space<vmem>>) semaphore(%arg14 : memref<!tpu.dma_semaphore, #tpu.memory_space<semaphore_mem>>)
    %dma_start3A_26 = arith.constant 2 : i32
    %dma_start3A_27 = arith.constant 0 : i32
    %dma_start3A_28 = tpu.memref_slice %arg7[%dma_start3A_26, %dma_start3A_27] : memref<84x128xi32, #tpu.memory_space<vmem>> -> memref<1x128xi32, #tpu.memory_space<vmem>>
    %dma_start3A_29 = tpu.memref_squeeze %dma_start3A_28 : memref<1x128xi32, #tpu.memory_space<vmem>> -> memref<128xi32, #tpu.memory_space<vmem>>
    %dma_start3A_30 = arith.constant 0 : i32
    %dma_start3A_31 = arith.constant 0 : i32
    %dma_start3A_32 = tpu.memref_slice %arg2[%dma_start3A_30, %dma_start3A_31] : memref<10000x64xf32, #tpu.memory_space<hbm>> -> memref<10000x64xf32, #tpu.memory_space<hbm>>
    tpu.enqueue_indirect_dma source(%dma_start3A_32 : memref<10000x64xf32, #tpu.memory_space<hbm>>) target(%arg11 : memref<128x64xf32, #tpu.memory_space<vmem>>) offsets(%dma_start3A_29 : memref<128xi32, #tpu.memory_space<vmem>>) semaphore(%arg14 : memref<!tpu.dma_semaphore, #tpu.memory_space<semaphore_mem>>)
    %dma_start3A_33 = arith.constant 3 : i32
    %dma_start3A_34 = arith.constant 0 : i32
    %dma_start3A_35 = tpu.memref_slice %arg7[%dma_start3A_33, %dma_start3A_34] : memref<84x128xi32, #tpu.memory_space<vmem>> -> memref<1x128xi32, #tpu.memory_space<vmem>>
    %dma_start3A_36 = tpu.memref_squeeze %dma_start3A_35 : memref<1x128xi32, #tpu.memory_space<vmem>> -> memref<128xi32, #tpu.memory_space<vmem>>
    %dma_start3A_37 = arith.constant 0 : i32
    %dma_start3A_38 = arith.constant 0 : i32
    %dma_start3A_39 = tpu.memref_slice %arg2[%dma_start3A_37, %dma_start3A_38] : memref<10000x64xf32, #tpu.memory_space<hbm>> -> memref<10000x64xf32, #tpu.memory_space<hbm>>
    tpu.enqueue_indirect_dma source(%dma_start3A_39 : memref<10000x64xf32, #tpu.memory_space<hbm>>) target(%arg12 : memref<128x64xf32, #tpu.memory_space<vmem>>) offsets(%dma_start3A_36 : memref<128xi32, #tpu.memory_space<vmem>>) semaphore(%arg14 : memref<!tpu.dma_semaphore, #tpu.memory_space<semaphore_mem>>)
    %jit3A_40 = arith.constant 4 : i32
    %div3A = arith.divsi %select_n3A_8, %jit3A_40 : i32
    %sign3A = arith.constant 0 : i32
    %sign3A_41 = arith.cmpi sgt, %select_n3A_8, %sign3A : i32
    %sign3A_42 = arith.extui %sign3A_41 : i1 to i32
    %sign3A_43 = arith.constant 0 : i32
    %sign3A_44 = arith.cmpi slt, %select_n3A_8, %sign3A_43 : i32
    %sign3A_45 = arith.extui %sign3A_44 : i1 to i32
    %sign3A_46 = arith.subi %sign3A_42, %sign3A_45 : i32
    %sign3A_47 = arith.constant 0 : i32
    %sign3A_48 = arith.cmpi sgt, %jit3A_40, %sign3A_47 : i32
    %sign3A_49 = arith.extui %sign3A_48 : i1 to i32
    %sign3A_50 = arith.constant 0 : i32
    %sign3A_51 = arith.cmpi slt, %jit3A_40, %sign3A_50 : i32
    %sign3A_52 = arith.extui %sign3A_51 : i1 to i32
    %sign3A_53 = arith.subi %sign3A_49, %sign3A_52 : i32
    %ne3A = arith.cmpi ne, %sign3A_46, %sign3A_53 : i32
    %rem3A = arith.remsi %select_n3A_8, %jit3A_40 : i32
    %ne3A_54 = arith.constant 0 : i32
    %ne3A_55 = arith.cmpi ne, %rem3A, %ne3A_54 : i32
    %and3A = arith.andi %ne3A, %ne3A_55 : i1
    %sub3A = arith.constant 1 : i32
    %sub3A_56 = arith.subi %div3A, %sub3A : i32
    %select_n3A_57 = arith.select %and3A, %sub3A_56, %div3A : i32
    %while3A = arith.constant 0 : i32
    %while3A_58 = arith.constant 0 : i32
    %while3A_59 = arith.subi %select_n3A_57, %while3A_58 : i32
    %while3A_60 = arith.addi %while3A_58, %while3A_59 : i32
    %while3A_61 = arith.constant 1 : i32
    %while3A_62 = arith.divsi %while3A_59, %while3A_61 : i32
    %while3A_63 = arith.muli %while3A_62, %while3A_61 : i32
    %while3A_64 = arith.addi %while3A_58, %while3A_63 : i32
    %while3A_65 = arith.constant 1 : i32
    scf.for %while3A_102 = %while3A_58 to %while3A_64 step %while3A_65  : i32 {
      %mul3A_103 = arith.constant 4 : i32
      %mul3A_104 = arith.muli %while3A_102, %mul3A_103 : i32
      %add3A_105 = arith.constant 0 : i32
      %add3A_106 = arith.addi %mul3A_104, %add3A_105 : i32
      %dma_wait3A_107 = arith.constant 0 : i32
      %dma_wait3A_108 = tpu.memref_slice %arg7[%add3A_106, %dma_wait3A_107] : memref<84x128xi32, #tpu.memory_space<vmem>> -> memref<1x128xi32, #tpu.memory_space<vmem>>
      %dma_wait3A_109 = tpu.memref_squeeze %dma_wait3A_108 : memref<1x128xi32, #tpu.memory_space<vmem>> -> memref<128xi32, #tpu.memory_space<vmem>>
      %dma_wait3A_110 = arith.constant 0 : i32
      %dma_wait3A_111 = arith.constant 0 : i32
      %dma_wait3A_112 = tpu.memref_slice %arg2[%dma_wait3A_110, %dma_wait3A_111] : memref<10000x64xf32, #tpu.memory_space<hbm>> -> memref<10000x64xf32, #tpu.memory_space<hbm>>
      tpu.wait_indirect_dma semaphore(%arg14 : memref<!tpu.dma_semaphore, #tpu.memory_space<semaphore_mem>>) src(%dma_wait3A_112 : memref<10000x64xf32, #tpu.memory_space<hbm>>) dst(%arg9 : memref<128x64xf32, #tpu.memory_space<vmem>>)
      %add3A_113 = arith.constant 0 : i32
      %add3A_114 = arith.addi %mul3A_104, %add3A_113 : i32
      %dma_start3A_115 = arith.constant 0 : i32
      %dma_start3A_116 = tpu.memref_slice %arg8[%add3A_114, %dma_start3A_115] : memref<84x128xi32, #tpu.memory_space<vmem>> -> memref<1x128xi32, #tpu.memory_space<vmem>>
      %dma_start3A_117 = tpu.memref_squeeze %dma_start3A_116 : memref<1x128xi32, #tpu.memory_space<vmem>> -> memref<128xi32, #tpu.memory_space<vmem>>
      %dma_start3A_118 = arith.constant 0 : i32
      %dma_start3A_119 = arith.constant 0 : i32
      %dma_start3A_120 = tpu.memref_slice %arg13[%dma_start3A_118, %dma_start3A_119] : memref<10240x64xf32, #tpu.memory_space<vmem_shared>> -> memref<10240x64xf32, #tpu.memory_space<vmem_shared>>
      tpu.enqueue_indirect_dma source(%arg9 : memref<128x64xf32, #tpu.memory_space<vmem>>) target(%dma_start3A_120 : memref<10240x64xf32, #tpu.memory_space<vmem_shared>>) offsets(%dma_start3A_117 : memref<128xi32, #tpu.memory_space<vmem>>) semaphore(%arg15 : memref<!tpu.dma_semaphore, #tpu.memory_space<semaphore_mem>>) {add = true}
      %add3A_121 = arith.constant 1 : i32
      %add3A_122 = arith.addi %mul3A_104, %add3A_121 : i32
      %dma_wait3A_123 = arith.constant 0 : i32
      %dma_wait3A_124 = tpu.memref_slice %arg7[%add3A_122, %dma_wait3A_123] : memref<84x128xi32, #tpu.memory_space<vmem>> -> memref<1x128xi32, #tpu.memory_space<vmem>>
      %dma_wait3A_125 = tpu.memref_squeeze %dma_wait3A_124 : memref<1x128xi32, #tpu.memory_space<vmem>> -> memref<128xi32, #tpu.memory_space<vmem>>
      %dma_wait3A_126 = arith.constant 0 : i32
      %dma_wait3A_127 = arith.constant 0 : i32
      %dma_wait3A_128 = tpu.memref_slice %arg2[%dma_wait3A_126, %dma_wait3A_127] : memref<10000x64xf32, #tpu.memory_space<hbm>> -> memref<10000x64xf32, #tpu.memory_space<hbm>>
      tpu.wait_indirect_dma semaphore(%arg14 : memref<!tpu.dma_semaphore, #tpu.memory_space<semaphore_mem>>) src(%dma_wait3A_128 : memref<10000x64xf32, #tpu.memory_space<hbm>>) dst(%arg10 : memref<128x64xf32, #tpu.memory_space<vmem>>)
      %add3A_129 = arith.constant 1 : i32
      %add3A_130 = arith.addi %mul3A_104, %add3A_129 : i32
      %dma_start3A_131 = arith.constant 0 : i32
      %dma_start3A_132 = tpu.memref_slice %arg8[%add3A_130, %dma_start3A_131] : memref<84x128xi32, #tpu.memory_space<vmem>> -> memref<1x128xi32, #tpu.memory_space<vmem>>
      %dma_start3A_133 = tpu.memref_squeeze %dma_start3A_132 : memref<1x128xi32, #tpu.memory_space<vmem>> -> memref<128xi32, #tpu.memory_space<vmem>>
      %dma_start3A_134 = arith.constant 0 : i32
      %dma_start3A_135 = arith.constant 0 : i32
      %dma_start3A_136 = tpu.memref_slice %arg13[%dma_start3A_134, %dma_start3A_135] : memref<10240x64xf32, #tpu.memory_space<vmem_shared>> -> memref<10240x64xf32, #tpu.memory_space<vmem_shared>>
      tpu.enqueue_indirect_dma source(%arg10 : memref<128x64xf32, #tpu.memory_space<vmem>>) target(%dma_start3A_136 : memref<10240x64xf32, #tpu.memory_space<vmem_shared>>) offsets(%dma_start3A_133 : memref<128xi32, #tpu.memory_space<vmem>>) semaphore(%arg15 : memref<!tpu.dma_semaphore, #tpu.memory_space<semaphore_mem>>) {add = true}
      %add3A_137 = arith.constant 2 : i32
      %add3A_138 = arith.addi %mul3A_104, %add3A_137 : i32
      %dma_wait3A_139 = arith.constant 0 : i32
      %dma_wait3A_140 = tpu.memref_slice %arg7[%add3A_138, %dma_wait3A_139] : memref<84x128xi32, #tpu.memory_space<vmem>> -> memref<1x128xi32, #tpu.memory_space<vmem>>
      %dma_wait3A_141 = tpu.memref_squeeze %dma_wait3A_140 : memref<1x128xi32, #tpu.memory_space<vmem>> -> memref<128xi32, #tpu.memory_space<vmem>>
      %dma_wait3A_142 = arith.constant 0 : i32
      %dma_wait3A_143 = arith.constant 0 : i32
      %dma_wait3A_144 = tpu.memref_slice %arg2[%dma_wait3A_142, %dma_wait3A_143] : memref<10000x64xf32, #tpu.memory_space<hbm>> -> memref<10000x64xf32, #tpu.memory_space<hbm>>
      tpu.wait_indirect_dma semaphore(%arg14 : memref<!tpu.dma_semaphore, #tpu.memory_space<semaphore_mem>>) src(%dma_wait3A_144 : memref<10000x64xf32, #tpu.memory_space<hbm>>) dst(%arg11 : memref<128x64xf32, #tpu.memory_space<vmem>>)
      %add3A_145 = arith.constant 2 : i32
      %add3A_146 = arith.addi %mul3A_104, %add3A_145 : i32
      %dma_start3A_147 = arith.constant 0 : i32
      %dma_start3A_148 = tpu.memref_slice %arg8[%add3A_146, %dma_start3A_147] : memref<84x128xi32, #tpu.memory_space<vmem>> -> memref<1x128xi32, #tpu.memory_space<vmem>>
      %dma_start3A_149 = tpu.memref_squeeze %dma_start3A_148 : memref<1x128xi32, #tpu.memory_space<vmem>> -> memref<128xi32, #tpu.memory_space<vmem>>
      %dma_start3A_150 = arith.constant 0 : i32
      %dma_start3A_151 = arith.constant 0 : i32
      %dma_start3A_152 = tpu.memref_slice %arg13[%dma_start3A_150, %dma_start3A_151] : memref<10240x64xf32, #tpu.memory_space<vmem_shared>> -> memref<10240x64xf32, #tpu.memory_space<vmem_shared>>
      tpu.enqueue_indirect_dma source(%arg11 : memref<128x64xf32, #tpu.memory_space<vmem>>) target(%dma_start3A_152 : memref<10240x64xf32, #tpu.memory_space<vmem_shared>>) offsets(%dma_start3A_149 : memref<128xi32, #tpu.memory_space<vmem>>) semaphore(%arg15 : memref<!tpu.dma_semaphore, #tpu.memory_space<semaphore_mem>>) {add = true}
      %add3A_153 = arith.constant 3 : i32
      %add3A_154 = arith.addi %mul3A_104, %add3A_153 : i32
      %dma_wait3A_155 = arith.constant 0 : i32
      %dma_wait3A_156 = tpu.memref_slice %arg7[%add3A_154, %dma_wait3A_155] : memref<84x128xi32, #tpu.memory_space<vmem>> -> memref<1x128xi32, #tpu.memory_space<vmem>>
      %dma_wait3A_157 = tpu.memref_squeeze %dma_wait3A_156 : memref<1x128xi32, #tpu.memory_space<vmem>> -> memref<128xi32, #tpu.memory_space<vmem>>
      %dma_wait3A_158 = arith.constant 0 : i32
      %dma_wait3A_159 = arith.constant 0 : i32
      %dma_wait3A_160 = tpu.memref_slice %arg2[%dma_wait3A_158, %dma_wait3A_159] : memref<10000x64xf32, #tpu.memory_space<hbm>> -> memref<10000x64xf32, #tpu.memory_space<hbm>>
      tpu.wait_indirect_dma semaphore(%arg14 : memref<!tpu.dma_semaphore, #tpu.memory_space<semaphore_mem>>) src(%dma_wait3A_160 : memref<10000x64xf32, #tpu.memory_space<hbm>>) dst(%arg12 : memref<128x64xf32, #tpu.memory_space<vmem>>)
      %add3A_161 = arith.constant 3 : i32
      %add3A_162 = arith.addi %mul3A_104, %add3A_161 : i32
      %dma_start3A_163 = arith.constant 0 : i32
      %dma_start3A_164 = tpu.memref_slice %arg8[%add3A_162, %dma_start3A_163] : memref<84x128xi32, #tpu.memory_space<vmem>> -> memref<1x128xi32, #tpu.memory_space<vmem>>
      %dma_start3A_165 = tpu.memref_squeeze %dma_start3A_164 : memref<1x128xi32, #tpu.memory_space<vmem>> -> memref<128xi32, #tpu.memory_space<vmem>>
      %dma_start3A_166 = arith.constant 0 : i32
      %dma_start3A_167 = arith.constant 0 : i32
      %dma_start3A_168 = tpu.memref_slice %arg13[%dma_start3A_166, %dma_start3A_167] : memref<10240x64xf32, #tpu.memory_space<vmem_shared>> -> memref<10240x64xf32, #tpu.memory_space<vmem_shared>>
      tpu.enqueue_indirect_dma source(%arg12 : memref<128x64xf32, #tpu.memory_space<vmem>>) target(%dma_start3A_168 : memref<10240x64xf32, #tpu.memory_space<vmem_shared>>) offsets(%dma_start3A_165 : memref<128xi32, #tpu.memory_space<vmem>>) semaphore(%arg15 : memref<!tpu.dma_semaphore, #tpu.memory_space<semaphore_mem>>) {add = true}
      %add3A_169 = arith.constant 4 : i32
      %add3A_170 = arith.addi %mul3A_104, %add3A_169 : i32
      %add3A_171 = arith.constant 0 : i32
      %add3A_172 = arith.addi %add3A_170, %add3A_171 : i32
      %lt3A = arith.cmpi slt, %add3A_172, %select_n3A_8 : i32
      %convert_element_type3A = arith.extui %lt3A : i1 to i32
      %cond3A = arith.constant 0 : i32
      %cond3A_173 = arith.cmpi ne, %convert_element_type3A, %cond3A : i32
      scf.if %cond3A_173 {
        %dma_wait3A_198 = arith.constant 0 : i32
        %dma_wait3A_199 = arith.constant 0 : i32
        %dma_wait3A_200 = tpu.memref_slice %arg8[%dma_wait3A_198, %dma_wait3A_199] : memref<84x128xi32, #tpu.memory_space<vmem>> -> memref<1x128xi32, #tpu.memory_space<vmem>>
        %dma_wait3A_201 = tpu.memref_squeeze %dma_wait3A_200 : memref<1x128xi32, #tpu.memory_space<vmem>> -> memref<128xi32, #tpu.memory_space<vmem>>
        %dma_wait3A_202 = arith.constant 0 : i32
        %dma_wait3A_203 = arith.constant 0 : i32
        %dma_wait3A_204 = tpu.memref_slice %arg13[%dma_wait3A_202, %dma_wait3A_203] : memref<10240x64xf32, #tpu.memory_space<vmem_shared>> -> memref<10240x64xf32, #tpu.memory_space<vmem_shared>>
        tpu.wait_indirect_dma semaphore(%arg15 : memref<!tpu.dma_semaphore, #tpu.memory_space<semaphore_mem>>) src(%arg9 : memref<128x64xf32, #tpu.memory_space<vmem>>) dst(%dma_wait3A_204 : memref<10240x64xf32, #tpu.memory_space<vmem_shared>>)
        %dma_start3A_205 = arith.constant 0 : i32
        %dma_start3A_206 = tpu.memref_slice %arg7[%add3A_172, %dma_start3A_205] : memref<84x128xi32, #tpu.memory_space<vmem>> -> memref<1x128xi32, #tpu.memory_space<vmem>>
        %dma_start3A_207 = tpu.memref_squeeze %dma_start3A_206 : memref<1x128xi32, #tpu.memory_space<vmem>> -> memref<128xi32, #tpu.memory_space<vmem>>
        %dma_start3A_208 = arith.constant 0 : i32
        %dma_start3A_209 = arith.constant 0 : i32
        %dma_start3A_210 = tpu.memref_slice %arg2[%dma_start3A_208, %dma_start3A_209] : memref<10000x64xf32, #tpu.memory_space<hbm>> -> memref<10000x64xf32, #tpu.memory_space<hbm>>
        tpu.enqueue_indirect_dma source(%dma_start3A_210 : memref<10000x64xf32, #tpu.memory_space<hbm>>) target(%arg9 : memref<128x64xf32, #tpu.memory_space<vmem>>) offsets(%dma_start3A_207 : memref<128xi32, #tpu.memory_space<vmem>>) semaphore(%arg14 : memref<!tpu.dma_semaphore, #tpu.memory_space<semaphore_mem>>)
      } else {
      }
      %add3A_174 = arith.constant 4 : i32
      %add3A_175 = arith.addi %mul3A_104, %add3A_174 : i32
      %add3A_176 = arith.constant 1 : i32
      %add3A_177 = arith.addi %add3A_175, %add3A_176 : i32
      %lt3A_178 = arith.cmpi slt, %add3A_177, %select_n3A_8 : i32
      %convert_element_type3A_179 = arith.extui %lt3A_178 : i1 to i32
      %cond3A_180 = arith.constant 0 : i32
      %cond3A_181 = arith.cmpi ne, %convert_element_type3A_179, %cond3A_180 : i32
      scf.if %cond3A_181 {
        %dma_wait3A_198 = arith.constant 0 : i32
        %dma_wait3A_199 = arith.constant 0 : i32
        %dma_wait3A_200 = tpu.memref_slice %arg8[%dma_wait3A_198, %dma_wait3A_199] : memref<84x128xi32, #tpu.memory_space<vmem>> -> memref<1x128xi32, #tpu.memory_space<vmem>>
        %dma_wait3A_201 = tpu.memref_squeeze %dma_wait3A_200 : memref<1x128xi32, #tpu.memory_space<vmem>> -> memref<128xi32, #tpu.memory_space<vmem>>
        %dma_wait3A_202 = arith.constant 0 : i32
        %dma_wait3A_203 = arith.constant 0 : i32
        %dma_wait3A_204 = tpu.memref_slice %arg13[%dma_wait3A_202, %dma_wait3A_203] : memref<10240x64xf32, #tpu.memory_space<vmem_shared>> -> memref<10240x64xf32, #tpu.memory_space<vmem_shared>>
        tpu.wait_indirect_dma semaphore(%arg15 : memref<!tpu.dma_semaphore, #tpu.memory_space<semaphore_mem>>) src(%arg10 : memref<128x64xf32, #tpu.memory_space<vmem>>) dst(%dma_wait3A_204 : memref<10240x64xf32, #tpu.memory_space<vmem_shared>>)
        %dma_start3A_205 = arith.constant 0 : i32
        %dma_start3A_206 = tpu.memref_slice %arg7[%add3A_177, %dma_start3A_205] : memref<84x128xi32, #tpu.memory_space<vmem>> -> memref<1x128xi32, #tpu.memory_space<vmem>>
        %dma_start3A_207 = tpu.memref_squeeze %dma_start3A_206 : memref<1x128xi32, #tpu.memory_space<vmem>> -> memref<128xi32, #tpu.memory_space<vmem>>
        %dma_start3A_208 = arith.constant 0 : i32
        %dma_start3A_209 = arith.constant 0 : i32
        %dma_start3A_210 = tpu.memref_slice %arg2[%dma_start3A_208, %dma_start3A_209] : memref<10000x64xf32, #tpu.memory_space<hbm>> -> memref<10000x64xf32, #tpu.memory_space<hbm>>
        tpu.enqueue_indirect_dma source(%dma_start3A_210 : memref<10000x64xf32, #tpu.memory_space<hbm>>) target(%arg10 : memref<128x64xf32, #tpu.memory_space<vmem>>) offsets(%dma_start3A_207 : memref<128xi32, #tpu.memory_space<vmem>>) semaphore(%arg14 : memref<!tpu.dma_semaphore, #tpu.memory_space<semaphore_mem>>)
      } else {
      }
      %add3A_182 = arith.constant 4 : i32
      %add3A_183 = arith.addi %mul3A_104, %add3A_182 : i32
      %add3A_184 = arith.constant 2 : i32
      %add3A_185 = arith.addi %add3A_183, %add3A_184 : i32
      %lt3A_186 = arith.cmpi slt, %add3A_185, %select_n3A_8 : i32
      %convert_element_type3A_187 = arith.extui %lt3A_186 : i1 to i32
      %cond3A_188 = arith.constant 0 : i32
      %cond3A_189 = arith.cmpi ne, %convert_element_type3A_187, %cond3A_188 : i32
      scf.if %cond3A_189 {
        %dma_wait3A_198 = arith.constant 0 : i32
        %dma_wait3A_199 = arith.constant 0 : i32
        %dma_wait3A_200 = tpu.memref_slice %arg8[%dma_wait3A_198, %dma_wait3A_199] : memref<84x128xi32, #tpu.memory_space<vmem>> -> memref<1x128xi32, #tpu.memory_space<vmem>>
        %dma_wait3A_201 = tpu.memref_squeeze %dma_wait3A_200 : memref<1x128xi32, #tpu.memory_space<vmem>> -> memref<128xi32, #tpu.memory_space<vmem>>
        %dma_wait3A_202 = arith.constant 0 : i32
        %dma_wait3A_203 = arith.constant 0 : i32
        %dma_wait3A_204 = tpu.memref_slice %arg13[%dma_wait3A_202, %dma_wait3A_203] : memref<10240x64xf32, #tpu.memory_space<vmem_shared>> -> memref<10240x64xf32, #tpu.memory_space<vmem_shared>>
        tpu.wait_indirect_dma semaphore(%arg15 : memref<!tpu.dma_semaphore, #tpu.memory_space<semaphore_mem>>) src(%arg11 : memref<128x64xf32, #tpu.memory_space<vmem>>) dst(%dma_wait3A_204 : memref<10240x64xf32, #tpu.memory_space<vmem_shared>>)
        %dma_start3A_205 = arith.constant 0 : i32
        %dma_start3A_206 = tpu.memref_slice %arg7[%add3A_185, %dma_start3A_205] : memref<84x128xi32, #tpu.memory_space<vmem>> -> memref<1x128xi32, #tpu.memory_space<vmem>>
        %dma_start3A_207 = tpu.memref_squeeze %dma_start3A_206 : memref<1x128xi32, #tpu.memory_space<vmem>> -> memref<128xi32, #tpu.memory_space<vmem>>
        %dma_start3A_208 = arith.constant 0 : i32
        %dma_start3A_209 = arith.constant 0 : i32
        %dma_start3A_210 = tpu.memref_slice %arg2[%dma_start3A_208, %dma_start3A_209] : memref<10000x64xf32, #tpu.memory_space<hbm>> -> memref<10000x64xf32, #tpu.memory_space<hbm>>
        tpu.enqueue_indirect_dma source(%dma_start3A_210 : memref<10000x64xf32, #tpu.memory_space<hbm>>) target(%arg11 : memref<128x64xf32, #tpu.memory_space<vmem>>) offsets(%dma_start3A_207 : memref<128xi32, #tpu.memory_space<vmem>>) semaphore(%arg14 : memref<!tpu.dma_semaphore, #tpu.memory_space<semaphore_mem>>)
      } else {
      }
      %add3A_190 = arith.constant 4 : i32
      %add3A_191 = arith.addi %mul3A_104, %add3A_190 : i32
      %add3A_192 = arith.constant 3 : i32
      %add3A_193 = arith.addi %add3A_191, %add3A_192 : i32
      %lt3A_194 = arith.cmpi slt, %add3A_193, %select_n3A_8 : i32
      %convert_element_type3A_195 = arith.extui %lt3A_194 : i1 to i32
      %cond3A_196 = arith.constant 0 : i32
      %cond3A_197 = arith.cmpi ne, %convert_element_type3A_195, %cond3A_196 : i32
      scf.if %cond3A_197 {
        %dma_wait3A_198 = arith.constant 0 : i32
        %dma_wait3A_199 = arith.constant 0 : i32
        %dma_wait3A_200 = tpu.memref_slice %arg8[%dma_wait3A_198, %dma_wait3A_199] : memref<84x128xi32, #tpu.memory_space<vmem>> -> memref<1x128xi32, #tpu.memory_space<vmem>>
        %dma_wait3A_201 = tpu.memref_squeeze %dma_wait3A_200 : memref<1x128xi32, #tpu.memory_space<vmem>> -> memref<128xi32, #tpu.memory_space<vmem>>
        %dma_wait3A_202 = arith.constant 0 : i32
        %dma_wait3A_203 = arith.constant 0 : i32
        %dma_wait3A_204 = tpu.memref_slice %arg13[%dma_wait3A_202, %dma_wait3A_203] : memref<10240x64xf32, #tpu.memory_space<vmem_shared>> -> memref<10240x64xf32, #tpu.memory_space<vmem_shared>>
        tpu.wait_indirect_dma semaphore(%arg15 : memref<!tpu.dma_semaphore, #tpu.memory_space<semaphore_mem>>) src(%arg12 : memref<128x64xf32, #tpu.memory_space<vmem>>) dst(%dma_wait3A_204 : memref<10240x64xf32, #tpu.memory_space<vmem_shared>>)
        %dma_start3A_205 = arith.constant 0 : i32
        %dma_start3A_206 = tpu.memref_slice %arg7[%add3A_193, %dma_start3A_205] : memref<84x128xi32, #tpu.memory_space<vmem>> -> memref<1x128xi32, #tpu.memory_space<vmem>>
        %dma_start3A_207 = tpu.memref_squeeze %dma_start3A_206 : memref<1x128xi32, #tpu.memory_space<vmem>> -> memref<128xi32, #tpu.memory_space<vmem>>
        %dma_start3A_208 = arith.constant 0 : i32
        %dma_start3A_209 = arith.constant 0 : i32
        %dma_start3A_210 = tpu.memref_slice %arg2[%dma_start3A_208, %dma_start3A_209] : memref<10000x64xf32, #tpu.memory_space<hbm>> -> memref<10000x64xf32, #tpu.memory_space<hbm>>
        tpu.enqueue_indirect_dma source(%dma_start3A_210 : memref<10000x64xf32, #tpu.memory_space<hbm>>) target(%arg12 : memref<128x64xf32, #tpu.memory_space<vmem>>) offsets(%dma_start3A_207 : memref<128xi32, #tpu.memory_space<vmem>>) semaphore(%arg14 : memref<!tpu.dma_semaphore, #tpu.memory_space<semaphore_mem>>)
      } else {
      }
    }
    %while3A_66 = arith.constant 1 : i32
    scf.for %while3A_102 = %while3A_64 to %while3A_60 step %while3A_66  : i32 {
      %mul3A_103 = arith.constant 4 : i32
      %mul3A_104 = arith.muli %while3A_102, %mul3A_103 : i32
      %add3A_105 = arith.constant 0 : i32
      %add3A_106 = arith.addi %mul3A_104, %add3A_105 : i32
      %dma_wait3A_107 = arith.constant 0 : i32
      %dma_wait3A_108 = tpu.memref_slice %arg7[%add3A_106, %dma_wait3A_107] : memref<84x128xi32, #tpu.memory_space<vmem>> -> memref<1x128xi32, #tpu.memory_space<vmem>>
      %dma_wait3A_109 = tpu.memref_squeeze %dma_wait3A_108 : memref<1x128xi32, #tpu.memory_space<vmem>> -> memref<128xi32, #tpu.memory_space<vmem>>
      %dma_wait3A_110 = arith.constant 0 : i32
      %dma_wait3A_111 = arith.constant 0 : i32
      %dma_wait3A_112 = tpu.memref_slice %arg2[%dma_wait3A_110, %dma_wait3A_111] : memref<10000x64xf32, #tpu.memory_space<hbm>> -> memref<10000x64xf32, #tpu.memory_space<hbm>>
      tpu.wait_indirect_dma semaphore(%arg14 : memref<!tpu.dma_semaphore, #tpu.memory_space<semaphore_mem>>) src(%dma_wait3A_112 : memref<10000x64xf32, #tpu.memory_space<hbm>>) dst(%arg9 : memref<128x64xf32, #tpu.memory_space<vmem>>)
      %add3A_113 = arith.constant 0 : i32
      %add3A_114 = arith.addi %mul3A_104, %add3A_113 : i32
      %dma_start3A_115 = arith.constant 0 : i32
      %dma_start3A_116 = tpu.memref_slice %arg8[%add3A_114, %dma_start3A_115] : memref<84x128xi32, #tpu.memory_space<vmem>> -> memref<1x128xi32, #tpu.memory_space<vmem>>
      %dma_start3A_117 = tpu.memref_squeeze %dma_start3A_116 : memref<1x128xi32, #tpu.memory_space<vmem>> -> memref<128xi32, #tpu.memory_space<vmem>>
      %dma_start3A_118 = arith.constant 0 : i32
      %dma_start3A_119 = arith.constant 0 : i32
      %dma_start3A_120 = tpu.memref_slice %arg13[%dma_start3A_118, %dma_start3A_119] : memref<10240x64xf32, #tpu.memory_space<vmem_shared>> -> memref<10240x64xf32, #tpu.memory_space<vmem_shared>>
      tpu.enqueue_indirect_dma source(%arg9 : memref<128x64xf32, #tpu.memory_space<vmem>>) target(%dma_start3A_120 : memref<10240x64xf32, #tpu.memory_space<vmem_shared>>) offsets(%dma_start3A_117 : memref<128xi32, #tpu.memory_space<vmem>>) semaphore(%arg15 : memref<!tpu.dma_semaphore, #tpu.memory_space<semaphore_mem>>) {add = true}
      %add3A_121 = arith.constant 1 : i32
      %add3A_122 = arith.addi %mul3A_104, %add3A_121 : i32
      %dma_wait3A_123 = arith.constant 0 : i32
      %dma_wait3A_124 = tpu.memref_slice %arg7[%add3A_122, %dma_wait3A_123] : memref<84x128xi32, #tpu.memory_space<vmem>> -> memref<1x128xi32, #tpu.memory_space<vmem>>
      %dma_wait3A_125 = tpu.memref_squeeze %dma_wait3A_124 : memref<1x128xi32, #tpu.memory_space<vmem>> -> memref<128xi32, #tpu.memory_space<vmem>>
      %dma_wait3A_126 = arith.constant 0 : i32
      %dma_wait3A_127 = arith.constant 0 : i32
      %dma_wait3A_128 = tpu.memref_slice %arg2[%dma_wait3A_126, %dma_wait3A_127] : memref<10000x64xf32, #tpu.memory_space<hbm>> -> memref<10000x64xf32, #tpu.memory_space<hbm>>
      tpu.wait_indirect_dma semaphore(%arg14 : memref<!tpu.dma_semaphore, #tpu.memory_space<semaphore_mem>>) src(%dma_wait3A_128 : memref<10000x64xf32, #tpu.memory_space<hbm>>) dst(%arg10 : memref<128x64xf32, #tpu.memory_space<vmem>>)
      %add3A_129 = arith.constant 1 : i32
      %add3A_130 = arith.addi %mul3A_104, %add3A_129 : i32
      %dma_start3A_131 = arith.constant 0 : i32
      %dma_start3A_132 = tpu.memref_slice %arg8[%add3A_130, %dma_start3A_131] : memref<84x128xi32, #tpu.memory_space<vmem>> -> memref<1x128xi32, #tpu.memory_space<vmem>>
      %dma_start3A_133 = tpu.memref_squeeze %dma_start3A_132 : memref<1x128xi32, #tpu.memory_space<vmem>> -> memref<128xi32, #tpu.memory_space<vmem>>
      %dma_start3A_134 = arith.constant 0 : i32
      %dma_start3A_135 = arith.constant 0 : i32
      %dma_start3A_136 = tpu.memref_slice %arg13[%dma_start3A_134, %dma_start3A_135] : memref<10240x64xf32, #tpu.memory_space<vmem_shared>> -> memref<10240x64xf32, #tpu.memory_space<vmem_shared>>
      tpu.enqueue_indirect_dma source(%arg10 : memref<128x64xf32, #tpu.memory_space<vmem>>) target(%dma_start3A_136 : memref<10240x64xf32, #tpu.memory_space<vmem_shared>>) offsets(%dma_start3A_133 : memref<128xi32, #tpu.memory_space<vmem>>) semaphore(%arg15 : memref<!tpu.dma_semaphore, #tpu.memory_space<semaphore_mem>>) {add = true}
      %add3A_137 = arith.constant 2 : i32
      %add3A_138 = arith.addi %mul3A_104, %add3A_137 : i32
      %dma_wait3A_139 = arith.constant 0 : i32
      %dma_wait3A_140 = tpu.memref_slice %arg7[%add3A_138, %dma_wait3A_139] : memref<84x128xi32, #tpu.memory_space<vmem>> -> memref<1x128xi32, #tpu.memory_space<vmem>>
      %dma_wait3A_141 = tpu.memref_squeeze %dma_wait3A_140 : memref<1x128xi32, #tpu.memory_space<vmem>> -> memref<128xi32, #tpu.memory_space<vmem>>
      %dma_wait3A_142 = arith.constant 0 : i32
      %dma_wait3A_143 = arith.constant 0 : i32
      %dma_wait3A_144 = tpu.memref_slice %arg2[%dma_wait3A_142, %dma_wait3A_143] : memref<10000x64xf32, #tpu.memory_space<hbm>> -> memref<10000x64xf32, #tpu.memory_space<hbm>>
      tpu.wait_indirect_dma semaphore(%arg14 : memref<!tpu.dma_semaphore, #tpu.memory_space<semaphore_mem>>) src(%dma_wait3A_144 : memref<10000x64xf32, #tpu.memory_space<hbm>>) dst(%arg11 : memref<128x64xf32, #tpu.memory_space<vmem>>)
      %add3A_145 = arith.constant 2 : i32
      %add3A_146 = arith.addi %mul3A_104, %add3A_145 : i32
      %dma_start3A_147 = arith.constant 0 : i32
      %dma_start3A_148 = tpu.memref_slice %arg8[%add3A_146, %dma_start3A_147] : memref<84x128xi32, #tpu.memory_space<vmem>> -> memref<1x128xi32, #tpu.memory_space<vmem>>
      %dma_start3A_149 = tpu.memref_squeeze %dma_start3A_148 : memref<1x128xi32, #tpu.memory_space<vmem>> -> memref<128xi32, #tpu.memory_space<vmem>>
      %dma_start3A_150 = arith.constant 0 : i32
      %dma_start3A_151 = arith.constant 0 : i32
      %dma_start3A_152 = tpu.memref_slice %arg13[%dma_start3A_150, %dma_start3A_151] : memref<10240x64xf32, #tpu.memory_space<vmem_shared>> -> memref<10240x64xf32, #tpu.memory_space<vmem_shared>>
      tpu.enqueue_indirect_dma source(%arg11 : memref<128x64xf32, #tpu.memory_space<vmem>>) target(%dma_start3A_152 : memref<10240x64xf32, #tpu.memory_space<vmem_shared>>) offsets(%dma_start3A_149 : memref<128xi32, #tpu.memory_space<vmem>>) semaphore(%arg15 : memref<!tpu.dma_semaphore, #tpu.memory_space<semaphore_mem>>) {add = true}
      %add3A_153 = arith.constant 3 : i32
      %add3A_154 = arith.addi %mul3A_104, %add3A_153 : i32
      %dma_wait3A_155 = arith.constant 0 : i32
      %dma_wait3A_156 = tpu.memref_slice %arg7[%add3A_154, %dma_wait3A_155] : memref<84x128xi32, #tpu.memory_space<vmem>> -> memref<1x128xi32, #tpu.memory_space<vmem>>
      %dma_wait3A_157 = tpu.memref_squeeze %dma_wait3A_156 : memref<1x128xi32, #tpu.memory_space<vmem>> -> memref<128xi32, #tpu.memory_space<vmem>>
      %dma_wait3A_158 = arith.constant 0 : i32
      %dma_wait3A_159 = arith.constant 0 : i32
      %dma_wait3A_160 = tpu.memref_slice %arg2[%dma_wait3A_158, %dma_wait3A_159] : memref<10000x64xf32, #tpu.memory_space<hbm>> -> memref<10000x64xf32, #tpu.memory_space<hbm>>
      tpu.wait_indirect_dma semaphore(%arg14 : memref<!tpu.dma_semaphore, #tpu.memory_space<semaphore_mem>>) src(%dma_wait3A_160 : memref<10000x64xf32, #tpu.memory_space<hbm>>) dst(%arg12 : memref<128x64xf32, #tpu.memory_space<vmem>>)
      %add3A_161 = arith.constant 3 : i32
      %add3A_162 = arith.addi %mul3A_104, %add3A_161 : i32
      %dma_start3A_163 = arith.constant 0 : i32
      %dma_start3A_164 = tpu.memref_slice %arg8[%add3A_162, %dma_start3A_163] : memref<84x128xi32, #tpu.memory_space<vmem>> -> memref<1x128xi32, #tpu.memory_space<vmem>>
      %dma_start3A_165 = tpu.memref_squeeze %dma_start3A_164 : memref<1x128xi32, #tpu.memory_space<vmem>> -> memref<128xi32, #tpu.memory_space<vmem>>
      %dma_start3A_166 = arith.constant 0 : i32
      %dma_start3A_167 = arith.constant 0 : i32
      %dma_start3A_168 = tpu.memref_slice %arg13[%dma_start3A_166, %dma_start3A_167] : memref<10240x64xf32, #tpu.memory_space<vmem_shared>> -> memref<10240x64xf32, #tpu.memory_space<vmem_shared>>
      tpu.enqueue_indirect_dma source(%arg12 : memref<128x64xf32, #tpu.memory_space<vmem>>) target(%dma_start3A_168 : memref<10240x64xf32, #tpu.memory_space<vmem_shared>>) offsets(%dma_start3A_165 : memref<128xi32, #tpu.memory_space<vmem>>) semaphore(%arg15 : memref<!tpu.dma_semaphore, #tpu.memory_space<semaphore_mem>>) {add = true}
      %add3A_169 = arith.constant 4 : i32
      %add3A_170 = arith.addi %mul3A_104, %add3A_169 : i32
      %add3A_171 = arith.constant 0 : i32
      %add3A_172 = arith.addi %add3A_170, %add3A_171 : i32
      %lt3A = arith.cmpi slt, %add3A_172, %select_n3A_8 : i32
      %convert_element_type3A = arith.extui %lt3A : i1 to i32
      %cond3A = arith.constant 0 : i32
      %cond3A_173 = arith.cmpi ne, %convert_element_type3A, %cond3A : i32
      scf.if %cond3A_173 {
        %dma_wait3A_198 = arith.constant 0 : i32
        %dma_wait3A_199 = arith.constant 0 : i32
        %dma_wait3A_200 = tpu.memref_slice %arg8[%dma_wait3A_198, %dma_wait3A_199] : memref<84x128xi32, #tpu.memory_space<vmem>> -> memref<1x128xi32, #tpu.memory_space<vmem>>
        %dma_wait3A_201 = tpu.memref_squeeze %dma_wait3A_200 : memref<1x128xi32, #tpu.memory_space<vmem>> -> memref<128xi32, #tpu.memory_space<vmem>>
        %dma_wait3A_202 = arith.constant 0 : i32
        %dma_wait3A_203 = arith.constant 0 : i32
        %dma_wait3A_204 = tpu.memref_slice %arg13[%dma_wait3A_202, %dma_wait3A_203] : memref<10240x64xf32, #tpu.memory_space<vmem_shared>> -> memref<10240x64xf32, #tpu.memory_space<vmem_shared>>
        tpu.wait_indirect_dma semaphore(%arg15 : memref<!tpu.dma_semaphore, #tpu.memory_space<semaphore_mem>>) src(%arg9 : memref<128x64xf32, #tpu.memory_space<vmem>>) dst(%dma_wait3A_204 : memref<10240x64xf32, #tpu.memory_space<vmem_shared>>)
        %dma_start3A_205 = arith.constant 0 : i32
        %dma_start3A_206 = tpu.memref_slice %arg7[%add3A_172, %dma_start3A_205] : memref<84x128xi32, #tpu.memory_space<vmem>> -> memref<1x128xi32, #tpu.memory_space<vmem>>
        %dma_start3A_207 = tpu.memref_squeeze %dma_start3A_206 : memref<1x128xi32, #tpu.memory_space<vmem>> -> memref<128xi32, #tpu.memory_space<vmem>>
        %dma_start3A_208 = arith.constant 0 : i32
        %dma_start3A_209 = arith.constant 0 : i32
        %dma_start3A_210 = tpu.memref_slice %arg2[%dma_start3A_208, %dma_start3A_209] : memref<10000x64xf32, #tpu.memory_space<hbm>> -> memref<10000x64xf32, #tpu.memory_space<hbm>>
        tpu.enqueue_indirect_dma source(%dma_start3A_210 : memref<10000x64xf32, #tpu.memory_space<hbm>>) target(%arg9 : memref<128x64xf32, #tpu.memory_space<vmem>>) offsets(%dma_start3A_207 : memref<128xi32, #tpu.memory_space<vmem>>) semaphore(%arg14 : memref<!tpu.dma_semaphore, #tpu.memory_space<semaphore_mem>>)
      } else {
      }
      %add3A_174 = arith.constant 4 : i32
      %add3A_175 = arith.addi %mul3A_104, %add3A_174 : i32
      %add3A_176 = arith.constant 1 : i32
      %add3A_177 = arith.addi %add3A_175, %add3A_176 : i32
      %lt3A_178 = arith.cmpi slt, %add3A_177, %select_n3A_8 : i32
      %convert_element_type3A_179 = arith.extui %lt3A_178 : i1 to i32
      %cond3A_180 = arith.constant 0 : i32
      %cond3A_181 = arith.cmpi ne, %convert_element_type3A_179, %cond3A_180 : i32
      scf.if %cond3A_181 {
        %dma_wait3A_198 = arith.constant 0 : i32
        %dma_wait3A_199 = arith.constant 0 : i32
        %dma_wait3A_200 = tpu.memref_slice %arg8[%dma_wait3A_198, %dma_wait3A_199] : memref<84x128xi32, #tpu.memory_space<vmem>> -> memref<1x128xi32, #tpu.memory_space<vmem>>
        %dma_wait3A_201 = tpu.memref_squeeze %dma_wait3A_200 : memref<1x128xi32, #tpu.memory_space<vmem>> -> memref<128xi32, #tpu.memory_space<vmem>>
        %dma_wait3A_202 = arith.constant 0 : i32
        %dma_wait3A_203 = arith.constant 0 : i32
        %dma_wait3A_204 = tpu.memref_slice %arg13[%dma_wait3A_202, %dma_wait3A_203] : memref<10240x64xf32, #tpu.memory_space<vmem_shared>> -> memref<10240x64xf32, #tpu.memory_space<vmem_shared>>
        tpu.wait_indirect_dma semaphore(%arg15 : memref<!tpu.dma_semaphore, #tpu.memory_space<semaphore_mem>>) src(%arg10 : memref<128x64xf32, #tpu.memory_space<vmem>>) dst(%dma_wait3A_204 : memref<10240x64xf32, #tpu.memory_space<vmem_shared>>)
        %dma_start3A_205 = arith.constant 0 : i32
        %dma_start3A_206 = tpu.memref_slice %arg7[%add3A_177, %dma_start3A_205] : memref<84x128xi32, #tpu.memory_space<vmem>> -> memref<1x128xi32, #tpu.memory_space<vmem>>
        %dma_start3A_207 = tpu.memref_squeeze %dma_start3A_206 : memref<1x128xi32, #tpu.memory_space<vmem>> -> memref<128xi32, #tpu.memory_space<vmem>>
        %dma_start3A_208 = arith.constant 0 : i32
        %dma_start3A_209 = arith.constant 0 : i32
        %dma_start3A_210 = tpu.memref_slice %arg2[%dma_start3A_208, %dma_start3A_209] : memref<10000x64xf32, #tpu.memory_space<hbm>> -> memref<10000x64xf32, #tpu.memory_space<hbm>>
        tpu.enqueue_indirect_dma source(%dma_start3A_210 : memref<10000x64xf32, #tpu.memory_space<hbm>>) target(%arg10 : memref<128x64xf32, #tpu.memory_space<vmem>>) offsets(%dma_start3A_207 : memref<128xi32, #tpu.memory_space<vmem>>) semaphore(%arg14 : memref<!tpu.dma_semaphore, #tpu.memory_space<semaphore_mem>>)
      } else {
      }
      %add3A_182 = arith.constant 4 : i32
      %add3A_183 = arith.addi %mul3A_104, %add3A_182 : i32
      %add3A_184 = arith.constant 2 : i32
      %add3A_185 = arith.addi %add3A_183, %add3A_184 : i32
      %lt3A_186 = arith.cmpi slt, %add3A_185, %select_n3A_8 : i32
      %convert_element_type3A_187 = arith.extui %lt3A_186 : i1 to i32
      %cond3A_188 = arith.constant 0 : i32
      %cond3A_189 = arith.cmpi ne, %convert_element_type3A_187, %cond3A_188 : i32
      scf.if %cond3A_189 {
        %dma_wait3A_198 = arith.constant 0 : i32
        %dma_wait3A_199 = arith.constant 0 : i32
        %dma_wait3A_200 = tpu.memref_slice %arg8[%dma_wait3A_198, %dma_wait3A_199] : memref<84x128xi32, #tpu.memory_space<vmem>> -> memref<1x128xi32, #tpu.memory_space<vmem>>
        %dma_wait3A_201 = tpu.memref_squeeze %dma_wait3A_200 : memref<1x128xi32, #tpu.memory_space<vmem>> -> memref<128xi32, #tpu.memory_space<vmem>>
        %dma_wait3A_202 = arith.constant 0 : i32
        %dma_wait3A_203 = arith.constant 0 : i32
        %dma_wait3A_204 = tpu.memref_slice %arg13[%dma_wait3A_202, %dma_wait3A_203] : memref<10240x64xf32, #tpu.memory_space<vmem_shared>> -> memref<10240x64xf32, #tpu.memory_space<vmem_shared>>
        tpu.wait_indirect_dma semaphore(%arg15 : memref<!tpu.dma_semaphore, #tpu.memory_space<semaphore_mem>>) src(%arg11 : memref<128x64xf32, #tpu.memory_space<vmem>>) dst(%dma_wait3A_204 : memref<10240x64xf32, #tpu.memory_space<vmem_shared>>)
        %dma_start3A_205 = arith.constant 0 : i32
        %dma_start3A_206 = tpu.memref_slice %arg7[%add3A_185, %dma_start3A_205] : memref<84x128xi32, #tpu.memory_space<vmem>> -> memref<1x128xi32, #tpu.memory_space<vmem>>
        %dma_start3A_207 = tpu.memref_squeeze %dma_start3A_206 : memref<1x128xi32, #tpu.memory_space<vmem>> -> memref<128xi32, #tpu.memory_space<vmem>>
        %dma_start3A_208 = arith.constant 0 : i32
        %dma_start3A_209 = arith.constant 0 : i32
        %dma_start3A_210 = tpu.memref_slice %arg2[%dma_start3A_208, %dma_start3A_209] : memref<10000x64xf32, #tpu.memory_space<hbm>> -> memref<10000x64xf32, #tpu.memory_space<hbm>>
        tpu.enqueue_indirect_dma source(%dma_start3A_210 : memref<10000x64xf32, #tpu.memory_space<hbm>>) target(%arg11 : memref<128x64xf32, #tpu.memory_space<vmem>>) offsets(%dma_start3A_207 : memref<128xi32, #tpu.memory_space<vmem>>) semaphore(%arg14 : memref<!tpu.dma_semaphore, #tpu.memory_space<semaphore_mem>>)
      } else {
      }
      %add3A_190 = arith.constant 4 : i32
      %add3A_191 = arith.addi %mul3A_104, %add3A_190 : i32
      %add3A_192 = arith.constant 3 : i32
      %add3A_193 = arith.addi %add3A_191, %add3A_192 : i32
      %lt3A_194 = arith.cmpi slt, %add3A_193, %select_n3A_8 : i32
      %convert_element_type3A_195 = arith.extui %lt3A_194 : i1 to i32
      %cond3A_196 = arith.constant 0 : i32
      %cond3A_197 = arith.cmpi ne, %convert_element_type3A_195, %cond3A_196 : i32
      scf.if %cond3A_197 {
        %dma_wait3A_198 = arith.constant 0 : i32
        %dma_wait3A_199 = arith.constant 0 : i32
        %dma_wait3A_200 = tpu.memref_slice %arg8[%dma_wait3A_198, %dma_wait3A_199] : memref<84x128xi32, #tpu.memory_space<vmem>> -> memref<1x128xi32, #tpu.memory_space<vmem>>
        %dma_wait3A_201 = tpu.memref_squeeze %dma_wait3A_200 : memref<1x128xi32, #tpu.memory_space<vmem>> -> memref<128xi32, #tpu.memory_space<vmem>>
        %dma_wait3A_202 = arith.constant 0 : i32
        %dma_wait3A_203 = arith.constant 0 : i32
        %dma_wait3A_204 = tpu.memref_slice %arg13[%dma_wait3A_202, %dma_wait3A_203] : memref<10240x64xf32, #tpu.memory_space<vmem_shared>> -> memref<10240x64xf32, #tpu.memory_space<vmem_shared>>
        tpu.wait_indirect_dma semaphore(%arg15 : memref<!tpu.dma_semaphore, #tpu.memory_space<semaphore_mem>>) src(%arg12 : memref<128x64xf32, #tpu.memory_space<vmem>>) dst(%dma_wait3A_204 : memref<10240x64xf32, #tpu.memory_space<vmem_shared>>)
        %dma_start3A_205 = arith.constant 0 : i32
        %dma_start3A_206 = tpu.memref_slice %arg7[%add3A_193, %dma_start3A_205] : memref<84x128xi32, #tpu.memory_space<vmem>> -> memref<1x128xi32, #tpu.memory_space<vmem>>
        %dma_start3A_207 = tpu.memref_squeeze %dma_start3A_206 : memref<1x128xi32, #tpu.memory_space<vmem>> -> memref<128xi32, #tpu.memory_space<vmem>>
        %dma_start3A_208 = arith.constant 0 : i32
        %dma_start3A_209 = arith.constant 0 : i32
        %dma_start3A_210 = tpu.memref_slice %arg2[%dma_start3A_208, %dma_start3A_209] : memref<10000x64xf32, #tpu.memory_space<hbm>> -> memref<10000x64xf32, #tpu.memory_space<hbm>>
        tpu.enqueue_indirect_dma source(%dma_start3A_210 : memref<10000x64xf32, #tpu.memory_space<hbm>>) target(%arg12 : memref<128x64xf32, #tpu.memory_space<vmem>>) offsets(%dma_start3A_207 : memref<128xi32, #tpu.memory_space<vmem>>) semaphore(%arg14 : memref<!tpu.dma_semaphore, #tpu.memory_space<semaphore_mem>>)
      } else {
      }
    }
    %dma_wait3A = arith.constant 0 : i32
    %dma_wait3A_67 = arith.constant 0 : i32
    %dma_wait3A_68 = tpu.memref_slice %arg8[%dma_wait3A, %dma_wait3A_67] : memref<84x128xi32, #tpu.memory_space<vmem>> -> memref<1x128xi32, #tpu.memory_space<vmem>>
    %dma_wait3A_69 = tpu.memref_squeeze %dma_wait3A_68 : memref<1x128xi32, #tpu.memory_space<vmem>> -> memref<128xi32, #tpu.memory_space<vmem>>
    %dma_wait3A_70 = arith.constant 0 : i32
    %dma_wait3A_71 = arith.constant 0 : i32
    %dma_wait3A_72 = tpu.memref_slice %arg13[%dma_wait3A_70, %dma_wait3A_71] : memref<10240x64xf32, #tpu.memory_space<vmem_shared>> -> memref<10240x64xf32, #tpu.memory_space<vmem_shared>>
    tpu.wait_indirect_dma semaphore(%arg15 : memref<!tpu.dma_semaphore, #tpu.memory_space<semaphore_mem>>) src(%arg9 : memref<128x64xf32, #tpu.memory_space<vmem>>) dst(%dma_wait3A_72 : memref<10240x64xf32, #tpu.memory_space<vmem_shared>>)
    %dma_wait3A_73 = arith.constant 0 : i32
    %dma_wait3A_74 = arith.constant 0 : i32
    %dma_wait3A_75 = tpu.memref_slice %arg8[%dma_wait3A_73, %dma_wait3A_74] : memref<84x128xi32, #tpu.memory_space<vmem>> -> memref<1x128xi32, #tpu.memory_space<vmem>>
    %dma_wait3A_76 = tpu.memref_squeeze %dma_wait3A_75 : memref<1x128xi32, #tpu.memory_space<vmem>> -> memref<128xi32, #tpu.memory_space<vmem>>
    %dma_wait3A_77 = arith.constant 0 : i32
    %dma_wait3A_78 = arith.constant 0 : i32
    %dma_wait3A_79 = tpu.memref_slice %arg13[%dma_wait3A_77, %dma_wait3A_78] : memref<10240x64xf32, #tpu.memory_space<vmem_shared>> -> memref<10240x64xf32, #tpu.memory_space<vmem_shared>>
    tpu.wait_indirect_dma semaphore(%arg15 : memref<!tpu.dma_semaphore, #tpu.memory_space<semaphore_mem>>) src(%arg10 : memref<128x64xf32, #tpu.memory_space<vmem>>) dst(%dma_wait3A_79 : memref<10240x64xf32, #tpu.memory_space<vmem_shared>>)
    %dma_wait3A_80 = arith.constant 0 : i32
    %dma_wait3A_81 = arith.constant 0 : i32
    %dma_wait3A_82 = tpu.memref_slice %arg8[%dma_wait3A_80, %dma_wait3A_81] : memref<84x128xi32, #tpu.memory_space<vmem>> -> memref<1x128xi32, #tpu.memory_space<vmem>>
    %dma_wait3A_83 = tpu.memref_squeeze %dma_wait3A_82 : memref<1x128xi32, #tpu.memory_space<vmem>> -> memref<128xi32, #tpu.memory_space<vmem>>
    %dma_wait3A_84 = arith.constant 0 : i32
    %dma_wait3A_85 = arith.constant 0 : i32
    %dma_wait3A_86 = tpu.memref_slice %arg13[%dma_wait3A_84, %dma_wait3A_85] : memref<10240x64xf32, #tpu.memory_space<vmem_shared>> -> memref<10240x64xf32, #tpu.memory_space<vmem_shared>>
    tpu.wait_indirect_dma semaphore(%arg15 : memref<!tpu.dma_semaphore, #tpu.memory_space<semaphore_mem>>) src(%arg11 : memref<128x64xf32, #tpu.memory_space<vmem>>) dst(%dma_wait3A_86 : memref<10240x64xf32, #tpu.memory_space<vmem_shared>>)
    %dma_wait3A_87 = arith.constant 0 : i32
    %dma_wait3A_88 = arith.constant 0 : i32
    %dma_wait3A_89 = tpu.memref_slice %arg8[%dma_wait3A_87, %dma_wait3A_88] : memref<84x128xi32, #tpu.memory_space<vmem>> -> memref<1x128xi32, #tpu.memory_space<vmem>>
    %dma_wait3A_90 = tpu.memref_squeeze %dma_wait3A_89 : memref<1x128xi32, #tpu.memory_space<vmem>> -> memref<128xi32, #tpu.memory_space<vmem>>
    %dma_wait3A_91 = arith.constant 0 : i32
    %dma_wait3A_92 = arith.constant 0 : i32
    %dma_wait3A_93 = tpu.memref_slice %arg13[%dma_wait3A_91, %dma_wait3A_92] : memref<10240x64xf32, #tpu.memory_space<vmem_shared>> -> memref<10240x64xf32, #tpu.memory_space<vmem_shared>>
    tpu.wait_indirect_dma semaphore(%arg15 : memref<!tpu.dma_semaphore, #tpu.memory_space<semaphore_mem>>) src(%arg12 : memref<128x64xf32, #tpu.memory_space<vmem>>) dst(%dma_wait3A_93 : memref<10240x64xf32, #tpu.memory_space<vmem_shared>>)
    %barrier3A_94 = arith.constant 0 : index
    tpu.barrier barrier_id(%barrier3A_94)
    %mul3A_95 = arith.constant 640 : i32
    %mul3A_96 = arith.muli %arg1, %mul3A_95 : i32
    %mul3A_97 = arith.constant 10240 : i32
    %mul3A_98 = arith.muli %arg0, %mul3A_97 : i32
    %mul3A_99 = arith.constant 640 : i32
    %mul3A_100 = arith.muli %arg1, %mul3A_99 : i32
    %add3A_101 = arith.addi %mul3A_98, %mul3A_100 : i32
    "tpu.region"() ({
      %run_scoped3A = tpu.sem_alloc : memref<!tpu.dma_semaphore, #tpu.memory_space<semaphore_mem>>
      %dma_start3A_102 = arith.constant 0 : i32
      %dma_start3A_103 = tpu.memref_slice %arg6[%add3A_101, %dma_start3A_102] : memref<20480x64xf32, #tpu.memory_space<hbm>> -> memref<640x64xf32, #tpu.memory_space<hbm>>
      %dma_start3A_104 = arith.constant 0 : i32
      %dma_start3A_105 = tpu.memref_slice %arg13[%mul3A_96, %dma_start3A_104] : memref<10240x64xf32, #tpu.memory_space<vmem_shared>> -> memref<640x64xf32, #tpu.memory_space<vmem_shared>>
      tpu.enqueue_dma source(%dma_start3A_105 : memref<640x64xf32, #tpu.memory_space<vmem_shared>>) target(%dma_start3A_103 : memref<640x64xf32, #tpu.memory_space<hbm>>) target_semaphore(%run_scoped3A : memref<!tpu.dma_semaphore, #tpu.memory_space<semaphore_mem>>)
      %dma_wait3A_106 = arith.constant 0 : i32
      %dma_wait3A_107 = tpu.memref_slice %arg6[%add3A_101, %dma_wait3A_106] : memref<20480x64xf32, #tpu.memory_space<hbm>> -> memref<640x64xf32, #tpu.memory_space<hbm>>
      %dma_wait3A_108 = arith.constant 0 : i32
      %dma_wait3A_109 = tpu.memref_slice %arg13[%mul3A_96, %dma_wait3A_108] : memref<10240x64xf32, #tpu.memory_space<vmem_shared>> -> memref<640x64xf32, #tpu.memory_space<vmem_shared>>
      tpu.wait_dma2 semaphore(%run_scoped3A : memref<!tpu.dma_semaphore, #tpu.memory_space<semaphore_mem>>) src(%dma_wait3A_109 : memref<640x64xf32, #tpu.memory_space<vmem_shared>>) dst(%dma_wait3A_107 : memref<640x64xf32, #tpu.memory_space<hbm>>)
      tpu.yield
    }) : () -> ()
    return
  }
}

module attributes {stable_mosaic.version = 14 : i64} {
  func.func @_mm1_body(%arg0: i32, %arg1: memref<2000x2xf32, #tpu.memory_space<vmem>>, %arg2: memref<2000x128xf32, #tpu.memory_space<vmem>>, %arg3: memref<128x64xf32, #tpu.memory_space<vmem>>, %arg4: memref<2000x64xf32, #tpu.memory_space<vmem>>) attributes {dimension_semantics = [#tpu.dimension_semantics<arbitrary>], iteration_bounds = array<i64: 5>, scalar_prefetch = 0 : i64, scratch_operands = 0 : i64, tpu.core_type = #tpu.core_type<tc>, window_params = [{transform_indices = @transform_0, window_bounds = array<i64: 2000, 2>}, {transform_indices = @transform_1, window_bounds = array<i64: 2000, 128>}, {pipeline_mode = #tpu.pipeline_mode<synchronous>, transform_indices = @transform_2, window_bounds = array<i64: 128, 64>}, {transform_indices = @transform_3, window_bounds = array<i64: 2000, 64>}]} {
    %get3A = arith.constant 0 : index
    %get3A_0 = arith.constant 0 : index
    %get3A_1 = vector.load %arg1[%get3A, %get3A_0] : memref<2000x2xf32, #tpu.memory_space<vmem>>, vector<2000x2xf32>
    %slice3A = vector.extract_strided_slice %get3A_1 {offsets = [0, 0], sizes = [2000, 1], strides = [1, 1]} : vector<2000x2xf32> to vector<2000x1xf32>
    %squeeze3A = vector.shape_cast %slice3A : vector<2000x1xf32> to vector<2000xf32>
    %slice3A_2 = vector.extract_strided_slice %get3A_1 {offsets = [0, 1], sizes = [2000, 1], strides = [1, 1]} : vector<2000x2xf32> to vector<2000x1xf32>
    %squeeze3A_3 = vector.shape_cast %slice3A_2 : vector<2000x1xf32> to vector<2000xf32>
    %add3A = arith.addf %squeeze3A, %squeeze3A_3 : vector<2000xf32>
    %gt3A = arith.constant 0.000000e+00 : f32
    %gt3A_4 = vector.broadcast %gt3A : f32 to vector<2000xf32>
    %gt3A_5 = arith.cmpf ogt, %add3A, %gt3A_4 : vector<2000xf32>
    %rsqrt3A = math.rsqrt %add3A : vector<2000xf32>
    %jit3A = arith.constant 0.000000e+00 : f32
    %broadcast_in_dim3A = vector.broadcast %jit3A : f32 to vector<2000xf32>
    %select_n3A = arith.select %gt3A_5, %rsqrt3A, %broadcast_in_dim3A : vector<2000xi1>, vector<2000xf32>
    %broadcast_in_dim3A_6 = vector.shape_cast %select_n3A : vector<2000xf32> to vector<2000x1xf32>
    %get3A_7 = arith.constant 0 : index
    %get3A_8 = arith.constant 0 : index
    %get3A_9 = vector.load %arg2[%get3A_7, %get3A_8] : memref<2000x128xf32, #tpu.memory_space<vmem>>, vector<2000x128xf32>
    %get3A_10 = arith.constant 0 : index
    %get3A_11 = arith.constant 0 : index
    %get3A_12 = vector.load %arg3[%get3A_10, %get3A_11] : memref<128x64xf32, #tpu.memory_space<vmem>>, vector<128x64xf32>
    %dot_general3A = arith.constant dense<0.000000e+00> : vector<2000x64xf32>
    %dot_general3A_13 = tpu.matmul %get3A_9, %get3A_12, %dot_general3A {dimension_numbers = #tpu.dot_dimension_numbers<[1], [0], [0], [1], [0, 0, 1, 1], [], []>, transpose_lhs_hint = false} : vector<2000x128xf32>, vector<128x64xf32>, vector<2000x64xf32> -> vector<2000x64xf32>
    %mul3A = vector.broadcast %broadcast_in_dim3A_6 : vector<2000x1xf32> to vector<2000x64xf32>
    %mul3A_14 = arith.mulf %mul3A, %dot_general3A_13 : vector<2000x64xf32>
    %swap3A = arith.constant 0 : index
    %swap3A_15 = arith.constant 0 : index
    %swap3A_16 = vector.load %arg4[%swap3A, %swap3A_15] : memref<2000x64xf32, #tpu.memory_space<vmem>>, vector<2000x64xf32>
    tpu.vector_store %arg4[%swap3A, %swap3A_15], %mul3A_14 {strides = array<i32>} : memref<2000x64xf32, #tpu.memory_space<vmem>>, vector<2000x64xf32>,
    return
  }
  func.func @transform_0(%arg0: i32) -> (i32, i32) {
    %c0_i32 = arith.constant 0 : i32
    %c0_i32_0 = arith.constant 0 : i32
    return %arg0, %c0_i32 : i32, i32
  }
  func.func @transform_1(%arg0: i32) -> (i32, i32) {
    %c0_i32 = arith.constant 0 : i32
    %c0_i32_0 = arith.constant 0 : i32
    return %arg0, %c0_i32 : i32, i32
  }
  func.func @transform_2(%arg0: i32) -> (i32, i32) {
    %c0_i32 = arith.constant 0 : i32
    %c0_i32_0 = arith.constant 0 : i32
    %c0_i32_1 = arith.constant 0 : i32
    return %c0_i32, %c0_i32_0 : i32, i32
  }
  func.func @transform_3(%arg0: i32) -> (i32, i32) {
    %c0_i32 = arith.constant 0 : i32
    %c0_i32_0 = arith.constant 0 : i32
    return %arg0, %c0_i32 : i32, i32
  }
}

module attributes {stable_mosaic.version = 14 : i64} {
  func.func @_mid_body(%arg0: i32, %arg1: memref<2000x2xf32, #tpu.memory_space<vmem>>, %arg2: memref<2000x64xf32, #tpu.memory_space<vmem>>, %arg3: memref<2000x64xf32, #tpu.memory_space<vmem>>, %arg4: memref<1x64xf32, #tpu.memory_space<vmem>>, %arg5: memref<64x32xf32, #tpu.memory_space<vmem>>, %arg6: memref<2000x32xf32, #tpu.memory_space<vmem>>) attributes {dimension_semantics = [#tpu.dimension_semantics<arbitrary>], iteration_bounds = array<i64: 5>, scalar_prefetch = 0 : i64, scratch_operands = 0 : i64, tpu.core_type = #tpu.core_type<tc>, window_params = [{transform_indices = @transform_0, window_bounds = array<i64: 2000, 2>}, {transform_indices = @transform_1, window_bounds = array<i64: 2000, 64>}, {transform_indices = @transform_2, window_bounds = array<i64: 2000, 64>}, {pipeline_mode = #tpu.pipeline_mode<synchronous>, transform_indices = @transform_3, window_bounds = array<i64: 1, 64>}, {pipeline_mode = #tpu.pipeline_mode<synchronous>, transform_indices = @transform_4, window_bounds = array<i64: 64, 32>}, {transform_indices = @transform_5, window_bounds = array<i64: 2000, 32>}]} {
    %get3A = arith.constant 0 : index
    %get3A_0 = arith.constant 0 : index
    %get3A_1 = vector.load %arg1[%get3A, %get3A_0] : memref<2000x2xf32, #tpu.memory_space<vmem>>, vector<2000x2xf32>
    %slice3A = vector.extract_strided_slice %get3A_1 {offsets = [0, 0], sizes = [2000, 1], strides = [1, 1]} : vector<2000x2xf32> to vector<2000x1xf32>
    %squeeze3A = vector.shape_cast %slice3A : vector<2000x1xf32> to vector<2000xf32>
    %slice3A_2 = vector.extract_strided_slice %get3A_1 {offsets = [0, 1], sizes = [2000, 1], strides = [1, 1]} : vector<2000x2xf32> to vector<2000x1xf32>
    %squeeze3A_3 = vector.shape_cast %slice3A_2 : vector<2000x1xf32> to vector<2000xf32>
    %add3A = arith.addf %squeeze3A, %squeeze3A_3 : vector<2000xf32>
    %gt3A = arith.constant 0.000000e+00 : f32
    %gt3A_4 = vector.broadcast %gt3A : f32 to vector<2000xf32>
    %gt3A_5 = arith.cmpf ogt, %add3A, %gt3A_4 : vector<2000xf32>
    %rsqrt3A = math.rsqrt %add3A : vector<2000xf32>
    %jit3A = arith.constant 0.000000e+00 : f32
    %broadcast_in_dim3A = vector.broadcast %jit3A : f32 to vector<2000xf32>
    %select_n3A = arith.select %gt3A_5, %rsqrt3A, %broadcast_in_dim3A : vector<2000xi1>, vector<2000xf32>
    %broadcast_in_dim3A_6 = vector.shape_cast %select_n3A : vector<2000xf32> to vector<2000x1xf32>
    %get3A_7 = arith.constant 0 : index
    %get3A_8 = arith.constant 0 : index
    %get3A_9 = vector.load %arg2[%get3A_7, %get3A_8] : memref<2000x64xf32, #tpu.memory_space<vmem>>, vector<2000x64xf32>
    %get3A_10 = arith.constant 0 : index
    %get3A_11 = arith.constant 0 : index
    %get3A_12 = vector.load %arg3[%get3A_10, %get3A_11] : memref<2000x64xf32, #tpu.memory_space<vmem>>, vector<2000x64xf32>
    %add3A_13 = arith.addf %get3A_9, %get3A_12 : vector<2000x64xf32>
    %mul3A = vector.broadcast %broadcast_in_dim3A_6 : vector<2000x1xf32> to vector<2000x64xf32>
    %mul3A_14 = arith.mulf %mul3A, %add3A_13 : vector<2000x64xf32>
    %get3A_15 = arith.constant 0 : index
    %get3A_16 = arith.constant 0 : index
    %get3A_17 = vector.load %arg4[%get3A_15, %get3A_16] : memref<1x64xf32, #tpu.memory_space<vmem>>, vector<1x64xf32>
    %add3A_18 = vector.broadcast %get3A_17 : vector<1x64xf32> to vector<2000x64xf32>
    %add3A_19 = arith.addf %mul3A_14, %add3A_18 : vector<2000x64xf32>
    %max3A = arith.constant 0.000000e+00 : f32
    %max3A_20 = vector.broadcast %max3A : f32 to vector<2000x64xf32>
    %max3A_21 = arith.maximumf %add3A_19, %max3A_20 : vector<2000x64xf32>
    %get3A_22 = arith.constant 0 : index
    %get3A_23 = arith.constant 0 : index
    %get3A_24 = vector.load %arg5[%get3A_22, %get3A_23] : memref<64x32xf32, #tpu.memory_space<vmem>>, vector<64x32xf32>
    %dot_general3A = arith.constant dense<0.000000e+00> : vector<2000x32xf32>
    %dot_general3A_25 = tpu.matmul %max3A_21, %get3A_24, %dot_general3A {dimension_numbers = #tpu.dot_dimension_numbers<[1], [0], [0], [1], [0, 0, 1, 1], [], []>, transpose_lhs_hint = false} : vector<2000x64xf32>, vector<64x32xf32>, vector<2000x32xf32> -> vector<2000x32xf32>
    %mul3A_26 = vector.broadcast %broadcast_in_dim3A_6 : vector<2000x1xf32> to vector<2000x32xf32>
    %mul3A_27 = arith.mulf %mul3A_26, %dot_general3A_25 : vector<2000x32xf32>
    %swap3A = arith.constant 0 : index
    %swap3A_28 = arith.constant 0 : index
    %swap3A_29 = vector.load %arg6[%swap3A, %swap3A_28] : memref<2000x32xf32, #tpu.memory_space<vmem>>, vector<2000x32xf32>
    tpu.vector_store %arg6[%swap3A, %swap3A_28], %mul3A_27 {strides = array<i32>} : memref<2000x32xf32, #tpu.memory_space<vmem>>, vector<2000x32xf32>,
    return
  }
  func.func @transform_0(%arg0: i32) -> (i32, i32) {
    %c0_i32 = arith.constant 0 : i32
    %c0_i32_0 = arith.constant 0 : i32
    return %arg0, %c0_i32 : i32, i32
  }
  func.func @transform_1(%arg0: i32) -> (i32, i32) {
    %c0_i32 = arith.constant 0 : i32
    %c0_i32_0 = arith.constant 0 : i32
    return %arg0, %c0_i32 : i32, i32
  }
  func.func @transform_2(%arg0: i32) -> (i32, i32) {
    %c0_i32 = arith.constant 0 : i32
    %c0_i32_0 = arith.constant 0 : i32
    return %arg0, %c0_i32 : i32, i32
  }
  func.func @transform_3(%arg0: i32) -> (i32, i32) {
    %c0_i32 = arith.constant 0 : i32
    %c0_i32_0 = arith.constant 0 : i32
    %c0_i32_1 = arith.constant 0 : i32
    return %c0_i32, %c0_i32_0 : i32, i32
  }
  func.func @transform_4(%arg0: i32) -> (i32, i32) {
    %c0_i32 = arith.constant 0 : i32
    %c0_i32_0 = arith.constant 0 : i32
    %c0_i32_1 = arith.constant 0 : i32
    return %c0_i32, %c0_i32_0 : i32, i32
  }
  func.func @transform_5(%arg0: i32) -> (i32, i32) {
    %c0_i32 = arith.constant 0 : i32
    %c0_i32_0 = arith.constant 0 : i32
    return %arg0, %c0_i32 : i32, i32
  }
}

module attributes {stable_mosaic.version = 14 : i64} {
  func.func @_mid_body(%arg0: i32, %arg1: memref<2000x2xf32, #tpu.memory_space<vmem>>, %arg2: memref<2000x32xf32, #tpu.memory_space<vmem>>, %arg3: memref<2000x32xf32, #tpu.memory_space<vmem>>, %arg4: memref<1x32xf32, #tpu.memory_space<vmem>>, %arg5: memref<32x16xf32, #tpu.memory_space<vmem>>, %arg6: memref<2000x16xf32, #tpu.memory_space<vmem>>) attributes {dimension_semantics = [#tpu.dimension_semantics<arbitrary>], iteration_bounds = array<i64: 5>, scalar_prefetch = 0 : i64, scratch_operands = 0 : i64, tpu.core_type = #tpu.core_type<tc>, window_params = [{transform_indices = @transform_0, window_bounds = array<i64: 2000, 2>}, {transform_indices = @transform_1, window_bounds = array<i64: 2000, 32>}, {transform_indices = @transform_2, window_bounds = array<i64: 2000, 32>}, {pipeline_mode = #tpu.pipeline_mode<synchronous>, transform_indices = @transform_3, window_bounds = array<i64: 1, 32>}, {pipeline_mode = #tpu.pipeline_mode<synchronous>, transform_indices = @transform_4, window_bounds = array<i64: 32, 16>}, {transform_indices = @transform_5, window_bounds = array<i64: 2000, 16>}]} {
    %get3A = arith.constant 0 : index
    %get3A_0 = arith.constant 0 : index
    %get3A_1 = vector.load %arg1[%get3A, %get3A_0] : memref<2000x2xf32, #tpu.memory_space<vmem>>, vector<2000x2xf32>
    %slice3A = vector.extract_strided_slice %get3A_1 {offsets = [0, 0], sizes = [2000, 1], strides = [1, 1]} : vector<2000x2xf32> to vector<2000x1xf32>
    %squeeze3A = vector.shape_cast %slice3A : vector<2000x1xf32> to vector<2000xf32>
    %slice3A_2 = vector.extract_strided_slice %get3A_1 {offsets = [0, 1], sizes = [2000, 1], strides = [1, 1]} : vector<2000x2xf32> to vector<2000x1xf32>
    %squeeze3A_3 = vector.shape_cast %slice3A_2 : vector<2000x1xf32> to vector<2000xf32>
    %add3A = arith.addf %squeeze3A, %squeeze3A_3 : vector<2000xf32>
    %gt3A = arith.constant 0.000000e+00 : f32
    %gt3A_4 = vector.broadcast %gt3A : f32 to vector<2000xf32>
    %gt3A_5 = arith.cmpf ogt, %add3A, %gt3A_4 : vector<2000xf32>
    %rsqrt3A = math.rsqrt %add3A : vector<2000xf32>
    %jit3A = arith.constant 0.000000e+00 : f32
    %broadcast_in_dim3A = vector.broadcast %jit3A : f32 to vector<2000xf32>
    %select_n3A = arith.select %gt3A_5, %rsqrt3A, %broadcast_in_dim3A : vector<2000xi1>, vector<2000xf32>
    %broadcast_in_dim3A_6 = vector.shape_cast %select_n3A : vector<2000xf32> to vector<2000x1xf32>
    %get3A_7 = arith.constant 0 : index
    %get3A_8 = arith.constant 0 : index
    %get3A_9 = vector.load %arg2[%get3A_7, %get3A_8] : memref<2000x32xf32, #tpu.memory_space<vmem>>, vector<2000x32xf32>
    %get3A_10 = arith.constant 0 : index
    %get3A_11 = arith.constant 0 : index
    %get3A_12 = vector.load %arg3[%get3A_10, %get3A_11] : memref<2000x32xf32, #tpu.memory_space<vmem>>, vector<2000x32xf32>
    %add3A_13 = arith.addf %get3A_9, %get3A_12 : vector<2000x32xf32>
    %mul3A = vector.broadcast %broadcast_in_dim3A_6 : vector<2000x1xf32> to vector<2000x32xf32>
    %mul3A_14 = arith.mulf %mul3A, %add3A_13 : vector<2000x32xf32>
    %get3A_15 = arith.constant 0 : index
    %get3A_16 = arith.constant 0 : index
    %get3A_17 = vector.load %arg4[%get3A_15, %get3A_16] : memref<1x32xf32, #tpu.memory_space<vmem>>, vector<1x32xf32>
    %add3A_18 = vector.broadcast %get3A_17 : vector<1x32xf32> to vector<2000x32xf32>
    %add3A_19 = arith.addf %mul3A_14, %add3A_18 : vector<2000x32xf32>
    %max3A = arith.constant 0.000000e+00 : f32
    %max3A_20 = vector.broadcast %max3A : f32 to vector<2000x32xf32>
    %max3A_21 = arith.maximumf %add3A_19, %max3A_20 : vector<2000x32xf32>
    %get3A_22 = arith.constant 0 : index
    %get3A_23 = arith.constant 0 : index
    %get3A_24 = vector.load %arg5[%get3A_22, %get3A_23] : memref<32x16xf32, #tpu.memory_space<vmem>>, vector<32x16xf32>
    %dot_general3A = arith.constant dense<0.000000e+00> : vector<2000x16xf32>
    %dot_general3A_25 = tpu.matmul %max3A_21, %get3A_24, %dot_general3A {dimension_numbers = #tpu.dot_dimension_numbers<[1], [0], [0], [1], [0, 0, 1, 1], [], []>, transpose_lhs_hint = false} : vector<2000x32xf32>, vector<32x16xf32>, vector<2000x16xf32> -> vector<2000x16xf32>
    %mul3A_26 = vector.broadcast %broadcast_in_dim3A_6 : vector<2000x1xf32> to vector<2000x16xf32>
    %mul3A_27 = arith.mulf %mul3A_26, %dot_general3A_25 : vector<2000x16xf32>
    %swap3A = arith.constant 0 : index
    %swap3A_28 = arith.constant 0 : index
    %swap3A_29 = vector.load %arg6[%swap3A, %swap3A_28] : memref<2000x16xf32, #tpu.memory_space<vmem>>, vector<2000x16xf32>
    tpu.vector_store %arg6[%swap3A, %swap3A_28], %mul3A_27 {strides = array<i32>} : memref<2000x16xf32, #tpu.memory_space<vmem>>, vector<2000x16xf32>,
    return
  }
  func.func @transform_0(%arg0: i32) -> (i32, i32) {
    %c0_i32 = arith.constant 0 : i32
    %c0_i32_0 = arith.constant 0 : i32
    return %arg0, %c0_i32 : i32, i32
  }
  func.func @transform_1(%arg0: i32) -> (i32, i32) {
    %c0_i32 = arith.constant 0 : i32
    %c0_i32_0 = arith.constant 0 : i32
    return %arg0, %c0_i32 : i32, i32
  }
  func.func @transform_2(%arg0: i32) -> (i32, i32) {
    %c0_i32 = arith.constant 0 : i32
    %c0_i32_0 = arith.constant 0 : i32
    return %arg0, %c0_i32 : i32, i32
  }
  func.func @transform_3(%arg0: i32) -> (i32, i32) {
    %c0_i32 = arith.constant 0 : i32
    %c0_i32_0 = arith.constant 0 : i32
    %c0_i32_1 = arith.constant 0 : i32
    return %c0_i32, %c0_i32_0 : i32, i32
  }
  func.func @transform_4(%arg0: i32) -> (i32, i32) {
    %c0_i32 = arith.constant 0 : i32
    %c0_i32_0 = arith.constant 0 : i32
    %c0_i32_1 = arith.constant 0 : i32
    return %c0_i32, %c0_i32_0 : i32, i32
  }
  func.func @transform_5(%arg0: i32) -> (i32, i32) {
    %c0_i32 = arith.constant 0 : i32
    %c0_i32_0 = arith.constant 0 : i32
    return %arg0, %c0_i32 : i32, i32
  }
}

module attributes {stable_mosaic.version = 14 : i64} {
  func.func @_fin_body(%arg0: i32, %arg1: memref<2000x2xf32, #tpu.memory_space<vmem>>, %arg2: memref<2000x16xf32, #tpu.memory_space<vmem>>, %arg3: memref<2000x16xf32, #tpu.memory_space<vmem>>, %arg4: memref<1x16xf32, #tpu.memory_space<vmem>>, %arg5: memref<2000x16xf32, #tpu.memory_space<vmem>>) attributes {dimension_semantics = [#tpu.dimension_semantics<arbitrary>], iteration_bounds = array<i64: 5>, scalar_prefetch = 0 : i64, scratch_operands = 0 : i64, tpu.core_type = #tpu.core_type<tc>, window_params = [{transform_indices = @transform_0, window_bounds = array<i64: 2000, 2>}, {transform_indices = @transform_1, window_bounds = array<i64: 2000, 16>}, {transform_indices = @transform_2, window_bounds = array<i64: 2000, 16>}, {pipeline_mode = #tpu.pipeline_mode<synchronous>, transform_indices = @transform_3, window_bounds = array<i64: 1, 16>}, {transform_indices = @transform_4, window_bounds = array<i64: 2000, 16>}]} {
    %get3A = arith.constant 0 : index
    %get3A_0 = arith.constant 0 : index
    %get3A_1 = vector.load %arg1[%get3A, %get3A_0] : memref<2000x2xf32, #tpu.memory_space<vmem>>, vector<2000x2xf32>
    %slice3A = vector.extract_strided_slice %get3A_1 {offsets = [0, 0], sizes = [2000, 1], strides = [1, 1]} : vector<2000x2xf32> to vector<2000x1xf32>
    %squeeze3A = vector.shape_cast %slice3A : vector<2000x1xf32> to vector<2000xf32>
    %slice3A_2 = vector.extract_strided_slice %get3A_1 {offsets = [0, 1], sizes = [2000, 1], strides = [1, 1]} : vector<2000x2xf32> to vector<2000x1xf32>
    %squeeze3A_3 = vector.shape_cast %slice3A_2 : vector<2000x1xf32> to vector<2000xf32>
    %add3A = arith.addf %squeeze3A, %squeeze3A_3 : vector<2000xf32>
    %gt3A = arith.constant 0.000000e+00 : f32
    %gt3A_4 = vector.broadcast %gt3A : f32 to vector<2000xf32>
    %gt3A_5 = arith.cmpf ogt, %add3A, %gt3A_4 : vector<2000xf32>
    %rsqrt3A = math.rsqrt %add3A : vector<2000xf32>
    %jit3A = arith.constant 0.000000e+00 : f32
    %broadcast_in_dim3A = vector.broadcast %jit3A : f32 to vector<2000xf32>
    %select_n3A = arith.select %gt3A_5, %rsqrt3A, %broadcast_in_dim3A : vector<2000xi1>, vector<2000xf32>
    %broadcast_in_dim3A_6 = vector.shape_cast %select_n3A : vector<2000xf32> to vector<2000x1xf32>
    %get3A_7 = arith.constant 0 : index
    %get3A_8 = arith.constant 0 : index
    %get3A_9 = vector.load %arg2[%get3A_7, %get3A_8] : memref<2000x16xf32, #tpu.memory_space<vmem>>, vector<2000x16xf32>
    %get3A_10 = arith.constant 0 : index
    %get3A_11 = arith.constant 0 : index
    %get3A_12 = vector.load %arg3[%get3A_10, %get3A_11] : memref<2000x16xf32, #tpu.memory_space<vmem>>, vector<2000x16xf32>
    %add3A_13 = arith.addf %get3A_9, %get3A_12 : vector<2000x16xf32>
    %mul3A = vector.broadcast %broadcast_in_dim3A_6 : vector<2000x1xf32> to vector<2000x16xf32>
    %mul3A_14 = arith.mulf %mul3A, %add3A_13 : vector<2000x16xf32>
    %get3A_15 = arith.constant 0 : index
    %get3A_16 = arith.constant 0 : index
    %get3A_17 = vector.load %arg4[%get3A_15, %get3A_16] : memref<1x16xf32, #tpu.memory_space<vmem>>, vector<1x16xf32>
    %add3A_18 = vector.broadcast %get3A_17 : vector<1x16xf32> to vector<2000x16xf32>
    %add3A_19 = arith.addf %mul3A_14, %add3A_18 : vector<2000x16xf32>
    %swap3A = arith.constant 0 : index
    %swap3A_20 = arith.constant 0 : index
    %swap3A_21 = vector.load %arg5[%swap3A, %swap3A_20] : memref<2000x16xf32, #tpu.memory_space<vmem>>, vector<2000x16xf32>
    tpu.vector_store %arg5[%swap3A, %swap3A_20], %add3A_19 {strides = array<i32>} : memref<2000x16xf32, #tpu.memory_space<vmem>>, vector<2000x16xf32>,
    return
  }
  func.func @transform_0(%arg0: i32) -> (i32, i32) {
    %c0_i32 = arith.constant 0 : i32
    %c0_i32_0 = arith.constant 0 : i32
    return %arg0, %c0_i32 : i32, i32
  }
  func.func @transform_1(%arg0: i32) -> (i32, i32) {
    %c0_i32 = arith.constant 0 : i32
    %c0_i32_0 = arith.constant 0 : i32
    return %arg0, %c0_i32 : i32, i32
  }
  func.func @transform_2(%arg0: i32) -> (i32, i32) {
    %c0_i32 = arith.constant 0 : i32
    %c0_i32_0 = arith.constant 0 : i32
    return %arg0, %c0_i32 : i32, i32
  }
  func.func @transform_3(%arg0: i32) -> (i32, i32) {
    %c0_i32 = arith.constant 0 : i32
    %c0_i32_0 = arith.constant 0 : i32
    %c0_i32_1 = arith.constant 0 : i32
    return %c0_i32, %c0_i32_0 : i32, i32
  }
  func.func @transform_4(%arg0: i32) -> (i32, i32) {
    %c0_i32 = arith.constant 0 : i32
    %c0_i32_0 = arith.constant 0 : i32
    return %arg0, %c0_i32 : i32, i32
  }
}

</mosaic_0001>

<sc_bundles>
// kernel: kernel.10.cloned.1.call-start
scs
__scs_entry_jumppad:
0x0: {  	(pc) =	sbr.rel $0x88, $3  }
0x1: {  	(tag) =	ssettag $0x0;
	lr =	simm.s32 $0x1  }
0x2: {  	[smem:$0x3F99] =	sst lr;
	_ =	strace $0xD0000000  }
0x3: {  	_ = 	snop  }
0x4: {  	_ = 	snop  }
0x5: {  	_ = 	snop  }
0x6: {  	_ = 	snop  }
0x7: {  	_ = 	snop  }
__scs_overlays_trampoline_lowered:
0x8: {  	[smem:$0x3FA8] =	sst s0  }
0x9: {  	[smem:$0x3FA9] =	sst s1  }
0xa: {  	[smem:$0x3FAA] =	sst s2  }
0xb: {  	[smem:$0x3FAB] =	sst s3  }
0xc: {  	[smem:$0x3FAC] =	sst s4  }
0xd: {  	[smem:$0x3FAD] =	sst s5  }
0xe: {  	[smem:$0x3FAE] =	sst s6  }
0xf: {  	[smem:$0x3FAF] =	sst s7  }
0x10: {  	[smem:$0x3FB0] =	sst s8  }
0x11: {  	[smem:$0x3FB1] =	sst s9;
	s0 =	simm.s32 @!p0 $0x0  }
0x12: {  	s1 =	sld [smem:$0x3F97];
	s0 =	simm.s32 @p0 $0x1  }
0x13: {  	[smem:$0x3FB2] =	sst s0;
	s0 =	simm.s32 @!p1 $0x0  }
0x14: {  	s2 =	sld [smem:$0x3F96];
	s0 =	simm.s32 @p1 $0x1  }
0x15: {  	[smem:$0x3FB3] =	sst s0;
	s0 =	simm.s32 @!p2 $0x0  }
0x16: {  	s3 =	sld [smem:$0x3FDB];
	s0 =	simm.s32 @p2 $0x1  }
0x17: {  	s4 =	simm.s32 $0x1BF5;
	[smem:$0x3FB5] =	sst s0  }
0x18: {  	s0 =	sld [smem:$0x3F98];
	_ =	swait.ge [sflag:s4], $0x0  }
0x19: {  	s7 =	sld [smem:$0x3F99]  }
0x1a: {  	s8 =	sadd.s32 $0xFFFFE003, lr  }
0x1b: {  	s9 =	sadd.s32 $0xFFFFFEF7, lr;
	s5 =	simm.s32 $0xFFFFFFFF;
	p2 =	slt.u32 s8, $0xFFFFF086  }
0x1c: {  	p1 =	slt.u32 s9, $0xF7A;
	s5 =	simm.s32 @!p2 $0x0  }
0x1d: {  	s5 =	simm.s32 @p1 $0x1;
	p0 =	seq.s32 s7, s2  }
0x1e: {  	s7 =	smul.u32 @!p0 $0xF7A, s2;
	p2 =	seq.s32 @!p0 s5, $0x0  }
0x1f: {  	s9 =	smul.u32 $0xF7A, s1;
	s8 =	simm.s32 @!p0 $0x1BF5;
	p2 =	por !p2, p0  }
0x20: {  	[sflag:s8] =	ssyncset.s32 @!p0 $0xFFFFF086;
	s6 =	sadd.s32 @!p0 s3, s7;
	s7 =	simm.s32 @!p0 $0x108  }
0x21: {  	s3 =	sadd.s32 s3, s9;
	s6 =	sadd.s32 @!p0 $0x88, s6;
	s7 =	simm.s32 @p2 $0x1082  }
0x22: {  	[simem:s7], [sflag:s8] =	dma.local @!p0 [hbm:s6], $0xF7A  }
0x23: {  	s9 =	sor.u32 $0xD0000000, s2;
	s6 =	simm.s32 $0x108;
	_ =	swait.ge @!p0 [sflag:s8], $0x0  }
0x24: {  	s3 =	sadd.s32 $0x88, s3;
	s6 =	simm.s32 @!p1 $0x1082;
	[sflag:s4] =	ssyncset.s32 $0xFFFFF086  }
0x25: {  	[simem:s6], [sflag:s4] =	dma.local [hbm:s3], $0xF7A  }
0x26: {  	[smem:$0x3F99] =	sst s1;
	(tag) =	ssettag s2;
	_ =	strace s9  }
0x27: {  	s1 =	sld [smem:$0x3FA9]  }
0x28: {  	s2 =	sld [smem:$0x3FAA]  }
0x29: {  	s4 =	sld [smem:$0x3FAC]  }
0x2a: {  	p0 =	seq.s32 s5, $0x0;
	s5 =	sld [smem:$0x3FAD]  }
0x2b: {  	s6 =	sld [smem:$0x3FAE]  }
0x2c: {  	s7 =	sld [smem:$0x3FAF]  }
0x2d: {  	s3 =	simm.s32 $0x108;
	s8 =	sld [smem:$0x3FB0]  }
0x2e: {  	s3 =	simm.s32 @!p0 $0x1082;
	s9 =	sld [smem:$0x3FB1]  }
0x2f: {  	lr =	sadd.s32 s0, s3;
	s0 =	sld [smem:$0x3FA8]  }
0x30: {  	s3 =	sld [smem:$0x3FAB]  }
0x31: {  	[smem:$0x3FB4] =	sst s10  }
0x32: {  	s10 =	sld [smem:$0x3FB2];
	_ =	sdelay $0x3  }
0x33: {  	p0 =	seq.s32 s10, $0x1;
	s10 =	sld [smem:$0x3FB4];
	_ =	sdelay $0x3  }
0x34: {  	[smem:$0x3FB4] =	sst s10  }
0x35: {  	s10 =	sld [smem:$0x3FB3];
	_ =	sdelay $0x3  }
0x36: {  	p1 =	seq.s32 s10, $0x1;
	s10 =	sld [smem:$0x3FB4];
	_ =	sdelay $0x3  }
0x37: {  	[smem:$0x3FB4] =	sst s10  }
0x38: {  	s10 =	sld [smem:$0x3FB5]  }
0x39: {  	_ = 	snop;
	(pc) =	sbr.ind lr, $3  }
0x3a: {  	_ = 	snop  }
0x3b: {  	_ = 	snop  }
0x3c: {  	p2 =	seq.s32 s10, $0x1;
	s10 =	sld [smem:$0x3FB4]  }
0x3d: {  	_ =	shalt  }
0x3e: {  	_ =	shalt  }
0x3f: {  	_ =	shalt  }
0x40: {  	_ =	shalt  }
0x41: {  	_ =	shalt  }
0x42: {  	_ =	shalt  }
0x43: {  	_ =	shalt  }
0x44: {  	_ =	shalt  }
0x45: {  	_ =	shalt  }
0x46: {  	_ =	shalt  }
0x47: {  	_ =	shalt  }
0x48: {  	_ =	shalt  }
0x49: {  	_ =	shalt  }
0x4a: {  	_ =	shalt  }
0x4b: {  	_ =	shalt  }
0x4c: {  	_ =	shalt  }
0x4d: {  	_ =	shalt  }
0x4e: {  	_ =	shalt  }
0x4f: {  	_ =	shalt  }
0x50: {  	_ =	shalt  }
0x51: {  	_ =	shalt  }
0x52: {  	_ =	shalt  }
0x53: {  	_ =	shalt  }
0x54: {  	_ =	shalt  }
0x55: {  	_ =	shalt  }
0x56: {  	_ =	shalt  }
0x57: {  	_ =	shalt  }
0x58: {  	_ =	shalt  }
0x59: {  	_ =	shalt  }
0x5a: {  	_ =	shalt  }
0x5b: {  	_ =	shalt  }
0x5c: {  	_ =	shalt  }
0x5d: {  	_ =	shalt  }
0x5e: {  	_ =	shalt  }
0x5f: {  	_ =	shalt  }
0x60: {  	_ =	shalt  }
0x61: {  	_ =	shalt  }
0x62: {  	_ =	shalt  }
0x63: {  	_ =	shalt  }
0x64: {  	_ =	shalt  }
0x65: {  	_ =	shalt  }
0x66: {  	_ =	shalt  }
0x67: {  	_ =	shalt  }
0x68: {  	_ =	shalt  }
0x69: {  	_ =	shalt  }
0x6a: {  	_ =	shalt  }
0x6b: {  	_ =	shalt  }
0x6c: {  	_ =	shalt  }
0x6d: {  	_ =	shalt  }
0x6e: {  	_ =	shalt  }
0x6f: {  	_ =	shalt  }
0x70: {  	_ =	shalt  }
0x71: {  	_ =	shalt  }
0x72: {  	_ =	shalt  }
0x73: {  	_ =	shalt  }
0x74: {  	_ =	shalt  }
0x75: {  	_ =	shalt  }
0x76: {  	_ =	shalt  }
0x77: {  	_ =	shalt  }
0x78: {  	_ =	shalt  }
0x79: {  	_ =	shalt  }
0x7a: {  	_ =	shalt  }
0x7b: {  	_ =	shalt  }
0x7c: {  	_ =	shalt  }
0x7d: {  	_ =	shalt  }
0x7e: {  	_ =	shalt  }
0x7f: {  	_ =	shalt  }
0x80: {  	_ =	shalt  }
0x81: {  	_ =	shalt  }
0x82: {  	_ =	shalt  }
0x83: {  	_ =	shalt  }
0x84: {  	_ =	shalt  }
0x85: {  	_ =	shalt  }
0x86: {  	_ =	shalt  }
0x87: {  	_ =	shalt  }
.Lfunc_end0:
.L_simem_size_0:
called_computation_lowered:
.L_overlay_start_0:
0x88: {  	s2 =	sld [smem:$0x3FD9]  }
0x89: {  	s3 =	sld [smem:$0x3FFE];
	_ =	sdelay $0x1  }
0x8a: {  	s1 =	srdreg.scid  }
0x8b: {  	s0 =	sand.u32 $0x1, s1  }
0x8c: {  	s17 =	sshll.u32 s0, $0xA;
	s2 =	sadd.s32 s3, s2  }
0x8d: {  	s2 =	sadd.s32 s2, s17  }
0x8e: {  	[smem:$0x3FC0] =	sst s2  }
0x8f: {  	_ = 	snop  }
0x90: {  	s2 =	sld [smem:$0x3FD0];
	(tm) =	ssettm $0x1  }
0x91: {  	s18 =	sld [smem:$0x3FFB];
	_ =	sdelay $0x3  }
0x92: {  	_ =	strace s18  }
0x93: {  	s3 =	sld [smem:$0x3FFC];
	_ =	sdelay $0x3  }
0x94: {  	_ =	strace s3  }
0x95: {  	s3 =	sld [smem:$0x3FFD];
	_ =	sdelay $0x3  }
0x96: {  	_ =	strace s3  }
0x97: {  	_ =	strace $0x8FFFFFFF  }
0x98: {  	s19 =	sld [smem:$0x3FDB];
	_ =	sdelay $0x1  }
0x99: {  	s4 =	simm.s32 $_scs_section_size  }
0x9a: {  	s5 =	simm.s32 $_size__tile_overlayer_lowered;
	s6 =	simm.s32 $_tile_overlayer_lowered  }
0x9b: {  	s22 =	simm.s32 $0x1BFF;
	s21 =	sshll.u32 s6, $0x1;
	s3 =	sadd.s32 s4, s19  }
0x9c: {  	s7 =	simm.s32 $0x0;
	s20 =	sshll.u32 s5, $0x1;
	s5 =	sadd.s32 s21, s3  }
0x9d: {  	[timem:s7], [sflag:s22] =	dma.local [hbm:s5], s20  }
0x9e: {  	_ =	swait.ge [sflag:s22], s20  }
0x9f: {  	s4 =	ssub.s32 $0x0, s20;
	[sflag:s22] =	ssyncset.done $0x0  }
0xa0: {  	[sflag:s22] =	ssyncadd.s32 s4;
	_ =	sdelay $0x1  }
0xa1: {  	s23 =	simm.s32 $0x1B8B  }
0xa2: {  	_ =	swait.ge [sflag:s23], $0x1  }
0xa3: {  	[sflag:s23] =	ssyncset.done $0x0  }
0xa4: {  	s25 =	simm.s32 $0x1B8E;
	s24 =	sld [smem:$0x3FFE];
	[sflag:s23] =	ssyncadd.s32 $0xFFFFFFFF  }
0xa5: {  	s26 =	simm.s32 $execute0_lowered;
	[smem:$0x3FD2] =	sst s25  }
0xa6: {  	s5 =	sshll.u32 s26, $0x1;
	_ =	strace $0x80000046;
	[dreg:$0x1] =	wrdreg $0xFFFFFFFF  }
0xa7: {  	s28 =	simm.s32 $_size_execute0_lowered;
	s3 =	sadd.s32 s3, s5;
	[dreg:$0x0] =	wrdreg $0x0  }
0xa8: {  	s5 =	sshll.u32 s28, $0x1;
	[dreg:$0x2] =	wrdreg s3  }
0xa9: {  	[dreg:$0x3] =	wrdreg s5  }
0xaa: {  	[dreg:$0x4] =	wrdreg $0xC0  }
0xab: {  	_ =	task [dreg:s7], $0x5FFFF  }
0xac: {  	[dreg:$0x1] =	wrdreg $0xFFFFFFFF  }
0xad: {  	[dreg:$0x0] =	wrdreg $0x60  }
0xae: {  	[dreg:$0x2] =	wrdreg s24  }
0xaf: {  	[dreg:$0x3] =	wrdreg s2  }
0xb0: {  	[dreg:$0x4] =	wrdreg $0x54800  }
0xb1: {  	[dreg:$0x5] =	wrdreg $0x9  }
0xb2: {  	_ =	task.clear_ibuf [dreg:s7], $0x6FFFF;
	_ =	strace $0x90000046  }
0xb3: {  	s29 =	simm.s32 $0x9;
	_ =	strace $0x80000048  }
0xb4: {  	_ =	swait.ge [sflag:s29], $0x1  }
0xb5: {  	[sflag:s29] =	ssyncadd.s32 $0xFFFFFFFF  }
0xb6: {  	_ =	strace $0x90000048  }
0xb7: {  	_ =	sfence  }
0xb8: {  	s30 =	sld [smem:$0x0];
	_ =	sdelay $0x2  }
0xb9: {  	s31 =	sshll.u32 s1, $0xD;
	s1 =	sshrl.u32 s1, $0x2  }
0xba: {  	s3 =	sand.u32 $0x4000, s31;
	s1 =	sadd.s32 s1, s30  }
0xbb: {  	s0 =	sor.u32 s3, s0;
	s1 =	sshll.u32 s1, $0x11  }
0xbc: {  	s0 =	sor.u32 s1, s0  }
0xbd: {  	s0 =	sadd.s32 $0x8F2B, s0  }
0xbe: {  	[sflag:s0] =	ssyncadd.remote.s32 $0x1  }
0xbf: {  	_ =	sfence.sel $0xFFFF  }
0xc0: {  	[dreg:$0x0] =	wrdreg $0xFFFFFFFF;
	(pc) =	sbr.abs _section_cstart, $3  }
0xc1: {  	[dreg:$0x1] =	wrdreg $0xFFFFFFFF  }
0xc2: {  	_ =	task.clear_ibuf [dreg:s7], $0x2FFFF;
	_ =	strace $0x9FFFFFFF  }
0xc3: {  	(tm) =	ssettm $0x7FFFFFFF  }
tec
execute0_lowered:
.L_overlay_start_1:
0x0: {  	(tag) =	ssettag $0x1  }
0x1: {  	s4 =	rddreg [dreg:$0x0]  }
0x2: {  	s0 =	srdreg.scid;
	s6 =	rddreg [dreg:$0x1]  }
0x3: {  	s1 =	rddreg [dreg:$0x2];
	s8 =	stileid.u32  }
0x4: {  	s2 =	simm.s32 $0x0;
	s12 =	simm.s32 $0x80;
	s13 =	simm.s32 $0x5280  }
0x5: {  	s14 =	simm.s32 $0x3200;
	s15 =	simm.s32 $0x5300;
	s16 =	simm.s32 $0x3A00  }
0x6: {  	s17 =	simm.s32 $0x5380;
	s18 =	simm.s32 $0x4200;
	s19 =	simm.s32 $0x5400  }
0x7: {  	s20 =	simm.s32 $0x4A00;
	s3 =	sand.u32 $0x1, s0;
	s0 =	rddreg [dreg:$0x3]  }
0x8: {  	s21 =	simm.s32 $0x0;
	[smem:$0x7FF] =	sst s2;
	p0 =	sne.s32 s8, $0x0  }
0x9: {  	s5 =	sshll.u32 s3, $0x4;
	_ =	strace $0x80000047;
	s7 =	ssub.s32 $0x2, s3  }
0xa: {  	s10 =	smul.u32 $0x500, s3;
	s3 =	sadd.s32 $0x2200, s4;
	s5 =	sor.u32 s8, s5  }
0xb: {  	s11 =	sshrl.u32 @!p0 s1, $0x3;
	s9 =	sshrl.u32 s7, $0x1;
	s5 =	smul.u32 $0x540, s5  }
0xc: {  	s8 =	simm.s32 $0x2A00;
	s7 =	ssub.s32 s7, s9;
	s6 =	sadd.s32 s6, s10  }
0xd: {  	s9 =	simm.s32 $0x1;
	s10 =	simm.s32 $0x5200;
	s5 =	sadd.s32 s5, s4  }
0xe: {  	s7 =	smax.u32 s7, $0x1;
	s4 =	sadd.s32 $0xCC00, s4;
	s5 =	sadd.s32 $0x2400, s5  }
.LBB2_1:
0xf: {  	[tilespmem:s8], [sflag:$0x1] =	stream.linear.gather [hbm4b:s4+s2], $0x2800, $0x38;
	[tilespmem:$0x5700] =	vst v63  }
0x10: {  	_ =	swait.ge [sflag:s9], $0x2800  }
0x11: {  	[sflag:s9] =	ssyncset.done $0x0  }
0x12: {  	[sflag:s9] =	ssyncadd.s32 $0xFFFFD800  }
0x13: {  	[tilespmem:s10], [sflag:$0x1] =	stream.linear.gather [hbm4b:s3+s2], $0x280, $0x38;
	[tilespmem:$0x5700] =	vst v63  }
0x14: {  	_ =	swait.ge [sflag:s9], $0x280  }
0x15: {  	[sflag:s9] =	ssyncset.done $0x0  }
0x16: {  	[sflag:s9] =	ssyncadd.s32 $0xFFFFFD80  }
0x17: {  	[tilespmem:s2], [sflag:$0x1] =	stream.linear.gather [hbm4b:s5+s2], $0x2A00, $0x38;
	[tilespmem:$0x5700] =	vst v63  }
0x18: {  	_ =	swait.ge [sflag:s9], $0x2A00  }
0x19: {  	[sflag:s9] =	ssyncset.done $0x0  }
0x1a: {  	s22 =	simm.s32 @!p0 $0x1C01;
	[sflag:s9] =	ssyncadd.s32 $0xFFFFD600  }
0x1b: {  	[spmem:s11], [sflag:s22] =	dma.local @!p0 [hbm:s4], $0x500  }
0x1c: {  	s22 =	simm.s32 @!p0 $0x1  }
0x1d: {  	_ =	swait.ge @!p0 [sflag:s22], $0x500  }
0x1e: {  	[sflag:s22] =	ssyncset.done @!p0 $0x0  }
0x1f: {  	[sflag:s22] =	ssyncadd.s32 @!p0 $0xFFFFFB00  }
0x20: {  	s22 =	simm.s32 $0x1C0;
	[bflag:$0x0] =	sbarrier.arrive $0xFFFF  }
.LBB2_2:
0x21: {  	s23 =	sshra.s32 s22, $0x2  }
0x22: {  	v0 =	vld [tilespmem:s23+$0xFFFFFF90];
	_ =	sdelay $0x4  }
0x23: {  	(xrf1) =	vunique.msk.u32 $0xffff, v0;
	_ =	sdelay $0xd  }
0x24: {  	_, v1, vm0 =	vpop (xrf1);
	_ =	sdelay $0x3  }
0x25: {  	v1 =	vcvt.s32.f32 v1;
	_ =	sdelay $0x1  }
0x26: {  	[tilespmem:v0+s8+$0x0] =	vst.idx.add.f32.msk vm0, v1  }
0x27: {  	v0 =	vld [tilespmem:s23+$0xFFFFFFA0];
	_ =	sdelay $0x4  }
0x28: {  	(xrf1) =	vunique.msk.u32 $0xffff, v0;
	_ =	sdelay $0xd  }
0x29: {  	_, v1, vm0 =	vpop (xrf1);
	_ =	sdelay $0x3  }
0x2a: {  	v1 =	vcvt.s32.f32 v1;
	_ =	sdelay $0x1  }
0x2b: {  	[tilespmem:v0+s8+$0x0] =	vst.idx.add.f32.msk vm0, v1  }
0x2c: {  	v0 =	vld [tilespmem:s23+$0xFFFFFFB0];
	_ =	sdelay $0x4  }
0x2d: {  	(xrf1) =	vunique.msk.u32 $0xffff, v0;
	_ =	sdelay $0xd  }
0x2e: {  	_, v1, vm0 =	vpop (xrf1);
	_ =	sdelay $0x3  }
0x2f: {  	v1 =	vcvt.s32.f32 v1;
	_ =	sdelay $0x1  }
0x30: {  	[tilespmem:v0+s8+$0x0] =	vst.idx.add.f32.msk vm0, v1  }
0x31: {  	v0 =	vld [tilespmem:s23+$0xFFFFFFC0];
	_ =	sdelay $0x4  }
0x32: {  	(xrf1) =	vunique.msk.u32 $0xffff, v0;
	_ =	sdelay $0xd  }
0x33: {  	_, v1, vm0 =	vpop (xrf1);
	_ =	sdelay $0x3  }
0x34: {  	v1 =	vcvt.s32.f32 v1;
	_ =	sdelay $0x1  }
0x35: {  	[tilespmem:v0+s8+$0x0] =	vst.idx.add.f32.msk vm0, v1  }
0x36: {  	v0 =	vld [tilespmem:s23+$0xFFFFFFD0];
	_ =	sdelay $0x4  }
0x37: {  	(xrf1) =	vunique.msk.u32 $0xffff, v0;
	_ =	sdelay $0xd  }
0x38: {  	_, v1, vm0 =	vpop (xrf1);
	_ =	sdelay $0x3  }
0x39: {  	v1 =	vcvt.s32.f32 v1;
	_ =	sdelay $0x1  }
0x3a: {  	[tilespmem:v0+s8+$0x0] =	vst.idx.add.f32.msk vm0, v1  }
0x3b: {  	v0 =	vld [tilespmem:s23+$0xFFFFFFE0];
	_ =	sdelay $0x4  }
0x3c: {  	(xrf1) =	vunique.msk.u32 $0xffff, v0;
	_ =	sdelay $0xd  }
0x3d: {  	_, v1, vm0 =	vpop (xrf1);
	_ =	sdelay $0x3  }
0x3e: {  	v1 =	vcvt.s32.f32 v1;
	_ =	sdelay $0x1  }
0x3f: {  	[tilespmem:v0+s8+$0x0] =	vst.idx.add.f32.msk vm0, v1  }
0x40: {  	v0 =	vld [tilespmem:s23+$0xFFFFFFF0];
	_ =	sdelay $0x4  }
0x41: {  	(xrf1) =	vunique.msk.u32 $0xffff, v0;
	_ =	sdelay $0xd  }
0x42: {  	_, v1, vm0 =	vpop (xrf1);
	_ =	sdelay $0x3  }
0x43: {  	v1 =	vcvt.s32.f32 v1;
	_ =	sdelay $0x1  }
0x44: {  	[tilespmem:v0+s8+$0x0] =	vst.idx.add.f32.msk vm0, v1  }
0x45: {  	v0 =	vld [tilespmem:s23+$0x0];
	_ =	sdelay $0x4  }
0x46: {  	(xrf1) =	vunique.msk.u32 $0xffff, v0;
	_ =	sdelay $0xd  }
0x47: {  	_, v1, vm0 =	vpop (xrf1)  }
0x48: {  	p1 =	sne.s32 s22, $0xA7C0  }
.Ltmp0:
0x49: {  	_ = 	snop;
	(pc) =	sbr.rel @p1 .LBB2_2-.Ltmp0, $3  }
0x4a: {  	_ = 	snop  }
0x4b: {  	v1 =	vcvt.s32.f32 v1;
	_ =	sdelay $0x1  }
0x4c: {  	s22 =	sadd.s32 $0x200, s22;
	[tilespmem:v0+s8+$0x0] =	vst.idx.add.f32.msk vm0, v1  }
0x4d: {  	[spmem:s1] =	stream.indirect.scatter.add.f32 [tilespmem:s8], [sflag:$0x1], $0x10, s10, s12, $0xb8;
	[tilespmem:$0x5700] =	vst v63  }
0x4e: {  	_ =	swait.ge [sflag:s9], $0x800  }
0x4f: {  	[sflag:s9] =	ssyncset.done $0x0  }
0x50: {  	[sflag:s9] =	ssyncadd.s32 $0xFFFFF800  }
0x51: {  	[spmem:s1] =	stream.indirect.scatter.add.f32 [tilespmem:s14], [sflag:$0x1], $0x10, s13, s12, $0xb8;
	[tilespmem:$0x5700] =	vst v63  }
0x52: {  	_ =	swait.ge [sflag:s9], $0x800  }
0x53: {  	[sflag:s9] =	ssyncset.done $0x0  }
0x54: {  	[sflag:s9] =	ssyncadd.s32 $0xFFFFF800  }
0x55: {  	[spmem:s1] =	stream.indirect.scatter.add.f32 [tilespmem:s16], [sflag:$0x1], $0x10, s15, s12, $0xb8;
	[tilespmem:$0x5700] =	vst v63  }
0x56: {  	_ =	swait.ge [sflag:s9], $0x800  }
0x57: {  	[sflag:s9] =	ssyncset.done $0x0  }
0x58: {  	[sflag:s9] =	ssyncadd.s32 $0xFFFFF800  }
0x59: {  	[spmem:s1] =	stream.indirect.scatter.add.f32 [tilespmem:s18], [sflag:$0x1], $0x10, s17, s12, $0xb8;
	[tilespmem:$0x5700] =	vst v63  }
0x5a: {  	_ =	swait.ge [sflag:s9], $0x800  }
0x5b: {  	[sflag:s9] =	ssyncset.done $0x0  }
0x5c: {  	[sflag:s9] =	ssyncadd.s32 $0xFFFFF800  }
0x5d: {  	[spmem:s1] =	stream.indirect.scatter.add.f32 [tilespmem:s20], [sflag:$0x1], $0x10, s19, s12, $0xb8;
	[tilespmem:$0x5700] =	vst v63  }
0x5e: {  	_ =	swait.ge [sflag:s9], $0x800  }
0x5f: {  	[sflag:s9] =	ssyncset.done $0x0  }
0x60: {  	s21 =	sadd.s32 $0x1, s21;
	[sflag:s9] =	ssyncadd.s32 $0xFFFFF800  }
0x61: {  	s22 =	simm.s32 @!p0 $0x1C01;
	p1 =	sne.s32 s21, s7;
	[bflag:$0x0] =	sbarrier.arrive $0xFFFF  }
0x62: {  	[hbm:s6], [sflag:s22] =	dma.local @!p0 [spmem:s11], $0x500  }
.Ltmp1:
0x63: {  	_ = 	snop;
	(pc) =	sbr.rel @p1 .LBB2_1-.Ltmp1, $4  }
0x64: {  	s22 =	simm.s32 @!p0 $0x1  }
0x65: {  	_ =	swait.ge @!p0 [sflag:s22], $0x500  }
0x66: {  	[sflag:s22] =	ssyncset.done @!p0 $0x0  }
0x67: {  	[sflag:s22] =	ssyncadd.s32 @!p0 $0xFFFFFB00  }
0x68: {  	_ =	sfence.sel $0x180000  }
0x69: {  	[bflag:$0x0] =	sbarrier.arrive $0xFFFF  }
0x6a: {  	_ =	strace $0x90000047  }
0x6b: {  	s0 =	sadd.s32 @!p0 $0x100000, s0;
	[bflag:$0x2] =	sbarrier.arrive $0xFFFF  }
0x6c: {  	[sflag:s0] =	ssyncadd.tile.s32 @!p0 $0x1;
	_ =	shalt  }
.Lfunc_end2:
_tile_overlayer_lowered:
.L_overlay_start_2:
0x6d: {  	(tag) =	ssettag $0x2  }
0x6e: {  	s0 =	rddreg [dreg:$0x0];
	s2 =	stileid.u32  }
0x6f: {  	s1 =	rddreg [dreg:$0x1];
	p0 =	sne.s32 s2, $0x0  }
0x70: {  	s3 =	rddreg [dreg:$0x2];
	[bflag:$0x3] =	sbarrier.arrive $0xFFFF;
	s2 =	simm.s32 @!p0 $0x1C01  }
0x71: {  	[timem:s3], [sflag:s2] =	dma.local @!p0 [hbm:s0], s1  }
0x72: {  	s0 =	simm.s32 @!p0 $0x1  }
0x73: {  	_ =	swait.ge @!p0 [sflag:s0], s1  }
0x74: {  	s1 =	ssub.s32 @!p0 $0x0, s1;
	[sflag:s0] =	ssyncset.done @!p0 $0x0  }
0x75: {  	[sflag:s0] =	ssyncadd.s32 @!p0 s1  }
0x76: {  	[bflag:$0x3] =	sbarrier.arrive $0xFFFF  }
0x77: {  	_ =	shalt  }

// kernel: kernel.13.cloned.1.call-start
scs
__scs_entry_jumppad:
0x0: {  	(pc) =	sbr.rel $0x88, $3  }
0x1: {  	(tag) =	ssettag $0x0;
	lr =	simm.s32 $0x1  }
0x2: {  	[smem:$0x3F99] =	sst lr;
	_ =	strace $0xD0000000  }
0x3: {  	_ = 	snop  }
0x4: {  	_ = 	snop  }
0x5: {  	_ = 	snop  }
0x6: {  	_ = 	snop  }
0x7: {  	_ = 	snop  }
__scs_overlays_trampoline_lowered:
0x8: {  	[smem:$0x3FA8] =	sst s0  }
0x9: {  	[smem:$0x3FA9] =	sst s1  }
0xa: {  	[smem:$0x3FAA] =	sst s2  }
0xb: {  	[smem:$0x3FAB] =	sst s3  }
0xc: {  	[smem:$0x3FAC] =	sst s4  }
0xd: {  	[smem:$0x3FAD] =	sst s5  }
0xe: {  	[smem:$0x3FAE] =	sst s6  }
0xf: {  	[smem:$0x3FAF] =	sst s7  }
0x10: {  	[smem:$0x3FB0] =	sst s8  }
0x11: {  	[smem:$0x3FB1] =	sst s9;
	s0 =	simm.s32 @!p0 $0x0  }
0x12: {  	s1 =	sld [smem:$0x3F97];
	s0 =	simm.s32 @p0 $0x1  }
0x13: {  	[smem:$0x3FB2] =	sst s0;
	s0 =	simm.s32 @!p1 $0x0  }
0x14: {  	s2 =	sld [smem:$0x3F96];
	s0 =	simm.s32 @p1 $0x1  }
0x15: {  	[smem:$0x3FB3] =	sst s0;
	s0 =	simm.s32 @!p2 $0x0  }
0x16: {  	s3 =	sld [smem:$0x3FDB];
	s0 =	simm.s32 @p2 $0x1  }
0x17: {  	s4 =	simm.s32 $0x1BF5;
	[smem:$0x3FB5] =	sst s0  }
0x18: {  	s0 =	sld [smem:$0x3F98];
	_ =	swait.ge [sflag:s4], $0x0  }
0x19: {  	s7 =	sld [smem:$0x3F99]  }
0x1a: {  	s8 =	sadd.s32 $0xFFFFE003, lr  }
0x1b: {  	s9 =	sadd.s32 $0xFFFFFEF7, lr;
	s5 =	simm.s32 $0xFFFFFFFF;
	p2 =	slt.u32 s8, $0xFFFFF086  }
0x1c: {  	p1 =	slt.u32 s9, $0xF7A;
	s5 =	simm.s32 @!p2 $0x0  }
0x1d: {  	s5 =	simm.s32 @p1 $0x1;
	p0 =	seq.s32 s7, s2  }
0x1e: {  	s7 =	smul.u32 @!p0 $0xF7A, s2;
	p2 =	seq.s32 @!p0 s5, $0x0  }
0x1f: {  	s9 =	smul.u32 $0xF7A, s1;
	s8 =	simm.s32 @!p0 $0x1BF5;
	p2 =	por !p2, p0  }
0x20: {  	[sflag:s8] =	ssyncset.s32 @!p0 $0xFFFFF086;
	s6 =	sadd.s32 @!p0 s3, s7;
	s7 =	simm.s32 @!p0 $0x108  }
0x21: {  	s3 =	sadd.s32 s3, s9;
	s6 =	sadd.s32 @!p0 $0x88, s6;
	s7 =	simm.s32 @p2 $0x1082  }
0x22: {  	[simem:s7], [sflag:s8] =	dma.local @!p0 [hbm:s6], $0xF7A  }
0x23: {  	s9 =	sor.u32 $0xD0000000, s2;
	s6 =	simm.s32 $0x108;
	_ =	swait.ge @!p0 [sflag:s8], $0x0  }
0x24: {  	s3 =	sadd.s32 $0x88, s3;
	s6 =	simm.s32 @!p1 $0x1082;
	[sflag:s4] =	ssyncset.s32 $0xFFFFF086  }
0x25: {  	[simem:s6], [sflag:s4] =	dma.local [hbm:s3], $0xF7A  }
0x26: {  	[smem:$0x3F99] =	sst s1;
	(tag) =	ssettag s2;
	_ =	strace s9  }
0x27: {  	s1 =	sld [smem:$0x3FA9]  }
0x28: {  	s2 =	sld [smem:$0x3FAA]  }
0x29: {  	s4 =	sld [smem:$0x3FAC]  }
0x2a: {  	p0 =	seq.s32 s5, $0x0;
	s5 =	sld [smem:$0x3FAD]  }
0x2b: {  	s6 =	sld [smem:$0x3FAE]  }
0x2c: {  	s7 =	sld [smem:$0x3FAF]  }
0x2d: {  	s3 =	simm.s32 $0x108;
	s8 =	sld [smem:$0x3FB0]  }
0x2e: {  	s3 =	simm.s32 @!p0 $0x1082;
	s9 =	sld [smem:$0x3FB1]  }
0x2f: {  	lr =	sadd.s32 s0, s3;
	s0 =	sld [smem:$0x3FA8]  }
0x30: {  	s3 =	sld [smem:$0x3FAB]  }
0x31: {  	[smem:$0x3FB4] =	sst s10  }
0x32: {  	s10 =	sld [smem:$0x3FB2];
	_ =	sdelay $0x3  }
0x33: {  	p0 =	seq.s32 s10, $0x1;
	s10 =	sld [smem:$0x3FB4];
	_ =	sdelay $0x3  }
0x34: {  	[smem:$0x3FB4] =	sst s10  }
0x35: {  	s10 =	sld [smem:$0x3FB3];
	_ =	sdelay $0x3  }
0x36: {  	p1 =	seq.s32 s10, $0x1;
	s10 =	sld [smem:$0x3FB4];
	_ =	sdelay $0x3  }
0x37: {  	[smem:$0x3FB4] =	sst s10  }
0x38: {  	s10 =	sld [smem:$0x3FB5]  }
0x39: {  	_ = 	snop;
	(pc) =	sbr.ind lr, $3  }
0x3a: {  	_ = 	snop  }
0x3b: {  	_ = 	snop  }
0x3c: {  	p2 =	seq.s32 s10, $0x1;
	s10 =	sld [smem:$0x3FB4]  }
0x3d: {  	_ =	shalt  }
0x3e: {  	_ =	shalt  }
0x3f: {  	_ =	shalt  }
0x40: {  	_ =	shalt  }
0x41: {  	_ =	shalt  }
0x42: {  	_ =	shalt  }
0x43: {  	_ =	shalt  }
0x44: {  	_ =	shalt  }
0x45: {  	_ =	shalt  }
0x46: {  	_ =	shalt  }
0x47: {  	_ =	shalt  }
0x48: {  	_ =	shalt  }
0x49: {  	_ =	shalt  }
0x4a: {  	_ =	shalt  }
0x4b: {  	_ =	shalt  }
0x4c: {  	_ =	shalt  }
0x4d: {  	_ =	shalt  }
0x4e: {  	_ =	shalt  }
0x4f: {  	_ =	shalt  }
0x50: {  	_ =	shalt  }
0x51: {  	_ =	shalt  }
0x52: {  	_ =	shalt  }
0x53: {  	_ =	shalt  }
0x54: {  	_ =	shalt  }
0x55: {  	_ =	shalt  }
0x56: {  	_ =	shalt  }
0x57: {  	_ =	shalt  }
0x58: {  	_ =	shalt  }
0x59: {  	_ =	shalt  }
0x5a: {  	_ =	shalt  }
0x5b: {  	_ =	shalt  }
0x5c: {  	_ =	shalt  }
0x5d: {  	_ =	shalt  }
0x5e: {  	_ =	shalt  }
0x5f: {  	_ =	shalt  }
0x60: {  	_ =	shalt  }
0x61: {  	_ =	shalt  }
0x62: {  	_ =	shalt  }
0x63: {  	_ =	shalt  }
0x64: {  	_ =	shalt  }
0x65: {  	_ =	shalt  }
0x66: {  	_ =	shalt  }
0x67: {  	_ =	shalt  }
0x68: {  	_ =	shalt  }
0x69: {  	_ =	shalt  }
0x6a: {  	_ =	shalt  }
0x6b: {  	_ =	shalt  }
0x6c: {  	_ =	shalt  }
0x6d: {  	_ =	shalt  }
0x6e: {  	_ =	shalt  }
0x6f: {  	_ =	shalt  }
0x70: {  	_ =	shalt  }
0x71: {  	_ =	shalt  }
0x72: {  	_ =	shalt  }
0x73: {  	_ =	shalt  }
0x74: {  	_ =	shalt  }
0x75: {  	_ =	shalt  }
0x76: {  	_ =	shalt  }
0x77: {  	_ =	shalt  }
0x78: {  	_ =	shalt  }
0x79: {  	_ =	shalt  }
0x7a: {  	_ =	shalt  }
0x7b: {  	_ =	shalt  }
0x7c: {  	_ =	shalt  }
0x7d: {  	_ =	shalt  }
0x7e: {  	_ =	shalt  }
0x7f: {  	_ =	shalt  }
0x80: {  	_ =	shalt  }
0x81: {  	_ =	shalt  }
0x82: {  	_ =	shalt  }
0x83: {  	_ =	shalt  }
0x84: {  	_ =	shalt  }
0x85: {  	_ =	shalt  }
0x86: {  	_ =	shalt  }
0x87: {  	_ =	shalt  }
.Lfunc_end0:
.L_simem_size_0:
called_computation.1_lowered:
.L_overlay_start_0:
0x88: {  	s2 =	sld [smem:$0x3FD9]  }
0x89: {  	s3 =	sld [smem:$0x3FFE];
	_ =	sdelay $0x1  }
0x8a: {  	s1 =	srdreg.scid  }
0x8b: {  	s0 =	sand.u32 $0x1, s1  }
0x8c: {  	s16 =	sshll.u32 s0, $0xA;
	s2 =	sadd.s32 s3, s2  }
0x8d: {  	s2 =	sadd.s32 s2, s16  }
0x8e: {  	[smem:$0x3FC0] =	sst s2  }
0x8f: {  	_ = 	snop  }
0x90: {  	(tm) =	ssettm $0x1  }
0x91: {  	s17 =	sld [smem:$0x3FFB];
	_ =	sdelay $0x3  }
0x92: {  	_ =	strace s17  }
0x93: {  	s2 =	sld [smem:$0x3FFC];
	_ =	sdelay $0x3  }
0x94: {  	_ =	strace s2  }
0x95: {  	s2 =	sld [smem:$0x3FFD];
	_ =	sdelay $0x3  }
0x96: {  	_ =	strace s2  }
0x97: {  	_ =	strace $0x8FFFFFFF  }
0x98: {  	s18 =	sld [smem:$0x3FDB];
	_ =	sdelay $0x1  }
0x99: {  	s19 =	simm.s32 $_scs_section_size  }
0x9a: {  	s4 =	simm.s32 $_size__tile_overlayer_lowered;
	s5 =	simm.s32 $_tile_overlayer_lowered  }
0x9b: {  	s22 =	simm.s32 $0x1BFF;
	s21 =	sshll.u32 s5, $0x1;
	s2 =	sadd.s32 s19, s18  }
0x9c: {  	s6 =	simm.s32 $0x0;
	s20 =	sshll.u32 s4, $0x1;
	s4 =	sadd.s32 s21, s2  }
0x9d: {  	[timem:s6], [sflag:s22] =	dma.local [hbm:s4], s20  }
0x9e: {  	_ =	swait.ge [sflag:s22], s20  }
0x9f: {  	s3 =	ssub.s32 $0x0, s20;
	[sflag:s22] =	ssyncset.done $0x0  }
0xa0: {  	[sflag:s22] =	ssyncadd.s32 s3;
	_ =	sdelay $0x1  }
0xa1: {  	s23 =	simm.s32 $0x1B8B  }
0xa2: {  	_ =	swait.ge [sflag:s23], $0x1  }
0xa3: {  	[sflag:s23] =	ssyncset.done $0x0  }
0xa4: {  	s25 =	simm.s32 $0x1B8E;
	s24 =	sld [smem:$0x3FFE];
	[sflag:s23] =	ssyncadd.s32 $0xFFFFFFFF  }
0xa5: {  	s26 =	simm.s32 $execute0_lowered;
	[smem:$0x3FD2] =	sst s25  }
0xa6: {  	s4 =	sshll.u32 s26, $0x1;
	_ =	strace $0x80000049;
	[dreg:$0x1] =	wrdreg $0xFFFFFFFF  }
0xa7: {  	s28 =	simm.s32 $_size_execute0_lowered;
	s2 =	sadd.s32 s2, s4;
	[dreg:$0x0] =	wrdreg $0x0  }
0xa8: {  	s4 =	sshll.u32 s28, $0x1;
	[dreg:$0x2] =	wrdreg s2  }
0xa9: {  	[dreg:$0x3] =	wrdreg s4  }
0xaa: {  	[dreg:$0x4] =	wrdreg $0xC0  }
0xab: {  	_ =	task [dreg:s6], $0x5FFFF  }
0xac: {  	[dreg:$0x1] =	wrdreg $0xFFFFFFFF  }
0xad: {  	[dreg:$0x0] =	wrdreg $0x60  }
0xae: {  	[dreg:$0x2] =	wrdreg s24  }
0xaf: {  	[dreg:$0x3] =	wrdreg $0xD4000  }
0xb0: {  	[dreg:$0x4] =	wrdreg $0x9  }
0xb1: {  	_ =	task.clear_ibuf [dreg:s6], $0x5FFFF;
	_ =	strace $0x90000049  }
0xb2: {  	s29 =	simm.s32 $0x9;
	_ =	strace $0x8000004B  }
0xb3: {  	_ =	swait.ge [sflag:s29], $0x1  }
0xb4: {  	[sflag:s29] =	ssyncadd.s32 $0xFFFFFFFF  }
0xb5: {  	_ =	strace $0x9000004B  }
0xb6: {  	_ =	sfence  }
0xb7: {  	s30 =	sld [smem:$0x0];
	_ =	sdelay $0x2  }
0xb8: {  	s31 =	sshll.u32 s1, $0xD;
	s1 =	sshrl.u32 s1, $0x2  }
0xb9: {  	s3 =	sand.u32 $0x4000, s31;
	s1 =	sadd.s32 s1, s30  }
0xba: {  	s0 =	sor.u32 s3, s0;
	s1 =	sshll.u32 s1, $0x11  }
0xbb: {  	s0 =	sor.u32 s1, s0  }
0xbc: {  	s0 =	sadd.s32 $0x8F2B, s0  }
0xbd: {  	[sflag:s0] =	ssyncadd.remote.s32 $0x1  }
0xbe: {  	_ =	sfence.sel $0xFFFF  }
0xbf: {  	[dreg:$0x0] =	wrdreg $0xFFFFFFFF;
	(pc) =	sbr.abs _section_cstart, $3  }
0xc0: {  	[dreg:$0x1] =	wrdreg $0xFFFFFFFF  }
0xc1: {  	_ =	task.clear_ibuf [dreg:s6], $0x2FFFF;
	_ =	strace $0x9FFFFFFF  }
0xc2: {  	(tm) =	ssettm $0x7FFFFFFF  }
0xc3: {  	_ =	shalt  }
tec
execute0_lowered:
.L_overlay_start_1:
0x0: {  	(tag) =	ssettag $0x1  }
0x1: {  	s5 =	rddreg [dreg:$0x0]  }
0x2: {  	s2 =	rddreg [dreg:$0x1]  }
0x3: {  	s0 =	rddreg [dreg:$0x2]  }
0x4: {  	s1 =	stileid.u32;
	s3 =	simm.s32 $0x0;
	s4 =	srdreg.scid  }
0x5: {  	s14 =	simm.s32 $0x80;
	s15 =	simm.s32 $0x5400;
	s16 =	simm.s32 $0x7400  }
0x6: {  	s17 =	simm.s32 $0x100;
	s18 =	simm.s32 $0x9400;
	s19 =	simm.s32 $0x180  }
0x7: {  	s20 =	simm.s32 $0xB400;
	s21 =	simm.s32 $0x1;
	s22 =	simm.s32 $0x2  }
0x8: {  	s23 =	simm.s32 $0x5200;
	s24 =	simm.s32 $0x5280;
	s25 =	simm.s32 $0x5300  }
0x9: {  	s26 =	simm.s32 $0x5380;
	s28 =	simm.s32 $0x0;
	s6 =	smul.u32 $0x54, s1  }
0xa: {  	[smem:$0x7FF] =	sst s3;
	s7 =	sand.u32 $0x1, s4;
	s9 =	smul.u32 $0xA000, s1  }
0xb: {  	s29 =	smul.u32 $0x1400, s1;
	s4 =	sadd.s32 $0x17A00, s5;
	s31 =	sshll.u32 s1, $0x6  }
0xc: {  	p0 =	seq.s32 s7, $0x0;
	_ =	strace $0x8000004A;
	s10 =	smul.u32 $0x14000, s7  }
0xd: {  	s7 =	ssub.s32 $0x2, s7;
	s8 =	sadd.s32 $0x540, s6;
	s11 =	sshrl.u32 s9, $0x3  }
0xe: {  	s30 =	sshrl.u32 s7, $0x1;
	s13 =	sadd.s32 s9, s2;
	s8 =	smov.u32 @p0 s6  }
0xf: {  	s11 =	sadd.s32 s11, s5;
	s6 =	sadd.s32 s29, s10;
	s10 =	ssub.s32 s7, s30  }
0x10: {  	s13 =	sshrl.u32 s13, $0x3;
	s8 =	sshll.u32 s8, $0x4;
	s12 =	sadd.s32 s6, s5  }
0x11: {  	s7 =	sadd.s32 $0x2B400, s11;
	s9 =	smax.u32 s10, $0x1;
	s8 =	sadd.s32 s8, s5  }
0x12: {  	s10 =	simm.s32 $0x3;
	s11 =	simm.s32 $0x2A00;
	s5 =	sadd.s32 $0xD200, s8  }
0x13: {  	s6 =	sadd.s32 $0x2400, s8;
	s8 =	sadd.s32 $0x3F400, s12;
	s12 =	sor.u32 $0x1C03, s31  }
.LBB2_1:
0x14: {  	[tilespmem:s3], [sflag:$0x3] =	stream.linear.gather [hbm4b:s5+s3], $0x2A00, $0x38;
	[tilespmem:$0x17400] =	vst v63  }
0x15: {  	_ =	swait.ge [sflag:s10], $0x2A00  }
0x16: {  	[sflag:s10] =	ssyncset.done $0x0  }
0x17: {  	[sflag:s10] =	ssyncadd.s32 $0xFFFFD600  }
0x18: {  	[tilespmem:s11], [sflag:$0x3] =	stream.linear.gather [hbm4b:s6+s3], $0x2A00, $0x38;
	[tilespmem:$0x17400] =	vst v63  }
0x19: {  	_ =	swait.ge [sflag:s10], $0x2A00  }
0x1a: {  	[sflag:s10] =	ssyncset.done $0x0  }
0x1b: {  	[sflag:s10] =	ssyncadd.s32 $0xFFFFD600  }
0x1c: {  	[spmem:s13], [sflag:s12] =	dma.local [hbm:s7], $0x1400  }
0x1d: {  	_ =	swait.ge [sflag:s10], $0x1400  }
0x1e: {  	[sflag:s10] =	ssyncset.done $0x0  }
0x1f: {  	[sflag:s10] =	ssyncadd.s32 $0xFFFFEC00  }
0x20: {  	[bflag:$0x0] =	sbarrier.arrive $0xFFFF  }
0x21: {  	[tilespmem:s15], [sflag:$0x1] =	stream.indirect.gather [hbm4b:s4+s14], $0x40, s3, s14, $0xb8;
	[tilespmem:$0x17400] =	vst v63  }
0x22: {  	_ = 	snop  }
0x23: {  	[tilespmem:s16], [sflag:$0x1] =	stream.indirect.gather [hbm4b:s4+s14], $0x40, s14, s14, $0xb8;
	[tilespmem:$0x17400] =	vst v63  }
0x24: {  	_ = 	snop  }
0x25: {  	[tilespmem:s18], [sflag:$0x1] =	stream.indirect.gather [hbm4b:s4+s14], $0x40, s17, s14, $0xb8;
	[tilespmem:$0x17400] =	vst v63  }
0x26: {  	_ = 	snop  }
0x27: {  	[tilespmem:s20], [sflag:$0x1] =	stream.indirect.gather [hbm4b:s4+s14], $0x40, s19, s14, $0xb8;
	[tilespmem:$0x17400] =	vst v63  }
0x28: {  	_ =	swait.ge [sflag:s21], $0x2000  }
0x29: {  	[sflag:s21] =	ssyncset.done $0x0  }
0x2a: {  	s29 =	simm.s32 $0x2A00;
	[sflag:s21] =	ssyncadd.s32 $0xFFFFE000  }
0x2b: {  	[spmem:s2] =	stream.indirect.scatter.add.f32 [tilespmem:s15], [sflag:$0x2], $0x40, s29, s14, $0xb8;
	[tilespmem:$0x17400] =	vst v63  }
0x2c: {  	_ =	swait.ge [sflag:s21], $0x2000  }
0x2d: {  	[sflag:s21] =	ssyncset.done $0x0  }
0x2e: {  	s29 =	simm.s32 $0x2A80;
	[sflag:s21] =	ssyncadd.s32 $0xFFFFE000  }
0x2f: {  	[spmem:s2] =	stream.indirect.scatter.add.f32 [tilespmem:s16], [sflag:$0x2], $0x40, s29, s14, $0xb8;
	[tilespmem:$0x17400] =	vst v63  }
0x30: {  	_ =	swait.ge [sflag:s21], $0x2000  }
0x31: {  	[sflag:s21] =	ssyncset.done $0x0  }
0x32: {  	s29 =	simm.s32 $0x2B00;
	[sflag:s21] =	ssyncadd.s32 $0xFFFFE000  }
0x33: {  	[spmem:s2] =	stream.indirect.scatter.add.f32 [tilespmem:s18], [sflag:$0x2], $0x40, s29, s14, $0xb8;
	[tilespmem:$0x17400] =	vst v63  }
0x34: {  	_ =	swait.ge [sflag:s21], $0x2000  }
0x35: {  	[sflag:s21] =	ssyncset.done $0x0  }
0x36: {  	s29 =	simm.s32 $0x2B80;
	[sflag:s21] =	ssyncadd.s32 $0xFFFFE000  }
0x37: {  	[spmem:s2] =	stream.indirect.scatter.add.f32 [tilespmem:s20], [sflag:$0x2], $0x40, s29, s14, $0xb8;
	[tilespmem:$0x17400] =	vst v63  }
0x38: {  	_ =	swait.ge [sflag:s22], $0x2000  }
0x39: {  	[sflag:s22] =	ssyncset.done $0x0  }
0x3a: {  	s29 =	simm.s32 $0x200;
	[sflag:s22] =	ssyncadd.s32 $0xFFFFE000  }
0x3b: {  	[tilespmem:s15], [sflag:$0x1] =	stream.indirect.gather [hbm4b:s4+s14], $0x40, s29, s14, $0xb8;
	[tilespmem:$0x17400] =	vst v63  }
0x3c: {  	_ =	swait.ge [sflag:s22], $0x2000  }
0x3d: {  	[sflag:s22] =	ssyncset.done $0x0  }
0x3e: {  	s29 =	simm.s32 $0x280;
	[sflag:s22] =	ssyncadd.s32 $0xFFFFE000  }
0x3f: {  	[tilespmem:s16], [sflag:$0x1] =	stream.indirect.gather [hbm4b:s4+s14], $0x40, s29, s14, $0xb8;
	[tilespmem:$0x17400] =	vst v63  }
0x40: {  	_ =	swait.ge [sflag:s22], $0x2000  }
0x41: {  	[sflag:s22] =	ssyncset.done $0x0  }
0x42: {  	s29 =	simm.s32 $0x300;
	[sflag:s22] =	ssyncadd.s32 $0xFFFFE000  }
0x43: {  	[tilespmem:s18], [sflag:$0x1] =	stream.indirect.gather [hbm4b:s4+s14], $0x40, s29, s14, $0xb8;
	[tilespmem:$0x17400] =	vst v63  }
0x44: {  	_ =	swait.ge [sflag:s22], $0x2000  }
0x45: {  	[sflag:s22] =	ssyncset.done $0x0  }
0x46: {  	s30 =	simm.s32 $0x380;
	s29 =	simm.s32 $0x800;
	[sflag:s22] =	ssyncadd.s32 $0xFFFFE000  }
.LBB2_2:
0x47: {  	[tilespmem:s20], [sflag:$0x1] =	stream.indirect.gather [hbm4b:s4+s14], $0x40, s30, s14, $0xb8;
	[tilespmem:$0x17400] =	vst v63  }
0x48: {  	s30 =	smov.u32 s29  }
0x49: {  	p0 =	sne.s32 s29, $0x9800;
	s29 =	sadd.s32 $0x800, s29;
	_ =	swait.ge [sflag:s21], $0x2000  }
0x4a: {  	s30 =	sshra.s32 s30, $0x2;
	[sflag:s21] =	ssyncset.done $0x0  }
0x4b: {  	s31 =	sadd.s32 $0x2A00, s30;
	[sflag:s21] =	ssyncadd.s32 $0xFFFFE000  }
0x4c: {  	[spmem:s2] =	stream.indirect.scatter.add.f32 [tilespmem:s15], [sflag:$0x2], $0x40, s31, s14, $0xb8;
	[tilespmem:$0x17400] =	vst v63  }
0x4d: {  	_ =	swait.ge [sflag:s21], $0x2000  }
0x4e: {  	[sflag:s21] =	ssyncset.done $0x0  }
0x4f: {  	s31 =	sadd.s32 $0x2A80, s30;
	[sflag:s21] =	ssyncadd.s32 $0xFFFFE000  }
0x50: {  	[spmem:s2] =	stream.indirect.scatter.add.f32 [tilespmem:s16], [sflag:$0x2], $0x40, s31, s14, $0xb8;
	[tilespmem:$0x17400] =	vst v63  }
0x51: {  	_ =	swait.ge [sflag:s21], $0x2000  }
0x52: {  	[sflag:s21] =	ssyncset.done $0x0  }
0x53: {  	s31 =	sadd.s32 $0x2B00, s30;
	[sflag:s21] =	ssyncadd.s32 $0xFFFFE000  }
0x54: {  	[spmem:s2] =	stream.indirect.scatter.add.f32 [tilespmem:s18], [sflag:$0x2], $0x40, s31, s14, $0xb8;
	[tilespmem:$0x17400] =	vst v63  }
0x55: {  	_ =	swait.ge [sflag:s21], $0x2000  }
0x56: {  	[sflag:s21] =	ssyncset.done $0x0  }
0x57: {  	s31 =	sadd.s32 $0x2B80, s30;
	[sflag:s21] =	ssyncadd.s32 $0xFFFFE000  }
0x58: {  	[spmem:s2] =	stream.indirect.scatter.add.f32 [tilespmem:s20], [sflag:$0x2], $0x40, s31, s14, $0xb8;
	[tilespmem:$0x17400] =	vst v63  }
0x59: {  	_ =	swait.ge [sflag:s22], $0x2000  }
0x5a: {  	[sflag:s22] =	ssyncset.done $0x0  }
0x5b: {  	s31 =	sadd.s32 $0x200, s30;
	[sflag:s22] =	ssyncadd.s32 $0xFFFFE000  }
0x5c: {  	[tilespmem:s15], [sflag:$0x1] =	stream.indirect.gather [hbm4b:s4+s14], $0x40, s31, s14, $0xb8;
	[tilespmem:$0x17400] =	vst v63  }
0x5d: {  	_ =	swait.ge [sflag:s22], $0x2000  }
0x5e: {  	[sflag:s22] =	ssyncset.done $0x0  }
0x5f: {  	s31 =	sadd.s32 $0x280, s30;
	[sflag:s22] =	ssyncadd.s32 $0xFFFFE000  }
0x60: {  	[tilespmem:s16], [sflag:$0x1] =	stream.indirect.gather [hbm4b:s4+s14], $0x40, s31, s14, $0xb8;
	[tilespmem:$0x17400] =	vst v63  }
0x61: {  	_ =	swait.ge [sflag:s22], $0x2000  }
0x62: {  	[sflag:s22] =	ssyncset.done $0x0  }
.Ltmp0:
0x63: {  	s31 =	sadd.s32 $0x300, s30;
	[sflag:s22] =	ssyncadd.s32 $0xFFFFE000;
	(pc) =	sbr.rel @p0 .LBB2_2-.Ltmp0, $4  }
0x64: {  	[tilespmem:s18], [sflag:$0x1] =	stream.indirect.gather [hbm4b:s4+s14], $0x40, s31, s14, $0xb8;
	[tilespmem:$0x17400] =	vst v63  }
0x65: {  	_ =	swait.ge [sflag:s22], $0x2000  }
0x66: {  	[sflag:s22] =	ssyncset.done $0x0  }
0x67: {  	s30 =	sadd.s32 $0x380, s30;
	[sflag:s22] =	ssyncadd.s32 $0xFFFFE000  }
0x68: {  	[tilespmem:s20], [sflag:$0x1] =	stream.indirect.gather [hbm4b:s4+s14], $0x40, s30, s14, $0xb8;
	[tilespmem:$0x17400] =	vst v63  }
0x69: {  	_ =	swait.ge [sflag:s21], $0x2000  }
0x6a: {  	[sflag:s21] =	ssyncset.done $0x0  }
0x6b: {  	[sflag:s21] =	ssyncadd.s32 $0xFFFFE000  }
0x6c: {  	[spmem:s2] =	stream.indirect.scatter.add.f32 [tilespmem:s15], [sflag:$0x2], $0x40, s23, s14, $0xb8;
	[tilespmem:$0x17400] =	vst v63  }
0x6d: {  	_ =	swait.ge [sflag:s21], $0x2000  }
0x6e: {  	[sflag:s21] =	ssyncset.done $0x0  }
0x6f: {  	[sflag:s21] =	ssyncadd.s32 $0xFFFFE000  }
0x70: {  	[spmem:s2] =	stream.indirect.scatter.add.f32 [tilespmem:s16], [sflag:$0x2], $0x40, s24, s14, $0xb8;
	[tilespmem:$0x17400] =	vst v63  }
0x71: {  	_ =	swait.ge [sflag:s21], $0x2000  }
0x72: {  	[sflag:s21] =	ssyncset.done $0x0  }
0x73: {  	[sflag:s21] =	ssyncadd.s32 $0xFFFFE000  }
0x74: {  	[spmem:s2] =	stream.indirect.scatter.add.f32 [tilespmem:s18], [sflag:$0x2], $0x40, s25, s14, $0xb8;
	[tilespmem:$0x17400] =	vst v63  }
0x75: {  	_ =	swait.ge [sflag:s21], $0x2000  }
0x76: {  	[sflag:s21] =	ssyncset.done $0x0  }
0x77: {  	[sflag:s21] =	ssyncadd.s32 $0xFFFFE000  }
0x78: {  	[spmem:s2] =	stream.indirect.scatter.add.f32 [tilespmem:s20], [sflag:$0x2], $0x40, s26, s14, $0xb8;
	[tilespmem:$0x17400] =	vst v63  }
0x79: {  	_ =	swait.ge [sflag:s22], $0x2000  }
0x7a: {  	[sflag:s22] =	ssyncset.done $0x0  }
0x7b: {  	[sflag:s22] =	ssyncadd.s32 $0xFFFFE000  }
0x7c: {  	_ =	swait.ge [sflag:s22], $0x2000  }
0x7d: {  	[sflag:s22] =	ssyncset.done $0x0  }
0x7e: {  	[sflag:s22] =	ssyncadd.s32 $0xFFFFE000  }
0x7f: {  	_ =	swait.ge [sflag:s22], $0x2000  }
0x80: {  	[sflag:s22] =	ssyncset.done $0x0  }
0x81: {  	[sflag:s22] =	ssyncadd.s32 $0xFFFFE000  }
0x82: {  	_ =	swait.ge [sflag:s22], $0x2000  }
0x83: {  	s28 =	sadd.s32 $0x1, s28;
	[sflag:s22] =	ssyncset.done $0x0  }
0x84: {  	p0 =	sne.s32 s28, s9;
	[sflag:s22] =	ssyncadd.s32 $0xFFFFE000  }
.Ltmp1:
0x85: {  	[bflag:$0x0] =	sbarrier.arrive $0xFFFF;
	(pc) =	sbr.rel @p0 .LBB2_1-.Ltmp1, $4  }
0x86: {  	[hbm:s8], [sflag:s12] =	dma.local [spmem:s13], $0x1400  }
0x87: {  	_ =	swait.ge [sflag:s10], $0x1400  }
0x88: {  	[sflag:s10] =	ssyncset.done $0x0  }
0x89: {  	[sflag:s10] =	ssyncadd.s32 $0xFFFFEC00  }
0x8a: {  	_ =	sfence.sel $0x180000  }
0x8b: {  	[bflag:$0x0] =	sbarrier.arrive $0xFFFF  }
0x8c: {  	p0 =	sne.s32 s1, $0x0;
	_ =	strace $0x9000004A  }
0x8d: {  	s0 =	sadd.s32 @!p0 $0x100000, s0;
	[bflag:$0x2] =	sbarrier.arrive $0xFFFF  }
0x8e: {  	[sflag:s0] =	ssyncadd.tile.s32 @!p0 $0x1;
	_ =	shalt  }
.Lfunc_end2:
_tile_overlayer_lowered:
.L_overlay_start_2:
0x8f: {  	(tag) =	ssettag $0x2  }
0x90: {  	s0 =	rddreg [dreg:$0x0];
	s2 =	stileid.u32  }
0x91: {  	s1 =	rddreg [dreg:$0x1];
	p0 =	sne.s32 s2, $0x0  }
0x92: {  	s3 =	rddreg [dreg:$0x2];
	[bflag:$0x3] =	sbarrier.arrive $0xFFFF;
	s2 =	simm.s32 @!p0 $0x1C03  }
0x93: {  	[timem:s3], [sflag:s2] =	dma.local @!p0 [hbm:s0], s1  }
0x94: {  	s0 =	simm.s32 @!p0 $0x3  }
0x95: {  	_ =	swait.ge @!p0 [sflag:s0], s1  }
0x96: {  	s1 =	ssub.s32 @!p0 $0x0, s1;
	[sflag:s0] =	ssyncset.done @!p0 $0x0  }
0x97: {  	[sflag:s0] =	ssyncadd.s32 @!p0 s1  }
0x98: {  	[bflag:$0x3] =	sbarrier.arrive $0xFFFF  }
0x99: {  	_ =	shalt  }

// kernel: kernel.16.cloned.1.call-start
scs
__scs_entry_jumppad:
0x0: {  	(pc) =	sbr.rel $0x88, $3  }
0x1: {  	(tag) =	ssettag $0x0;
	lr =	simm.s32 $0x1  }
0x2: {  	[smem:$0x3F99] =	sst lr;
	_ =	strace $0xD0000000  }
0x3: {  	_ = 	snop  }
0x4: {  	_ = 	snop  }
0x5: {  	_ = 	snop  }
0x6: {  	_ = 	snop  }
0x7: {  	_ = 	snop  }
__scs_overlays_trampoline_lowered:
0x8: {  	[smem:$0x3FA8] =	sst s0  }
0x9: {  	[smem:$0x3FA9] =	sst s1  }
0xa: {  	[smem:$0x3FAA] =	sst s2  }
0xb: {  	[smem:$0x3FAB] =	sst s3  }
0xc: {  	[smem:$0x3FAC] =	sst s4  }
0xd: {  	[smem:$0x3FAD] =	sst s5  }
0xe: {  	[smem:$0x3FAE] =	sst s6  }
0xf: {  	[smem:$0x3FAF] =	sst s7  }
0x10: {  	[smem:$0x3FB0] =	sst s8  }
0x11: {  	[smem:$0x3FB1] =	sst s9;
	s0 =	simm.s32 @!p0 $0x0  }
0x12: {  	s1 =	sld [smem:$0x3F97];
	s0 =	simm.s32 @p0 $0x1  }
0x13: {  	[smem:$0x3FB2] =	sst s0;
	s0 =	simm.s32 @!p1 $0x0  }
0x14: {  	s2 =	sld [smem:$0x3F96];
	s0 =	simm.s32 @p1 $0x1  }
0x15: {  	[smem:$0x3FB3] =	sst s0;
	s0 =	simm.s32 @!p2 $0x0  }
0x16: {  	s3 =	sld [smem:$0x3FDB];
	s0 =	simm.s32 @p2 $0x1  }
0x17: {  	s4 =	simm.s32 $0x1BF5;
	[smem:$0x3FB5] =	sst s0  }
0x18: {  	s0 =	sld [smem:$0x3F98];
	_ =	swait.ge [sflag:s4], $0x0  }
0x19: {  	s7 =	sld [smem:$0x3F99]  }
0x1a: {  	s8 =	sadd.s32 $0xFFFFE003, lr  }
0x1b: {  	s9 =	sadd.s32 $0xFFFFFEF7, lr;
	s5 =	simm.s32 $0xFFFFFFFF;
	p2 =	slt.u32 s8, $0xFFFFF086  }
0x1c: {  	p1 =	slt.u32 s9, $0xF7A;
	s5 =	simm.s32 @!p2 $0x0  }
0x1d: {  	s5 =	simm.s32 @p1 $0x1;
	p0 =	seq.s32 s7, s2  }
0x1e: {  	s7 =	smul.u32 @!p0 $0xF7A, s2;
	p2 =	seq.s32 @!p0 s5, $0x0  }
0x1f: {  	s9 =	smul.u32 $0xF7A, s1;
	s8 =	simm.s32 @!p0 $0x1BF5;
	p2 =	por !p2, p0  }
0x20: {  	[sflag:s8] =	ssyncset.s32 @!p0 $0xFFFFF086;
	s6 =	sadd.s32 @!p0 s3, s7;
	s7 =	simm.s32 @!p0 $0x108  }
0x21: {  	s3 =	sadd.s32 s3, s9;
	s6 =	sadd.s32 @!p0 $0x88, s6;
	s7 =	simm.s32 @p2 $0x1082  }
0x22: {  	[simem:s7], [sflag:s8] =	dma.local @!p0 [hbm:s6], $0xF7A  }
0x23: {  	s9 =	sor.u32 $0xD0000000, s2;
	s6 =	simm.s32 $0x108;
	_ =	swait.ge @!p0 [sflag:s8], $0x0  }
0x24: {  	s3 =	sadd.s32 $0x88, s3;
	s6 =	simm.s32 @!p1 $0x1082;
	[sflag:s4] =	ssyncset.s32 $0xFFFFF086  }
0x25: {  	[simem:s6], [sflag:s4] =	dma.local [hbm:s3], $0xF7A  }
0x26: {  	[smem:$0x3F99] =	sst s1;
	(tag) =	ssettag s2;
	_ =	strace s9  }
0x27: {  	s1 =	sld [smem:$0x3FA9]  }
0x28: {  	s2 =	sld [smem:$0x3FAA]  }
0x29: {  	s4 =	sld [smem:$0x3FAC]  }
0x2a: {  	p0 =	seq.s32 s5, $0x0;
	s5 =	sld [smem:$0x3FAD]  }
0x2b: {  	s6 =	sld [smem:$0x3FAE]  }
0x2c: {  	s7 =	sld [smem:$0x3FAF]  }
0x2d: {  	s3 =	simm.s32 $0x108;
	s8 =	sld [smem:$0x3FB0]  }
0x2e: {  	s3 =	simm.s32 @!p0 $0x1082;
	s9 =	sld [smem:$0x3FB1]  }
0x2f: {  	lr =	sadd.s32 s0, s3;
	s0 =	sld [smem:$0x3FA8]  }
0x30: {  	s3 =	sld [smem:$0x3FAB]  }
0x31: {  	[smem:$0x3FB4] =	sst s10  }
0x32: {  	s10 =	sld [smem:$0x3FB2];
	_ =	sdelay $0x3  }
0x33: {  	p0 =	seq.s32 s10, $0x1;
	s10 =	sld [smem:$0x3FB4];
	_ =	sdelay $0x3  }
0x34: {  	[smem:$0x3FB4] =	sst s10  }
0x35: {  	s10 =	sld [smem:$0x3FB3];
	_ =	sdelay $0x3  }
0x36: {  	p1 =	seq.s32 s10, $0x1;
	s10 =	sld [smem:$0x3FB4];
	_ =	sdelay $0x3  }
0x37: {  	[smem:$0x3FB4] =	sst s10  }
0x38: {  	s10 =	sld [smem:$0x3FB5]  }
0x39: {  	_ = 	snop;
	(pc) =	sbr.ind lr, $3  }
0x3a: {  	_ = 	snop  }
0x3b: {  	_ = 	snop  }
0x3c: {  	p2 =	seq.s32 s10, $0x1;
	s10 =	sld [smem:$0x3FB4]  }
0x3d: {  	_ =	shalt  }
0x3e: {  	_ =	shalt  }
0x3f: {  	_ =	shalt  }
0x40: {  	_ =	shalt  }
0x41: {  	_ =	shalt  }
0x42: {  	_ =	shalt  }
0x43: {  	_ =	shalt  }
0x44: {  	_ =	shalt  }
0x45: {  	_ =	shalt  }
0x46: {  	_ =	shalt  }
0x47: {  	_ =	shalt  }
0x48: {  	_ =	shalt  }
0x49: {  	_ =	shalt  }
0x4a: {  	_ =	shalt  }
0x4b: {  	_ =	shalt  }
0x4c: {  	_ =	shalt  }
0x4d: {  	_ =	shalt  }
0x4e: {  	_ =	shalt  }
0x4f: {  	_ =	shalt  }
0x50: {  	_ =	shalt  }
0x51: {  	_ =	shalt  }
0x52: {  	_ =	shalt  }
0x53: {  	_ =	shalt  }
0x54: {  	_ =	shalt  }
0x55: {  	_ =	shalt  }
0x56: {  	_ =	shalt  }
0x57: {  	_ =	shalt  }
0x58: {  	_ =	shalt  }
0x59: {  	_ =	shalt  }
0x5a: {  	_ =	shalt  }
0x5b: {  	_ =	shalt  }
0x5c: {  	_ =	shalt  }
0x5d: {  	_ =	shalt  }
0x5e: {  	_ =	shalt  }
0x5f: {  	_ =	shalt  }
0x60: {  	_ =	shalt  }
0x61: {  	_ =	shalt  }
0x62: {  	_ =	shalt  }
0x63: {  	_ =	shalt  }
0x64: {  	_ =	shalt  }
0x65: {  	_ =	shalt  }
0x66: {  	_ =	shalt  }
0x67: {  	_ =	shalt  }
0x68: {  	_ =	shalt  }
0x69: {  	_ =	shalt  }
0x6a: {  	_ =	shalt  }
0x6b: {  	_ =	shalt  }
0x6c: {  	_ =	shalt  }
0x6d: {  	_ =	shalt  }
0x6e: {  	_ =	shalt  }
0x6f: {  	_ =	shalt  }
0x70: {  	_ =	shalt  }
0x71: {  	_ =	shalt  }
0x72: {  	_ =	shalt  }
0x73: {  	_ =	shalt  }
0x74: {  	_ =	shalt  }
0x75: {  	_ =	shalt  }
0x76: {  	_ =	shalt  }
0x77: {  	_ =	shalt  }
0x78: {  	_ =	shalt  }
0x79: {  	_ =	shalt  }
0x7a: {  	_ =	shalt  }
0x7b: {  	_ =	shalt  }
0x7c: {  	_ =	shalt  }
0x7d: {  	_ =	shalt  }
0x7e: {  	_ =	shalt  }
0x7f: {  	_ =	shalt  }
0x80: {  	_ =	shalt  }
0x81: {  	_ =	shalt  }
0x82: {  	_ =	shalt  }
0x83: {  	_ =	shalt  }
0x84: {  	_ =	shalt  }
0x85: {  	_ =	shalt  }
0x86: {  	_ =	shalt  }
0x87: {  	_ =	shalt  }
.Lfunc_end0:
.L_simem_size_0:
called_computation.2_lowered:
.L_overlay_start_0:
0x88: {  	s2 =	sld [smem:$0x3FD9]  }
0x89: {  	s3 =	sld [smem:$0x3FFE];
	_ =	sdelay $0x1  }
0x8a: {  	s1 =	srdreg.scid  }
0x8b: {  	s0 =	sand.u32 $0x1, s1  }
0x8c: {  	s16 =	sshll.u32 s0, $0xA;
	s2 =	sadd.s32 s3, s2  }
0x8d: {  	s2 =	sadd.s32 s2, s16  }
0x8e: {  	[smem:$0x3FC0] =	sst s2  }
0x8f: {  	_ = 	snop  }
0x90: {  	(tm) =	ssettm $0x1  }
0x91: {  	s17 =	sld [smem:$0x3FFB];
	_ =	sdelay $0x3  }
0x92: {  	_ =	strace s17  }
0x93: {  	s2 =	sld [smem:$0x3FFC];
	_ =	sdelay $0x3  }
0x94: {  	_ =	strace s2  }
0x95: {  	s2 =	sld [smem:$0x3FFD];
	_ =	sdelay $0x3  }
0x96: {  	_ =	strace s2  }
0x97: {  	_ =	strace $0x8FFFFFFF  }
0x98: {  	s18 =	sld [smem:$0x3FDB];
	_ =	sdelay $0x1  }
0x99: {  	s19 =	simm.s32 $_scs_section_size  }
0x9a: {  	s4 =	simm.s32 $_size__tile_overlayer_lowered;
	s5 =	simm.s32 $_tile_overlayer_lowered  }
0x9b: {  	s22 =	simm.s32 $0x1BFF;
	s21 =	sshll.u32 s5, $0x1;
	s2 =	sadd.s32 s19, s18  }
0x9c: {  	s6 =	simm.s32 $0x0;
	s20 =	sshll.u32 s4, $0x1;
	s4 =	sadd.s32 s21, s2  }
0x9d: {  	[timem:s6], [sflag:s22] =	dma.local [hbm:s4], s20  }
0x9e: {  	_ =	swait.ge [sflag:s22], s20  }
0x9f: {  	s3 =	ssub.s32 $0x0, s20;
	[sflag:s22] =	ssyncset.done $0x0  }
0xa0: {  	[sflag:s22] =	ssyncadd.s32 s3;
	_ =	sdelay $0x1  }
0xa1: {  	s23 =	simm.s32 $0x1B8B  }
0xa2: {  	_ =	swait.ge [sflag:s23], $0x1  }
0xa3: {  	[sflag:s23] =	ssyncset.done $0x0  }
0xa4: {  	s25 =	simm.s32 $0x1B8E;
	s24 =	sld [smem:$0x3FFE];
	[sflag:s23] =	ssyncadd.s32 $0xFFFFFFFF  }
0xa5: {  	s26 =	simm.s32 $execute0_lowered;
	[smem:$0x3FD2] =	sst s25  }
0xa6: {  	s4 =	sshll.u32 s26, $0x1;
	_ =	strace $0x8000004C;
	[dreg:$0x1] =	wrdreg $0xFFFFFFFF  }
0xa7: {  	s28 =	simm.s32 $_size_execute0_lowered;
	s2 =	sadd.s32 s2, s4;
	[dreg:$0x0] =	wrdreg $0x0  }
0xa8: {  	s4 =	sshll.u32 s28, $0x1;
	[dreg:$0x2] =	wrdreg s2  }
0xa9: {  	[dreg:$0x3] =	wrdreg s4  }
0xaa: {  	[dreg:$0x4] =	wrdreg $0xC0  }
0xab: {  	_ =	task [dreg:s6], $0x5FFFF  }
0xac: {  	[dreg:$0x1] =	wrdreg $0xFFFFFFFF  }
0xad: {  	[dreg:$0x0] =	wrdreg $0x60  }
0xae: {  	[dreg:$0x2] =	wrdreg s24  }
0xaf: {  	[dreg:$0x3] =	wrdreg $0x94000  }
0xb0: {  	[dreg:$0x4] =	wrdreg $0x9  }
0xb1: {  	_ =	task.clear_ibuf [dreg:s6], $0x5FFFF;
	_ =	strace $0x9000004C  }
0xb2: {  	s29 =	simm.s32 $0x9;
	_ =	strace $0x8000004E  }
0xb3: {  	_ =	swait.ge [sflag:s29], $0x1  }
0xb4: {  	[sflag:s29] =	ssyncadd.s32 $0xFFFFFFFF  }
0xb5: {  	_ =	strace $0x9000004E  }
0xb6: {  	_ =	sfence  }
0xb7: {  	s30 =	sld [smem:$0x0];
	_ =	sdelay $0x2  }
0xb8: {  	s31 =	sshll.u32 s1, $0xD;
	s1 =	sshrl.u32 s1, $0x2  }
0xb9: {  	s3 =	sand.u32 $0x4000, s31;
	s1 =	sadd.s32 s1, s30  }
0xba: {  	s0 =	sor.u32 s3, s0;
	s1 =	sshll.u32 s1, $0x11  }
0xbb: {  	s0 =	sor.u32 s1, s0  }
0xbc: {  	s0 =	sadd.s32 $0x8F2B, s0  }
0xbd: {  	[sflag:s0] =	ssyncadd.remote.s32 $0x1  }
0xbe: {  	_ =	sfence.sel $0xFFFF  }
0xbf: {  	[dreg:$0x0] =	wrdreg $0xFFFFFFFF;
	(pc) =	sbr.abs _section_cstart, $3  }
0xc0: {  	[dreg:$0x1] =	wrdreg $0xFFFFFFFF  }
0xc1: {  	_ =	task.clear_ibuf [dreg:s6], $0x2FFFF;
	_ =	strace $0x9FFFFFFF  }
0xc2: {  	(tm) =	ssettm $0x7FFFFFFF  }
0xc3: {  	_ =	shalt  }
tec
execute0_lowered:
.L_overlay_start_1:
0x0: {  	(tag) =	ssettag $0x1  }
0x1: {  	s5 =	rddreg [dreg:$0x0]  }
0x2: {  	s2 =	rddreg [dreg:$0x1]  }
0x3: {  	s0 =	rddreg [dreg:$0x2]  }
0x4: {  	s1 =	stileid.u32;
	s3 =	simm.s32 $0x0;
	s4 =	srdreg.scid  }
0x5: {  	s14 =	simm.s32 $0x80;
	s15 =	simm.s32 $0x5400;
	s16 =	simm.s32 $0x6400  }
0x6: {  	s17 =	simm.s32 $0x100;
	s18 =	simm.s32 $0x7400;
	s19 =	simm.s32 $0x180  }
0x7: {  	s20 =	simm.s32 $0x8400;
	s21 =	simm.s32 $0x1;
	s22 =	simm.s32 $0x2  }
0x8: {  	s23 =	simm.s32 $0x5200;
	s24 =	simm.s32 $0x5280;
	s25 =	simm.s32 $0x5300  }
0x9: {  	s26 =	simm.s32 $0x5380;
	s28 =	simm.s32 $0x0;
	s6 =	smul.u32 $0x54, s1  }
0xa: {  	[smem:$0x7FF] =	sst s3;
	s7 =	sand.u32 $0x1, s4;
	s9 =	smul.u32 $0x5000, s1  }
0xb: {  	s29 =	smul.u32 $0xA00, s1;
	s4 =	sadd.s32 $0x17A00, s5;
	s31 =	sshll.u32 s1, $0x6  }
0xc: {  	p0 =	seq.s32 s7, $0x0;
	_ =	strace $0x8000004D;
	s10 =	smul.u32 $0xA000, s7  }
0xd: {  	s7 =	ssub.s32 $0x2, s7;
	s8 =	sadd.s32 $0x540, s6;
	s11 =	sshrl.u32 s9, $0x3  }
0xe: {  	s30 =	sshrl.u32 s7, $0x1;
	s13 =	sadd.s32 s9, s2;
	s8 =	smov.u32 @p0 s6  }
0xf: {  	s11 =	sadd.s32 s11, s5;
	s6 =	sadd.s32 s29, s10;
	s10 =	ssub.s32 s7, s30  }
0x10: {  	s13 =	sshrl.u32 s13, $0x3;
	s8 =	sshll.u32 s8, $0x4;
	s12 =	sadd.s32 s6, s5  }
0x11: {  	s7 =	sadd.s32 $0x21800, s11;
	s9 =	smax.u32 s10, $0x1;
	s8 =	sadd.s32 s8, s5  }
0x12: {  	s10 =	simm.s32 $0x3;
	s11 =	simm.s32 $0x2A00;
	s5 =	sadd.s32 $0xD200, s8  }
0x13: {  	s6 =	sadd.s32 $0x2400, s8;
	s8 =	sadd.s32 $0x2B800, s12;
	s12 =	sor.u32 $0x1C03, s31  }
.LBB2_1:
0x14: {  	[tilespmem:s3], [sflag:$0x3] =	stream.linear.gather [hbm4b:s5+s3], $0x2A00, $0x38;
	[tilespmem:$0xE400] =	vst v63  }
0x15: {  	_ =	swait.ge [sflag:s10], $0x2A00  }
0x16: {  	[sflag:s10] =	ssyncset.done $0x0  }
0x17: {  	[sflag:s10] =	ssyncadd.s32 $0xFFFFD600  }
0x18: {  	[tilespmem:s11], [sflag:$0x3] =	stream.linear.gather [hbm4b:s6+s3], $0x2A00, $0x38;
	[tilespmem:$0xE400] =	vst v63  }
0x19: {  	_ =	swait.ge [sflag:s10], $0x2A00  }
0x1a: {  	[sflag:s10] =	ssyncset.done $0x0  }
0x1b: {  	[sflag:s10] =	ssyncadd.s32 $0xFFFFD600  }
0x1c: {  	[spmem:s13], [sflag:s12] =	dma.local [hbm:s7], $0xA00  }
0x1d: {  	_ =	swait.ge [sflag:s10], $0xA00  }
0x1e: {  	[sflag:s10] =	ssyncset.done $0x0  }
0x1f: {  	[sflag:s10] =	ssyncadd.s32 $0xFFFFF600  }
0x20: {  	[bflag:$0x0] =	sbarrier.arrive $0xFFFF  }
0x21: {  	[tilespmem:s15], [sflag:$0x1] =	stream.indirect.gather [hbm4b:s4+s14], $0x20, s3, s14, $0xb8;
	[tilespmem:$0xE400] =	vst v63  }
0x22: {  	_ = 	snop  }
0x23: {  	[tilespmem:s16], [sflag:$0x1] =	stream.indirect.gather [hbm4b:s4+s14], $0x20, s14, s14, $0xb8;
	[tilespmem:$0xE400] =	vst v63  }
0x24: {  	_ = 	snop  }
0x25: {  	[tilespmem:s18], [sflag:$0x1] =	stream.indirect.gather [hbm4b:s4+s14], $0x20, s17, s14, $0xb8;
	[tilespmem:$0xE400] =	vst v63  }
0x26: {  	_ = 	snop  }
0x27: {  	[tilespmem:s20], [sflag:$0x1] =	stream.indirect.gather [hbm4b:s4+s14], $0x20, s19, s14, $0xb8;
	[tilespmem:$0xE400] =	vst v63  }
0x28: {  	_ =	swait.ge [sflag:s21], $0x1000  }
0x29: {  	[sflag:s21] =	ssyncset.done $0x0  }
0x2a: {  	s29 =	simm.s32 $0x2A00;
	[sflag:s21] =	ssyncadd.s32 $0xFFFFF000  }
0x2b: {  	[spmem:s2] =	stream.indirect.scatter.add.f32 [tilespmem:s15], [sflag:$0x2], $0x20, s29, s14, $0xb8;
	[tilespmem:$0xE400] =	vst v63  }
0x2c: {  	_ =	swait.ge [sflag:s21], $0x1000  }
0x2d: {  	[sflag:s21] =	ssyncset.done $0x0  }
0x2e: {  	s29 =	simm.s32 $0x2A80;
	[sflag:s21] =	ssyncadd.s32 $0xFFFFF000  }
0x2f: {  	[spmem:s2] =	stream.indirect.scatter.add.f32 [tilespmem:s16], [sflag:$0x2], $0x20, s29, s14, $0xb8;
	[tilespmem:$0xE400] =	vst v63  }
0x30: {  	_ =	swait.ge [sflag:s21], $0x1000  }
0x31: {  	[sflag:s21] =	ssyncset.done $0x0  }
0x32: {  	s29 =	simm.s32 $0x2B00;
	[sflag:s21] =	ssyncadd.s32 $0xFFFFF000  }
0x33: {  	[spmem:s2] =	stream.indirect.scatter.add.f32 [tilespmem:s18], [sflag:$0x2], $0x20, s29, s14, $0xb8;
	[tilespmem:$0xE400] =	vst v63  }
0x34: {  	_ =	swait.ge [sflag:s21], $0x1000  }
0x35: {  	[sflag:s21] =	ssyncset.done $0x0  }
0x36: {  	s29 =	simm.s32 $0x2B80;
	[sflag:s21] =	ssyncadd.s32 $0xFFFFF000  }
0x37: {  	[spmem:s2] =	stream.indirect.scatter.add.f32 [tilespmem:s20], [sflag:$0x2], $0x20, s29, s14, $0xb8;
	[tilespmem:$0xE400] =	vst v63  }
0x38: {  	_ =	swait.ge [sflag:s22], $0x1000  }
0x39: {  	[sflag:s22] =	ssyncset.done $0x0  }
0x3a: {  	s29 =	simm.s32 $0x200;
	[sflag:s22] =	ssyncadd.s32 $0xFFFFF000  }
0x3b: {  	[tilespmem:s15], [sflag:$0x1] =	stream.indirect.gather [hbm4b:s4+s14], $0x20, s29, s14, $0xb8;
	[tilespmem:$0xE400] =	vst v63  }
0x3c: {  	_ =	swait.ge [sflag:s22], $0x1000  }
0x3d: {  	[sflag:s22] =	ssyncset.done $0x0  }
0x3e: {  	s29 =	simm.s32 $0x280;
	[sflag:s22] =	ssyncadd.s32 $0xFFFFF000  }
0x3f: {  	[tilespmem:s16], [sflag:$0x1] =	stream.indirect.gather [hbm4b:s4+s14], $0x20, s29, s14, $0xb8;
	[tilespmem:$0xE400] =	vst v63  }
0x40: {  	_ =	swait.ge [sflag:s22], $0x1000  }
0x41: {  	[sflag:s22] =	ssyncset.done $0x0  }
0x42: {  	s29 =	simm.s32 $0x300;
	[sflag:s22] =	ssyncadd.s32 $0xFFFFF000  }
0x43: {  	[tilespmem:s18], [sflag:$0x1] =	stream.indirect.gather [hbm4b:s4+s14], $0x20, s29, s14, $0xb8;
	[tilespmem:$0xE400] =	vst v63  }
0x44: {  	_ =	swait.ge [sflag:s22], $0x1000  }
0x45: {  	[sflag:s22] =	ssyncset.done $0x0  }
0x46: {  	s30 =	simm.s32 $0x380;
	s29 =	simm.s32 $0x800;
	[sflag:s22] =	ssyncadd.s32 $0xFFFFF000  }
.LBB2_2:
0x47: {  	[tilespmem:s20], [sflag:$0x1] =	stream.indirect.gather [hbm4b:s4+s14], $0x20, s30, s14, $0xb8;
	[tilespmem:$0xE400] =	vst v63  }
0x48: {  	s30 =	smov.u32 s29  }
0x49: {  	p0 =	sne.s32 s29, $0x9800;
	s29 =	sadd.s32 $0x800, s29;
	_ =	swait.ge [sflag:s21], $0x1000  }
0x4a: {  	s30 =	sshra.s32 s30, $0x2;
	[sflag:s21] =	ssyncset.done $0x0  }
0x4b: {  	s31 =	sadd.s32 $0x2A00, s30;
	[sflag:s21] =	ssyncadd.s32 $0xFFFFF000  }
0x4c: {  	[spmem:s2] =	stream.indirect.scatter.add.f32 [tilespmem:s15], [sflag:$0x2], $0x20, s31, s14, $0xb8;
	[tilespmem:$0xE400] =	vst v63  }
0x4d: {  	_ =	swait.ge [sflag:s21], $0x1000  }
0x4e: {  	[sflag:s21] =	ssyncset.done $0x0  }
0x4f: {  	s31 =	sadd.s32 $0x2A80, s30;
	[sflag:s21] =	ssyncadd.s32 $0xFFFFF000  }
0x50: {  	[spmem:s2] =	stream.indirect.scatter.add.f32 [tilespmem:s16], [sflag:$0x2], $0x20, s31, s14, $0xb8;
	[tilespmem:$0xE400] =	vst v63  }
0x51: {  	_ =	swait.ge [sflag:s21], $0x1000  }
0x52: {  	[sflag:s21] =	ssyncset.done $0x0  }
0x53: {  	s31 =	sadd.s32 $0x2B00, s30;
	[sflag:s21] =	ssyncadd.s32 $0xFFFFF000  }
0x54: {  	[spmem:s2] =	stream.indirect.scatter.add.f32 [tilespmem:s18], [sflag:$0x2], $0x20, s31, s14, $0xb8;
	[tilespmem:$0xE400] =	vst v63  }
0x55: {  	_ =	swait.ge [sflag:s21], $0x1000  }
0x56: {  	[sflag:s21] =	ssyncset.done $0x0  }
0x57: {  	s31 =	sadd.s32 $0x2B80, s30;
	[sflag:s21] =	ssyncadd.s32 $0xFFFFF000  }
0x58: {  	[spmem:s2] =	stream.indirect.scatter.add.f32 [tilespmem:s20], [sflag:$0x2], $0x20, s31, s14, $0xb8;
	[tilespmem:$0xE400] =	vst v63  }
0x59: {  	_ =	swait.ge [sflag:s22], $0x1000  }
0x5a: {  	[sflag:s22] =	ssyncset.done $0x0  }
0x5b: {  	s31 =	sadd.s32 $0x200, s30;
	[sflag:s22] =	ssyncadd.s32 $0xFFFFF000  }
0x5c: {  	[tilespmem:s15], [sflag:$0x1] =	stream.indirect.gather [hbm4b:s4+s14], $0x20, s31, s14, $0xb8;
	[tilespmem:$0xE400] =	vst v63  }
0x5d: {  	_ =	swait.ge [sflag:s22], $0x1000  }
0x5e: {  	[sflag:s22] =	ssyncset.done $0x0  }
0x5f: {  	s31 =	sadd.s32 $0x280, s30;
	[sflag:s22] =	ssyncadd.s32 $0xFFFFF000  }
0x60: {  	[tilespmem:s16], [sflag:$0x1] =	stream.indirect.gather [hbm4b:s4+s14], $0x20, s31, s14, $0xb8;
	[tilespmem:$0xE400] =	vst v63  }
0x61: {  	_ =	swait.ge [sflag:s22], $0x1000  }
0x62: {  	[sflag:s22] =	ssyncset.done $0x0  }
.Ltmp0:
0x63: {  	s31 =	sadd.s32 $0x300, s30;
	[sflag:s22] =	ssyncadd.s32 $0xFFFFF000;
	(pc) =	sbr.rel @p0 .LBB2_2-.Ltmp0, $4  }
0x64: {  	[tilespmem:s18], [sflag:$0x1] =	stream.indirect.gather [hbm4b:s4+s14], $0x20, s31, s14, $0xb8;
	[tilespmem:$0xE400] =	vst v63  }
0x65: {  	_ =	swait.ge [sflag:s22], $0x1000  }
0x66: {  	[sflag:s22] =	ssyncset.done $0x0  }
0x67: {  	s30 =	sadd.s32 $0x380, s30;
	[sflag:s22] =	ssyncadd.s32 $0xFFFFF000  }
0x68: {  	[tilespmem:s20], [sflag:$0x1] =	stream.indirect.gather [hbm4b:s4+s14], $0x20, s30, s14, $0xb8;
	[tilespmem:$0xE400] =	vst v63  }
0x69: {  	_ =	swait.ge [sflag:s21], $0x1000  }
0x6a: {  	[sflag:s21] =	ssyncset.done $0x0  }
0x6b: {  	[sflag:s21] =	ssyncadd.s32 $0xFFFFF000  }
0x6c: {  	[spmem:s2] =	stream.indirect.scatter.add.f32 [tilespmem:s15], [sflag:$0x2], $0x20, s23, s14, $0xb8;
	[tilespmem:$0xE400] =	vst v63  }
0x6d: {  	_ =	swait.ge [sflag:s21], $0x1000  }
0x6e: {  	[sflag:s21] =	ssyncset.done $0x0  }
0x6f: {  	[sflag:s21] =	ssyncadd.s32 $0xFFFFF000  }
0x70: {  	[spmem:s2] =	stream.indirect.scatter.add.f32 [tilespmem:s16], [sflag:$0x2], $0x20, s24, s14, $0xb8;
	[tilespmem:$0xE400] =	vst v63  }
0x71: {  	_ =	swait.ge [sflag:s21], $0x1000  }
0x72: {  	[sflag:s21] =	ssyncset.done $0x0  }
0x73: {  	[sflag:s21] =	ssyncadd.s32 $0xFFFFF000  }
0x74: {  	[spmem:s2] =	stream.indirect.scatter.add.f32 [tilespmem:s18], [sflag:$0x2], $0x20, s25, s14, $0xb8;
	[tilespmem:$0xE400] =	vst v63  }
0x75: {  	_ =	swait.ge [sflag:s21], $0x1000  }
0x76: {  	[sflag:s21] =	ssyncset.done $0x0  }
0x77: {  	[sflag:s21] =	ssyncadd.s32 $0xFFFFF000  }
0x78: {  	[spmem:s2] =	stream.indirect.scatter.add.f32 [tilespmem:s20], [sflag:$0x2], $0x20, s26, s14, $0xb8;
	[tilespmem:$0xE400] =	vst v63  }
0x79: {  	_ =	swait.ge [sflag:s22], $0x1000  }
0x7a: {  	[sflag:s22] =	ssyncset.done $0x0  }
0x7b: {  	[sflag:s22] =	ssyncadd.s32 $0xFFFFF000  }
0x7c: {  	_ =	swait.ge [sflag:s22], $0x1000  }
0x7d: {  	[sflag:s22] =	ssyncset.done $0x0  }
0x7e: {  	[sflag:s22] =	ssyncadd.s32 $0xFFFFF000  }
0x7f: {  	_ =	swait.ge [sflag:s22], $0x1000  }
0x80: {  	[sflag:s22] =	ssyncset.done $0x0  }
0x81: {  	[sflag:s22] =	ssyncadd.s32 $0xFFFFF000  }
0x82: {  	_ =	swait.ge [sflag:s22], $0x1000  }
0x83: {  	s28 =	sadd.s32 $0x1, s28;
	[sflag:s22] =	ssyncset.done $0x0  }
0x84: {  	p0 =	sne.s32 s28, s9;
	[sflag:s22] =	ssyncadd.s32 $0xFFFFF000  }
.Ltmp1:
0x85: {  	[bflag:$0x0] =	sbarrier.arrive $0xFFFF;
	(pc) =	sbr.rel @p0 .LBB2_1-.Ltmp1, $4  }
0x86: {  	[hbm:s8], [sflag:s12] =	dma.local [spmem:s13], $0xA00  }
0x87: {  	_ =	swait.ge [sflag:s10], $0xA00  }
0x88: {  	[sflag:s10] =	ssyncset.done $0x0  }
0x89: {  	[sflag:s10] =	ssyncadd.s32 $0xFFFFF600  }
0x8a: {  	_ =	sfence.sel $0x180000  }
0x8b: {  	[bflag:$0x0] =	sbarrier.arrive $0xFFFF  }
0x8c: {  	p0 =	sne.s32 s1, $0x0;
	_ =	strace $0x9000004D  }
0x8d: {  	s0 =	sadd.s32 @!p0 $0x100000, s0;
	[bflag:$0x2] =	sbarrier.arrive $0xFFFF  }
0x8e: {  	[sflag:s0] =	ssyncadd.tile.s32 @!p0 $0x1;
	_ =	shalt  }
.Lfunc_end2:
_tile_overlayer_lowered:
.L_overlay_start_2:
0x8f: {  	(tag) =	ssettag $0x2  }
0x90: {  	s0 =	rddreg [dreg:$0x0];
	s2 =	stileid.u32  }
0x91: {  	s1 =	rddreg [dreg:$0x1];
	p0 =	sne.s32 s2, $0x0  }
0x92: {  	s3 =	rddreg [dreg:$0x2];
	[bflag:$0x3] =	sbarrier.arrive $0xFFFF;
	s2 =	simm.s32 @!p0 $0x1C03  }
0x93: {  	[timem:s3], [sflag:s2] =	dma.local @!p0 [hbm:s0], s1  }
0x94: {  	s0 =	simm.s32 @!p0 $0x3  }
0x95: {  	_ =	swait.ge @!p0 [sflag:s0], s1  }
0x96: {  	s1 =	ssub.s32 @!p0 $0x0, s1;
	[sflag:s0] =	ssyncset.done @!p0 $0x0  }
0x97: {  	[sflag:s0] =	ssyncadd.s32 @!p0 s1  }
0x98: {  	[bflag:$0x3] =	sbarrier.arrive $0xFFFF  }
0x99: {  	_ =	shalt  }

// kernel: kernel.19.cloned.1.call-start
scs
__scs_entry_jumppad:
0x0: {  	(pc) =	sbr.rel $0x88, $3  }
0x1: {  	(tag) =	ssettag $0x0;
	lr =	simm.s32 $0x1  }
0x2: {  	[smem:$0x3F99] =	sst lr;
	_ =	strace $0xD0000000  }
0x3: {  	_ = 	snop  }
0x4: {  	_ = 	snop  }
0x5: {  	_ = 	snop  }
0x6: {  	_ = 	snop  }
0x7: {  	_ = 	snop  }
__scs_overlays_trampoline_lowered:
0x8: {  	[smem:$0x3FA8] =	sst s0  }
0x9: {  	[smem:$0x3FA9] =	sst s1  }
0xa: {  	[smem:$0x3FAA] =	sst s2  }
0xb: {  	[smem:$0x3FAB] =	sst s3  }
0xc: {  	[smem:$0x3FAC] =	sst s4  }
0xd: {  	[smem:$0x3FAD] =	sst s5  }
0xe: {  	[smem:$0x3FAE] =	sst s6  }
0xf: {  	[smem:$0x3FAF] =	sst s7  }
0x10: {  	[smem:$0x3FB0] =	sst s8  }
0x11: {  	[smem:$0x3FB1] =	sst s9;
	s0 =	simm.s32 @!p0 $0x0  }
0x12: {  	s1 =	sld [smem:$0x3F97];
	s0 =	simm.s32 @p0 $0x1  }
0x13: {  	[smem:$0x3FB2] =	sst s0;
	s0 =	simm.s32 @!p1 $0x0  }
0x14: {  	s2 =	sld [smem:$0x3F96];
	s0 =	simm.s32 @p1 $0x1  }
0x15: {  	[smem:$0x3FB3] =	sst s0;
	s0 =	simm.s32 @!p2 $0x0  }
0x16: {  	s3 =	sld [smem:$0x3FDB];
	s0 =	simm.s32 @p2 $0x1  }
0x17: {  	s4 =	simm.s32 $0x1BF5;
	[smem:$0x3FB5] =	sst s0  }
0x18: {  	s0 =	sld [smem:$0x3F98];
	_ =	swait.ge [sflag:s4], $0x0  }
0x19: {  	s7 =	sld [smem:$0x3F99]  }
0x1a: {  	s8 =	sadd.s32 $0xFFFFE003, lr  }
0x1b: {  	s9 =	sadd.s32 $0xFFFFFEF7, lr;
	s5 =	simm.s32 $0xFFFFFFFF;
	p2 =	slt.u32 s8, $0xFFFFF086  }
0x1c: {  	p1 =	slt.u32 s9, $0xF7A;
	s5 =	simm.s32 @!p2 $0x0  }
0x1d: {  	s5 =	simm.s32 @p1 $0x1;
	p0 =	seq.s32 s7, s2  }
0x1e: {  	s7 =	smul.u32 @!p0 $0xF7A, s2;
	p2 =	seq.s32 @!p0 s5, $0x0  }
0x1f: {  	s9 =	smul.u32 $0xF7A, s1;
	s8 =	simm.s32 @!p0 $0x1BF5;
	p2 =	por !p2, p0  }
0x20: {  	[sflag:s8] =	ssyncset.s32 @!p0 $0xFFFFF086;
	s6 =	sadd.s32 @!p0 s3, s7;
	s7 =	simm.s32 @!p0 $0x108  }
0x21: {  	s3 =	sadd.s32 s3, s9;
	s6 =	sadd.s32 @!p0 $0x88, s6;
	s7 =	simm.s32 @p2 $0x1082  }
0x22: {  	[simem:s7], [sflag:s8] =	dma.local @!p0 [hbm:s6], $0xF7A  }
0x23: {  	s9 =	sor.u32 $0xD0000000, s2;
	s6 =	simm.s32 $0x108;
	_ =	swait.ge @!p0 [sflag:s8], $0x0  }
0x24: {  	s3 =	sadd.s32 $0x88, s3;
	s6 =	simm.s32 @!p1 $0x1082;
	[sflag:s4] =	ssyncset.s32 $0xFFFFF086  }
0x25: {  	[simem:s6], [sflag:s4] =	dma.local [hbm:s3], $0xF7A  }
0x26: {  	[smem:$0x3F99] =	sst s1;
	(tag) =	ssettag s2;
	_ =	strace s9  }
0x27: {  	s1 =	sld [smem:$0x3FA9]  }
0x28: {  	s2 =	sld [smem:$0x3FAA]  }
0x29: {  	s4 =	sld [smem:$0x3FAC]  }
0x2a: {  	p0 =	seq.s32 s5, $0x0;
	s5 =	sld [smem:$0x3FAD]  }
0x2b: {  	s6 =	sld [smem:$0x3FAE]  }
0x2c: {  	s7 =	sld [smem:$0x3FAF]  }
0x2d: {  	s3 =	simm.s32 $0x108;
	s8 =	sld [smem:$0x3FB0]  }
0x2e: {  	s3 =	simm.s32 @!p0 $0x1082;
	s9 =	sld [smem:$0x3FB1]  }
0x2f: {  	lr =	sadd.s32 s0, s3;
	s0 =	sld [smem:$0x3FA8]  }
0x30: {  	s3 =	sld [smem:$0x3FAB]  }
0x31: {  	[smem:$0x3FB4] =	sst s10  }
0x32: {  	s10 =	sld [smem:$0x3FB2];
	_ =	sdelay $0x3  }
0x33: {  	p0 =	seq.s32 s10, $0x1;
	s10 =	sld [smem:$0x3FB4];
	_ =	sdelay $0x3  }
0x34: {  	[smem:$0x3FB4] =	sst s10  }
0x35: {  	s10 =	sld [smem:$0x3FB3];
	_ =	sdelay $0x3  }
0x36: {  	p1 =	seq.s32 s10, $0x1;
	s10 =	sld [smem:$0x3FB4];
	_ =	sdelay $0x3  }
0x37: {  	[smem:$0x3FB4] =	sst s10  }
0x38: {  	s10 =	sld [smem:$0x3FB5]  }
0x39: {  	_ = 	snop;
	(pc) =	sbr.ind lr, $3  }
0x3a: {  	_ = 	snop  }
0x3b: {  	_ = 	snop  }
0x3c: {  	p2 =	seq.s32 s10, $0x1;
	s10 =	sld [smem:$0x3FB4]  }
0x3d: {  	_ =	shalt  }
0x3e: {  	_ =	shalt  }
0x3f: {  	_ =	shalt  }
0x40: {  	_ =	shalt  }
0x41: {  	_ =	shalt  }
0x42: {  	_ =	shalt  }
0x43: {  	_ =	shalt  }
0x44: {  	_ =	shalt  }
0x45: {  	_ =	shalt  }
0x46: {  	_ =	shalt  }
0x47: {  	_ =	shalt  }
0x48: {  	_ =	shalt  }
0x49: {  	_ =	shalt  }
0x4a: {  	_ =	shalt  }
0x4b: {  	_ =	shalt  }
0x4c: {  	_ =	shalt  }
0x4d: {  	_ =	shalt  }
0x4e: {  	_ =	shalt  }
0x4f: {  	_ =	shalt  }
0x50: {  	_ =	shalt  }
0x51: {  	_ =	shalt  }
0x52: {  	_ =	shalt  }
0x53: {  	_ =	shalt  }
0x54: {  	_ =	shalt  }
0x55: {  	_ =	shalt  }
0x56: {  	_ =	shalt  }
0x57: {  	_ =	shalt  }
0x58: {  	_ =	shalt  }
0x59: {  	_ =	shalt  }
0x5a: {  	_ =	shalt  }
0x5b: {  	_ =	shalt  }
0x5c: {  	_ =	shalt  }
0x5d: {  	_ =	shalt  }
0x5e: {  	_ =	shalt  }
0x5f: {  	_ =	shalt  }
0x60: {  	_ =	shalt  }
0x61: {  	_ =	shalt  }
0x62: {  	_ =	shalt  }
0x63: {  	_ =	shalt  }
0x64: {  	_ =	shalt  }
0x65: {  	_ =	shalt  }
0x66: {  	_ =	shalt  }
0x67: {  	_ =	shalt  }
0x68: {  	_ =	shalt  }
0x69: {  	_ =	shalt  }
0x6a: {  	_ =	shalt  }
0x6b: {  	_ =	shalt  }
0x6c: {  	_ =	shalt  }
0x6d: {  	_ =	shalt  }
0x6e: {  	_ =	shalt  }
0x6f: {  	_ =	shalt  }
0x70: {  	_ =	shalt  }
0x71: {  	_ =	shalt  }
0x72: {  	_ =	shalt  }
0x73: {  	_ =	shalt  }
0x74: {  	_ =	shalt  }
0x75: {  	_ =	shalt  }
0x76: {  	_ =	shalt  }
0x77: {  	_ =	shalt  }
0x78: {  	_ =	shalt  }
0x79: {  	_ =	shalt  }
0x7a: {  	_ =	shalt  }
0x7b: {  	_ =	shalt  }
0x7c: {  	_ =	shalt  }
0x7d: {  	_ =	shalt  }
0x7e: {  	_ =	shalt  }
0x7f: {  	_ =	shalt  }
0x80: {  	_ =	shalt  }
0x81: {  	_ =	shalt  }
0x82: {  	_ =	shalt  }
0x83: {  	_ =	shalt  }
0x84: {  	_ =	shalt  }
0x85: {  	_ =	shalt  }
0x86: {  	_ =	shalt  }
0x87: {  	_ =	shalt  }
.Lfunc_end0:
.L_simem_size_0:
called_computation.3_lowered:
.L_overlay_start_0:
0x88: {  	s2 =	sld [smem:$0x3FD9]  }
0x89: {  	s3 =	sld [smem:$0x3FFE];
	_ =	sdelay $0x1  }
0x8a: {  	s1 =	srdreg.scid  }
0x8b: {  	s0 =	sand.u32 $0x1, s1  }
0x8c: {  	s16 =	sshll.u32 s0, $0xA;
	s2 =	sadd.s32 s3, s2  }
0x8d: {  	s2 =	sadd.s32 s2, s16  }
0x8e: {  	[smem:$0x3FC0] =	sst s2  }
0x8f: {  	_ = 	snop  }
0x90: {  	(tm) =	ssettm $0x1  }
0x91: {  	s17 =	sld [smem:$0x3FFB];
	_ =	sdelay $0x3  }
0x92: {  	_ =	strace s17  }
0x93: {  	s2 =	sld [smem:$0x3FFC];
	_ =	sdelay $0x3  }
0x94: {  	_ =	strace s2  }
0x95: {  	s2 =	sld [smem:$0x3FFD];
	_ =	sdelay $0x3  }
0x96: {  	_ =	strace s2  }
0x97: {  	_ =	strace $0x8FFFFFFF  }
0x98: {  	s18 =	sld [smem:$0x3FDB];
	_ =	sdelay $0x1  }
0x99: {  	s19 =	simm.s32 $_scs_section_size  }
0x9a: {  	s4 =	simm.s32 $_size__tile_overlayer_lowered;
	s5 =	simm.s32 $_tile_overlayer_lowered  }
0x9b: {  	s22 =	simm.s32 $0x1BFF;
	s21 =	sshll.u32 s5, $0x1;
	s2 =	sadd.s32 s19, s18  }
0x9c: {  	s6 =	simm.s32 $0x0;
	s20 =	sshll.u32 s4, $0x1;
	s4 =	sadd.s32 s21, s2  }
0x9d: {  	[timem:s6], [sflag:s22] =	dma.local [hbm:s4], s20  }
0x9e: {  	_ =	swait.ge [sflag:s22], s20  }
0x9f: {  	s3 =	ssub.s32 $0x0, s20;
	[sflag:s22] =	ssyncset.done $0x0  }
0xa0: {  	[sflag:s22] =	ssyncadd.s32 s3;
	_ =	sdelay $0x1  }
0xa1: {  	s23 =	simm.s32 $0x1B8B  }
0xa2: {  	_ =	swait.ge [sflag:s23], $0x1  }
0xa3: {  	[sflag:s23] =	ssyncset.done $0x0  }
0xa4: {  	s25 =	simm.s32 $0x1B8E;
	s24 =	sld [smem:$0x3FFE];
	[sflag:s23] =	ssyncadd.s32 $0xFFFFFFFF  }
0xa5: {  	s26 =	simm.s32 $execute0_lowered;
	[smem:$0x3FD2] =	sst s25  }
0xa6: {  	s4 =	sshll.u32 s26, $0x1;
	_ =	strace $0x8000004F;
	[dreg:$0x1] =	wrdreg $0xFFFFFFFF  }
0xa7: {  	s28 =	simm.s32 $_size_execute0_lowered;
	s2 =	sadd.s32 s2, s4;
	[dreg:$0x0] =	wrdreg $0x0  }
0xa8: {  	s4 =	sshll.u32 s28, $0x1;
	[dreg:$0x2] =	wrdreg s2  }
0xa9: {  	[dreg:$0x3] =	wrdreg s4  }
0xaa: {  	[dreg:$0x4] =	wrdreg $0xC0  }
0xab: {  	_ =	task [dreg:s6], $0x5FFFF  }
0xac: {  	[dreg:$0x1] =	wrdreg $0xFFFFFFFF  }
0xad: {  	[dreg:$0x0] =	wrdreg $0x60  }
0xae: {  	[dreg:$0x2] =	wrdreg s24  }
0xaf: {  	[dreg:$0x3] =	wrdreg $0x74000  }
0xb0: {  	[dreg:$0x4] =	wrdreg $0x9  }
0xb1: {  	_ =	task.clear_ibuf [dreg:s6], $0x5FFFF;
	_ =	strace $0x9000004F  }
0xb2: {  	s29 =	simm.s32 $0x9;
	_ =	strace $0x80000051  }
0xb3: {  	_ =	swait.ge [sflag:s29], $0x1  }
0xb4: {  	[sflag:s29] =	ssyncadd.s32 $0xFFFFFFFF  }
0xb5: {  	_ =	strace $0x90000051  }
0xb6: {  	_ =	sfence  }
0xb7: {  	s30 =	sld [smem:$0x0];
	_ =	sdelay $0x2  }
0xb8: {  	s31 =	sshll.u32 s1, $0xD;
	s1 =	sshrl.u32 s1, $0x2  }
0xb9: {  	s3 =	sand.u32 $0x4000, s31;
	s1 =	sadd.s32 s1, s30  }
0xba: {  	s0 =	sor.u32 s3, s0;
	s1 =	sshll.u32 s1, $0x11  }
0xbb: {  	s0 =	sor.u32 s1, s0  }
0xbc: {  	s0 =	sadd.s32 $0x8F2B, s0  }
0xbd: {  	[sflag:s0] =	ssyncadd.remote.s32 $0x1  }
0xbe: {  	_ =	sfence.sel $0xFFFF  }
0xbf: {  	[dreg:$0x0] =	wrdreg $0xFFFFFFFF;
	(pc) =	sbr.abs _section_cstart, $3  }
0xc0: {  	[dreg:$0x1] =	wrdreg $0xFFFFFFFF  }
0xc1: {  	_ =	task.clear_ibuf [dreg:s6], $0x2FFFF;
	_ =	strace $0x9FFFFFFF  }
0xc2: {  	(tm) =	ssettm $0x7FFFFFFF  }
0xc3: {  	_ =	shalt  }
tec
execute0_lowered:
.L_overlay_start_1:
0x0: {  	(tag) =	ssettag $0x1  }
0x1: {  	s5 =	rddreg [dreg:$0x0]  }
0x2: {  	s2 =	rddreg [dreg:$0x1]  }
0x3: {  	s0 =	rddreg [dreg:$0x2]  }
0x4: {  	s1 =	stileid.u32;
	s3 =	simm.s32 $0x0;
	s4 =	srdreg.scid  }
0x5: {  	s14 =	simm.s32 $0x80;
	s15 =	simm.s32 $0x5400;
	s16 =	simm.s32 $0x5C00  }
0x6: {  	s17 =	simm.s32 $0x100;
	s18 =	simm.s32 $0x6400;
	s19 =	simm.s32 $0x180  }
0x7: {  	s20 =	simm.s32 $0x6C00;
	s21 =	simm.s32 $0x1;
	s22 =	simm.s32 $0x2  }
0x8: {  	s23 =	simm.s32 $0x5200;
	s24 =	simm.s32 $0x5280;
	s25 =	simm.s32 $0x5300  }
0x9: {  	s26 =	simm.s32 $0x5380;
	s28 =	simm.s32 $0x0;
	s6 =	smul.u32 $0x54, s1  }
0xa: {  	[smem:$0x7FF] =	sst s3;
	s7 =	sand.u32 $0x1, s4;
	s9 =	smul.u32 $0x2800, s1  }
0xb: {  	s29 =	smul.u32 $0x500, s1;
	s4 =	sadd.s32 $0x17A00, s5;
	s31 =	sshll.u32 s1, $0x6  }
0xc: {  	p0 =	seq.s32 s7, $0x0;
	_ =	strace $0x80000050;
	s10 =	smul.u32 $0x5000, s7  }
0xd: {  	s7 =	ssub.s32 $0x2, s7;
	s8 =	sadd.s32 $0x540, s6;
	s11 =	sshrl.u32 s9, $0x3  }
0xe: {  	s30 =	sshrl.u32 s7, $0x1;
	s13 =	sadd.s32 s9, s2;
	s8 =	smov.u32 @p0 s6  }
0xf: {  	s11 =	sadd.s32 s11, s5;
	s6 =	sadd.s32 s29, s10;
	s10 =	ssub.s32 s7, s30  }
0x10: {  	s13 =	sshrl.u32 s13, $0x3;
	s8 =	sshll.u32 s8, $0x4;
	s12 =	sadd.s32 s6, s5  }
0x11: {  	s7 =	sadd.s32 $0x1CA00, s11;
	s9 =	smax.u32 s10, $0x1;
	s8 =	sadd.s32 s8, s5  }
0x12: {  	s10 =	simm.s32 $0x3;
	s11 =	simm.s32 $0x2A00;
	s5 =	sadd.s32 $0xD200, s8  }
0x13: {  	s6 =	sadd.s32 $0x2400, s8;
	s8 =	sadd.s32 $0x21A00, s12;
	s12 =	sor.u32 $0x1C03, s31  }
.LBB2_1:
0x14: {  	[tilespmem:s3], [sflag:$0x3] =	stream.linear.gather [hbm4b:s5+s3], $0x2A00, $0x38;
	[tilespmem:$0x9C00] =	vst v63  }
0x15: {  	_ =	swait.ge [sflag:s10], $0x2A00  }
0x16: {  	[sflag:s10] =	ssyncset.done $0x0  }
0x17: {  	[sflag:s10] =	ssyncadd.s32 $0xFFFFD600  }
0x18: {  	[tilespmem:s11], [sflag:$0x3] =	stream.linear.gather [hbm4b:s6+s3], $0x2A00, $0x38;
	[tilespmem:$0x9C00] =	vst v63  }
0x19: {  	_ =	swait.ge [sflag:s10], $0x2A00  }
0x1a: {  	[sflag:s10] =	ssyncset.done $0x0  }
0x1b: {  	[sflag:s10] =	ssyncadd.s32 $0xFFFFD600  }
0x1c: {  	[spmem:s13], [sflag:s12] =	dma.local [hbm:s7], $0x500  }
0x1d: {  	_ =	swait.ge [sflag:s10], $0x500  }
0x1e: {  	[sflag:s10] =	ssyncset.done $0x0  }
0x1f: {  	[sflag:s10] =	ssyncadd.s32 $0xFFFFFB00  }
0x20: {  	[bflag:$0x0] =	sbarrier.arrive $0xFFFF  }
0x21: {  	[tilespmem:s15], [sflag:$0x1] =	stream.indirect.gather [hbm4b:s4+s14], $0x10, s3, s14, $0xb8;
	[tilespmem:$0x9C00] =	vst v63  }
0x22: {  	_ = 	snop  }
0x23: {  	[tilespmem:s16], [sflag:$0x1] =	stream.indirect.gather [hbm4b:s4+s14], $0x10, s14, s14, $0xb8;
	[tilespmem:$0x9C00] =	vst v63  }
0x24: {  	_ = 	snop  }
0x25: {  	[tilespmem:s18], [sflag:$0x1] =	stream.indirect.gather [hbm4b:s4+s14], $0x10, s17, s14, $0xb8;
	[tilespmem:$0x9C00] =	vst v63  }
0x26: {  	_ = 	snop  }
0x27: {  	[tilespmem:s20], [sflag:$0x1] =	stream.indirect.gather [hbm4b:s4+s14], $0x10, s19, s14, $0xb8;
	[tilespmem:$0x9C00] =	vst v63  }
0x28: {  	_ =	swait.ge [sflag:s21], $0x800  }
0x29: {  	[sflag:s21] =	ssyncset.done $0x0  }
0x2a: {  	s29 =	simm.s32 $0x2A00;
	[sflag:s21] =	ssyncadd.s32 $0xFFFFF800  }
0x2b: {  	[spmem:s2] =	stream.indirect.scatter.add.f32 [tilespmem:s15], [sflag:$0x2], $0x10, s29, s14, $0xb8;
	[tilespmem:$0x9C00] =	vst v63  }
0x2c: {  	_ =	swait.ge [sflag:s21], $0x800  }
0x2d: {  	[sflag:s21] =	ssyncset.done $0x0  }
0x2e: {  	s29 =	simm.s32 $0x2A80;
	[sflag:s21] =	ssyncadd.s32 $0xFFFFF800  }
0x2f: {  	[spmem:s2] =	stream.indirect.scatter.add.f32 [tilespmem:s16], [sflag:$0x2], $0x10, s29, s14, $0xb8;
	[tilespmem:$0x9C00] =	vst v63  }
0x30: {  	_ =	swait.ge [sflag:s21], $0x800  }
0x31: {  	[sflag:s21] =	ssyncset.done $0x0  }
0x32: {  	s29 =	simm.s32 $0x2B00;
	[sflag:s21] =	ssyncadd.s32 $0xFFFFF800  }
0x33: {  	[spmem:s2] =	stream.indirect.scatter.add.f32 [tilespmem:s18], [sflag:$0x2], $0x10, s29, s14, $0xb8;
	[tilespmem:$0x9C00] =	vst v63  }
0x34: {  	_ =	swait.ge [sflag:s21], $0x800  }
0x35: {  	[sflag:s21] =	ssyncset.done $0x0  }
0x36: {  	s29 =	simm.s32 $0x2B80;
	[sflag:s21] =	ssyncadd.s32 $0xFFFFF800  }
0x37: {  	[spmem:s2] =	stream.indirect.scatter.add.f32 [tilespmem:s20], [sflag:$0x2], $0x10, s29, s14, $0xb8;
	[tilespmem:$0x9C00] =	vst v63  }
0x38: {  	_ =	swait.ge [sflag:s22], $0x800  }
0x39: {  	[sflag:s22] =	ssyncset.done $0x0  }
0x3a: {  	s29 =	simm.s32 $0x200;
	[sflag:s22] =	ssyncadd.s32 $0xFFFFF800  }
0x3b: {  	[tilespmem:s15], [sflag:$0x1] =	stream.indirect.gather [hbm4b:s4+s14], $0x10, s29, s14, $0xb8;
	[tilespmem:$0x9C00] =	vst v63  }
0x3c: {  	_ =	swait.ge [sflag:s22], $0x800  }
0x3d: {  	[sflag:s22] =	ssyncset.done $0x0  }
0x3e: {  	s29 =	simm.s32 $0x280;
	[sflag:s22] =	ssyncadd.s32 $0xFFFFF800  }
0x3f: {  	[tilespmem:s16], [sflag:$0x1] =	stream.indirect.gather [hbm4b:s4+s14], $0x10, s29, s14, $0xb8;
	[tilespmem:$0x9C00] =	vst v63  }
0x40: {  	_ =	swait.ge [sflag:s22], $0x800  }
0x41: {  	[sflag:s22] =	ssyncset.done $0x0  }
0x42: {  	s29 =	simm.s32 $0x300;
	[sflag:s22] =	ssyncadd.s32 $0xFFFFF800  }
0x43: {  	[tilespmem:s18], [sflag:$0x1] =	stream.indirect.gather [hbm4b:s4+s14], $0x10, s29, s14, $0xb8;
	[tilespmem:$0x9C00] =	vst v63  }
0x44: {  	_ =	swait.ge [sflag:s22], $0x800  }
0x45: {  	[sflag:s22] =	ssyncset.done $0x0  }
0x46: {  	s30 =	simm.s32 $0x380;
	s29 =	simm.s32 $0x800;
	[sflag:s22] =	ssyncadd.s32 $0xFFFFF800  }
.LBB2_2:
0x47: {  	[tilespmem:s20], [sflag:$0x1] =	stream.indirect.gather [hbm4b:s4+s14], $0x10, s30, s14, $0xb8;
	[tilespmem:$0x9C00] =	vst v63  }
0x48: {  	s30 =	smov.u32 s29  }
0x49: {  	p0 =	sne.s32 s29, $0x9800;
	s29 =	sadd.s32 $0x800, s29;
	_ =	swait.ge [sflag:s21], $0x800  }
0x4a: {  	s30 =	sshra.s32 s30, $0x2;
	[sflag:s21] =	ssyncset.done $0x0  }
0x4b: {  	s31 =	sadd.s32 $0x2A00, s30;
	[sflag:s21] =	ssyncadd.s32 $0xFFFFF800  }
0x4c: {  	[spmem:s2] =	stream.indirect.scatter.add.f32 [tilespmem:s15], [sflag:$0x2], $0x10, s31, s14, $0xb8;
	[tilespmem:$0x9C00] =	vst v63  }
0x4d: {  	_ =	swait.ge [sflag:s21], $0x800  }
0x4e: {  	[sflag:s21] =	ssyncset.done $0x0  }
0x4f: {  	s31 =	sadd.s32 $0x2A80, s30;
	[sflag:s21] =	ssyncadd.s32 $0xFFFFF800  }
0x50: {  	[spmem:s2] =	stream.indirect.scatter.add.f32 [tilespmem:s16], [sflag:$0x2], $0x10, s31, s14, $0xb8;
	[tilespmem:$0x9C00] =	vst v63  }
0x51: {  	_ =	swait.ge [sflag:s21], $0x800  }
0x52: {  	[sflag:s21] =	ssyncset.done $0x0  }
0x53: {  	s31 =	sadd.s32 $0x2B00, s30;
	[sflag:s21] =	ssyncadd.s32 $0xFFFFF800  }
0x54: {  	[spmem:s2] =	stream.indirect.scatter.add.f32 [tilespmem:s18], [sflag:$0x2], $0x10, s31, s14, $0xb8;
	[tilespmem:$0x9C00] =	vst v63  }
0x55: {  	_ =	swait.ge [sflag:s21], $0x800  }
0x56: {  	[sflag:s21] =	ssyncset.done $0x0  }
0x57: {  	s31 =	sadd.s32 $0x2B80, s30;
	[sflag:s21] =	ssyncadd.s32 $0xFFFFF800  }
0x58: {  	[spmem:s2] =	stream.indirect.scatter.add.f32 [tilespmem:s20], [sflag:$0x2], $0x10, s31, s14, $0xb8;
	[tilespmem:$0x9C00] =	vst v63  }
0x59: {  	_ =	swait.ge [sflag:s22], $0x800  }
0x5a: {  	[sflag:s22] =	ssyncset.done $0x0  }
0x5b: {  	s31 =	sadd.s32 $0x200, s30;
	[sflag:s22] =	ssyncadd.s32 $0xFFFFF800  }
0x5c: {  	[tilespmem:s15], [sflag:$0x1] =	stream.indirect.gather [hbm4b:s4+s14], $0x10, s31, s14, $0xb8;
	[tilespmem:$0x9C00] =	vst v63  }
0x5d: {  	_ =	swait.ge [sflag:s22], $0x800  }
0x5e: {  	[sflag:s22] =	ssyncset.done $0x0  }
0x5f: {  	s31 =	sadd.s32 $0x280, s30;
	[sflag:s22] =	ssyncadd.s32 $0xFFFFF800  }
0x60: {  	[tilespmem:s16], [sflag:$0x1] =	stream.indirect.gather [hbm4b:s4+s14], $0x10, s31, s14, $0xb8;
	[tilespmem:$0x9C00] =	vst v63  }
0x61: {  	_ =	swait.ge [sflag:s22], $0x800  }
0x62: {  	[sflag:s22] =	ssyncset.done $0x0  }
.Ltmp0:
0x63: {  	s31 =	sadd.s32 $0x300, s30;
	[sflag:s22] =	ssyncadd.s32 $0xFFFFF800;
	(pc) =	sbr.rel @p0 .LBB2_2-.Ltmp0, $4  }
0x64: {  	[tilespmem:s18], [sflag:$0x1] =	stream.indirect.gather [hbm4b:s4+s14], $0x10, s31, s14, $0xb8;
	[tilespmem:$0x9C00] =	vst v63  }
0x65: {  	_ =	swait.ge [sflag:s22], $0x800  }
0x66: {  	[sflag:s22] =	ssyncset.done $0x0  }
0x67: {  	s30 =	sadd.s32 $0x380, s30;
	[sflag:s22] =	ssyncadd.s32 $0xFFFFF800  }
0x68: {  	[tilespmem:s20], [sflag:$0x1] =	stream.indirect.gather [hbm4b:s4+s14], $0x10, s30, s14, $0xb8;
	[tilespmem:$0x9C00] =	vst v63  }
0x69: {  	_ =	swait.ge [sflag:s21], $0x800  }
0x6a: {  	[sflag:s21] =	ssyncset.done $0x0  }
0x6b: {  	[sflag:s21] =	ssyncadd.s32 $0xFFFFF800  }
0x6c: {  	[spmem:s2] =	stream.indirect.scatter.add.f32 [tilespmem:s15], [sflag:$0x2], $0x10, s23, s14, $0xb8;
	[tilespmem:$0x9C00] =	vst v63  }
0x6d: {  	_ =	swait.ge [sflag:s21], $0x800  }
0x6e: {  	[sflag:s21] =	ssyncset.done $0x0  }
0x6f: {  	[sflag:s21] =	ssyncadd.s32 $0xFFFFF800  }
0x70: {  	[spmem:s2] =	stream.indirect.scatter.add.f32 [tilespmem:s16], [sflag:$0x2], $0x10, s24, s14, $0xb8;
	[tilespmem:$0x9C00] =	vst v63  }
0x71: {  	_ =	swait.ge [sflag:s21], $0x800  }
0x72: {  	[sflag:s21] =	ssyncset.done $0x0  }
0x73: {  	[sflag:s21] =	ssyncadd.s32 $0xFFFFF800  }
0x74: {  	[spmem:s2] =	stream.indirect.scatter.add.f32 [tilespmem:s18], [sflag:$0x2], $0x10, s25, s14, $0xb8;
	[tilespmem:$0x9C00] =	vst v63  }
0x75: {  	_ =	swait.ge [sflag:s21], $0x800  }
0x76: {  	[sflag:s21] =	ssyncset.done $0x0  }
0x77: {  	[sflag:s21] =	ssyncadd.s32 $0xFFFFF800  }
0x78: {  	[spmem:s2] =	stream.indirect.scatter.add.f32 [tilespmem:s20], [sflag:$0x2], $0x10, s26, s14, $0xb8;
	[tilespmem:$0x9C00] =	vst v63  }
0x79: {  	_ =	swait.ge [sflag:s22], $0x800  }
0x7a: {  	[sflag:s22] =	ssyncset.done $0x0  }
0x7b: {  	[sflag:s22] =	ssyncadd.s32 $0xFFFFF800  }
0x7c: {  	_ =	swait.ge [sflag:s22], $0x800  }
0x7d: {  	[sflag:s22] =	ssyncset.done $0x0  }
0x7e: {  	[sflag:s22] =	ssyncadd.s32 $0xFFFFF800  }
0x7f: {  	_ =	swait.ge [sflag:s22], $0x800  }
0x80: {  	[sflag:s22] =	ssyncset.done $0x0  }
0x81: {  	[sflag:s22] =	ssyncadd.s32 $0xFFFFF800  }
0x82: {  	_ =	swait.ge [sflag:s22], $0x800  }
0x83: {  	s28 =	sadd.s32 $0x1, s28;
	[sflag:s22] =	ssyncset.done $0x0  }
0x84: {  	p0 =	sne.s32 s28, s9;
	[sflag:s22] =	ssyncadd.s32 $0xFFFFF800  }
.Ltmp1:
0x85: {  	[bflag:$0x0] =	sbarrier.arrive $0xFFFF;
	(pc) =	sbr.rel @p0 .LBB2_1-.Ltmp1, $4  }
0x86: {  	[hbm:s8], [sflag:s12] =	dma.local [spmem:s13], $0x500  }
0x87: {  	_ =	swait.ge [sflag:s10], $0x500  }
0x88: {  	[sflag:s10] =	ssyncset.done $0x0  }
0x89: {  	[sflag:s10] =	ssyncadd.s32 $0xFFFFFB00  }
0x8a: {  	_ =	sfence.sel $0x180000  }
0x8b: {  	[bflag:$0x0] =	sbarrier.arrive $0xFFFF  }
0x8c: {  	p0 =	sne.s32 s1, $0x0;
	_ =	strace $0x90000050  }
0x8d: {  	s0 =	sadd.s32 @!p0 $0x100000, s0;
	[bflag:$0x2] =	sbarrier.arrive $0xFFFF  }
0x8e: {  	[sflag:s0] =	ssyncadd.tile.s32 @!p0 $0x1;
	_ =	shalt  }
.Lfunc_end2:
_tile_overlayer_lowered:
.L_overlay_start_2:
0x8f: {  	(tag) =	ssettag $0x2  }
0x90: {  	s0 =	rddreg [dreg:$0x0];
	s2 =	stileid.u32  }
0x91: {  	s1 =	rddreg [dreg:$0x1];
	p0 =	sne.s32 s2, $0x0  }
0x92: {  	s3 =	rddreg [dreg:$0x2];
	[bflag:$0x3] =	sbarrier.arrive $0xFFFF;
	s2 =	simm.s32 @!p0 $0x1C03  }
0x93: {  	[timem:s3], [sflag:s2] =	dma.local @!p0 [hbm:s0], s1  }
0x94: {  	s0 =	simm.s32 @!p0 $0x3  }
0x95: {  	_ =	swait.ge @!p0 [sflag:s0], s1  }
0x96: {  	s1 =	ssub.s32 @!p0 $0x0, s1;
	[sflag:s0] =	ssyncset.done @!p0 $0x0  }
0x97: {  	[sflag:s0] =	ssyncadd.s32 @!p0 s1  }
0x98: {  	[bflag:$0x3] =	sbarrier.arrive $0xFFFF  }
0x99: {  	_ =	shalt  }

</sc_bundles>
